<compile_context>
chip_gen: v7x
topology: tpu7x:2x2x1
jax: 0.10.2.dev20260603
libtpu: 0.0.44.dev20260713+nightly
codegen_flags: <defaults>
</compile_context>

<pallas_src>
import functools

import jax
import jax.numpy as jnp
from jax import lax
from jax.experimental import pallas as pl
from jax.experimental.pallas import tpu as pltpu
from jax.experimental.pallas import tpu_sc as plsc

NROWS = 1_000_000
D = 64
NELEM = 16384 * 64
NT = 32
EPT = NELEM // NT
W = 512
NW = 1954
WLAST = 64
NBINS = 2048
CH = 8192
REGION = 40960
REGION2 = REGION * 2
PAIRS_WORDS = NT * REGION2 + 1024
TBL_WORDS = NT * NBINS
ACS = 64
ROUNDS_FULL = 61
_MESH = dict(core_axis_name="c", subcore_axis_name="s")


def _wid():
    return lax.axis_index("s") * 2 + lax.axis_index("c")


def _scan_base():
    cnt0, _ = plsc.scan_count(jnp.zeros((16,), jnp.int32))
    return jnp.min(cnt0)


def _partition_body(idx_hbm, src_hbm, pairs_out, tbl_out,
                    idx_chunk, src_chunk, hist, cursor, packbuf, part_buf):
    wid = _wid()
    base = wid * EPT
    iota16 = lax.iota(jnp.int32, 16)
    cbase = _scan_base()

    zero16 = jnp.zeros((16,), jnp.int32)
    for i in range(NBINS // 16):
        hist[pl.ds(i * 16, 16)] = zero16

    def hist_chunk(c, _):
        start = pl.multiple_of(base + c * CH, CH)
        pltpu.sync_copy(idx_hbm.at[pl.ds(start, CH)], idx_chunk)

        def hist_vec(v, _):
            rows = idx_chunk[pl.ds(v * 16, 16)]
            b = lax.shift_right_logical(rows, 9)
            cnt, last = plsc.scan_count(b)
            plsc.addupdate_scatter(hist, [b], cnt - cbase + 1, mask=last)
            return 0

        return lax.fori_loop(0, CH // 16, hist_vec, 0)

    lax.fori_loop(0, EPT // CH, hist_chunk, 0)

    def prefix(i, carry):
        h = hist[pl.ds(i * 16, 16)]
        rs = (h + 3) & jnp.int32(-4)
        cs = plsc.cumsum(rs)
        offs = cs - rs + carry
        cursor[pl.ds(i * 16, 16)] = offs
        packbuf[pl.ds(i * 16, 16)] = (offs << 16) | h
        return carry + jnp.sum(rs)

    lax.fori_loop(0, NBINS // 16, prefix, jnp.int32(0))
    pltpu.sync_copy(packbuf, tbl_out.at[pl.ds(pl.multiple_of(wid * NBINS, NBINS), NBINS)])

    def place_chunk(c, _):
        start = pl.multiple_of(base + c * CH, CH)
        pltpu.sync_copy(idx_hbm.at[pl.ds(start, CH)], idx_chunk)
        pltpu.sync_copy(src_hbm.at[pl.ds(start, CH)], src_chunk)

        def place_vec(v, _):
            rows = idx_chunk[pl.ds(v * 16, 16)]
            vals = src_chunk[pl.ds(v * 16, 16)]
            b = lax.shift_right_logical(rows, 9)
            cnt, last = plsc.scan_count(b)
            rank = cnt - cbase
            dest = plsc.load_gather(cursor, [b]) + rank
            j = (iota16 + v * 16) & 63
            pos = ((rows & jnp.int32(511)) << 6) | j
            plsc.store_scatter(part_buf, [dest * 2], pos)
            plsc.store_scatter(part_buf, [dest * 2 + 1],
                               plsc.bitcast(vals, jnp.int32))
            plsc.store_scatter(cursor, [b], dest + 1, mask=last)
            return 0

        return lax.fori_loop(0, CH // 16, place_vec, 0)

    lax.fori_loop(0, EPT // CH, place_chunk, 0)
    pltpu.sync_copy(part_buf, pairs_out.at[pl.ds(pl.multiple_of(wid * REGION2, 1024), REGION2)])


def _apply_body(x_hbm, pairs_hbm, tbl_hbm, out_hbm,
                xwin, tblidx, tblbuf, segbuf, chunkbuf, sem, sem2):
    wid = _wid()
    iota16 = lax.iota(jnp.int32, 16)
    cbase = _scan_base()

    def apply_vectors(buf, boff, navail):
        def vec(vi, _):
            lanes = vi * 16 + iota16
            valid = lanes < navail
            pos = plsc.load_gather(buf, [boff + lanes * 2])
            val = plsc.bitcast(
                plsc.load_gather(buf, [boff + lanes * 2 + 1]), jnp.float32)
            cnt, _last = plsc.scan_count(pos, mask=valid)
            rank = jnp.where(valid, cnt - cbase, 0)
            maxdup = jnp.max(rank)
            r = lax.shift_right_logical(pos, 6)
            c = pos & jnp.int32(63)

            def fast():
                plsc.addupdate_scatter(xwin, [r, c], val, mask=valid)

            def slow():
                def dup_round(d):
                    plsc.addupdate_scatter(
                        xwin, [r, c], val, mask=valid & (rank == d))
                    return d + 1
                lax.while_loop(lambda d: d <= maxdup, dup_round, jnp.int32(0))

            lax.cond(maxdup > 0, slow, fast)
            return 0

        nvec = (navail + 15) // 16
        lax.fori_loop(0, nvec, vec, 0)

    def do_window(w, nrows):
        tblidx[pl.ds(0, 16)] = iota16 * NBINS + w
        tblidx[pl.ds(16, 16)] = (iota16 + 16) * NBINS + w
        pltpu.async_copy(tbl_hbm.at[tblidx], tblbuf.at[pl.ds(0, NT)], sem).wait()
        rstart = pl.multiple_of(w * W, W)
        xcopy = pltpu.async_copy(x_hbm.at[pl.ds(rstart, nrows)],
                                 xwin.at[pl.ds(0, nrows)], sem)

        def fire(t, _):
            packed = tblbuf[pl.ds(t, 16)][0]
            off = lax.shift_right_logical(packed, 16)
            gbase = pl.multiple_of(t * REGION2 + off * 2, 8)
            pltpu.async_copy(pairs_hbm.at[pl.ds(gbase, ACS * 2)],
                             segbuf.at[pl.ds(t * ACS * 2, ACS * 2)], sem2)
            return 0

        lax.fori_loop(0, NT, fire, 0)
        pltpu.make_async_copy(pairs_hbm.at[pl.ds(0, NT * ACS * 2)],
                              segbuf, sem2).wait()
        xcopy.wait()

        def src_tile(t, _):
            packed = tblbuf[pl.ds(t, 16)][0]
            off = lax.shift_right_logical(packed, 16)
            size = packed & jnp.int32(0xFFFF)
            apply_vectors(segbuf, t * ACS * 2, jnp.minimum(size, ACS))
            gbase = t * REGION2 + off * 2

            def chunk_step(done):
                cstart = pl.multiple_of(gbase + done * 2, 8)
                pltpu.sync_copy(pairs_hbm.at[pl.ds(cstart, ACS * 2)], chunkbuf)
                apply_vectors(chunkbuf, 0, jnp.minimum(size - done, ACS))
                return done + ACS

            lax.while_loop(lambda d: d < size, chunk_step, jnp.int32(ACS))
            return 0

        lax.fori_loop(0, NT, src_tile, 0)
        pltpu.sync_copy(xwin.at[pl.ds(0, nrows)],
                        out_hbm.at[pl.ds(rstart, nrows)])

    def round_body(r, _):
        do_window(r * NT + wid, W)
        return 0

    lax.fori_loop(0, ROUNDS_FULL, round_body, 0)

    @pl.when(wid == 0)
    def _():
        do_window(jnp.int32(ROUNDS_FULL * NT), W)

    @pl.when(wid == 1)
    def _():
        do_window(jnp.int32(ROUNDS_FULL * NT + 1), WLAST)


@functools.partial(
    pl.kernel,
    out_type=[
        jax.ShapeDtypeStruct((PAIRS_WORDS,), jnp.int32),
        jax.ShapeDtypeStruct((TBL_WORDS,), jnp.int32),
    ],
    mesh=plsc.VectorSubcoreMesh(**_MESH),
    compiler_params=pltpu.CompilerParams(needs_layout_passes=False),
    scratch_types=[
        pltpu.VMEM((CH,), jnp.int32),
        pltpu.VMEM((CH,), jnp.float32),
        pltpu.VMEM((NBINS,), jnp.int32),
        pltpu.VMEM((NBINS,), jnp.int32),
        pltpu.VMEM((NBINS,), jnp.int32),
        pltpu.VMEM((REGION2,), jnp.int32),
    ],
)
def _partition(idx_hbm, src_hbm, pairs_out, tbl_out, *scratch):
    _partition_body(idx_hbm, src_hbm, pairs_out, tbl_out, *scratch)


@functools.partial(
    pl.kernel,
    out_type=jax.ShapeDtypeStruct((NROWS, D), jnp.float32),
    mesh=plsc.VectorSubcoreMesh(**_MESH),
    compiler_params=pltpu.CompilerParams(needs_layout_passes=False),
    scratch_types=[
        pltpu.VMEM((W, D), jnp.float32),
        pltpu.VMEM((NT,), jnp.int32),
        pltpu.VMEM((NT + 16,), jnp.int32),
        pltpu.VMEM((NT * ACS * 2,), jnp.int32),
        pltpu.VMEM((ACS * 2,), jnp.int32),
        pltpu.SemaphoreType.DMA,
        pltpu.SemaphoreType.DMA,
    ],
)
def _apply(x_hbm, pairs_hbm, tbl_hbm, out_hbm, *scratch):
    _apply_body(x_hbm, pairs_hbm, tbl_hbm, out_hbm, *scratch)


def kernel(x, dim, index, src):
    del dim
    idx_flat = index.reshape(-1).astype(jnp.int32)
    src_flat = src.reshape(-1)
    pairs, tbl = _partition(idx_flat, src_flat)
    return _apply(x, pairs, tbl)

# --- scband reference (transcript-rebuilt; emitter-appended) ---
"""Pipeline reference for scband-torch-ops-aten-scatter-add-module-53987738910846 (READ-ONLY COPY).

The authoritative reference and input builder live on the scoring server;
editing this copy changes nothing except your own understanding.
"""

import jax, jax.numpy as jnp
import numpy as np


def setup_inputs(seed: int = 0) -> dict:
    key = jax.random.key(seed)
    k1, k2, k3 = jax.random.split(key, 3)
    x = jax.random.normal(k1, (1000000, 64), dtype=jnp.float32)
    index = jax.random.randint(k2, (16384, 64), 0, 1000000)
    src = jax.random.normal(k3, (16384, 64), dtype=jnp.float32)
    return {"x": x, "dim": 0, "index": index, "src": src}


def reference(x, dim, index, src):
    # torch.ops.aten.scatter_add_(x, dim=0, index, src):
    # out[index[i, j], j] += src[i, j]
    # index and src have the same shape; index values < x.shape[dim].
    B, D = index.shape
    cols = jnp.broadcast_to(jnp.arange(D, dtype=index.dtype)[None, :], (B, D))
    out = x.at[index, cols].add(src)
    return out

if __name__ == "__main__":
    import jax
    _d = setup_inputs()
    print(jax.jit(kernel)(*tuple(_d.values())))

</pallas_src>

<mosaic_0001>
#map = affine_map<(d0, d1) -> (0)>
module attributes {stable_mosaic.version = 14 : i64} {
  func.func @_partition(%arg0: i32, %arg1: i32, %arg2: memref<1048576xi32, #tpu.memory_space<hbm>>, %arg3: memref<1048576xf32, #tpu.memory_space<hbm>>, %arg4: memref<2622464xi32, #tpu.memory_space<hbm>>, %arg5: memref<65536xi32, #tpu.memory_space<hbm>>, %arg6: memref<8192xi32, #tpu.memory_space<vmem>>, %arg7: memref<8192xf32, #tpu.memory_space<vmem>>, %arg8: memref<2048xi32, #tpu.memory_space<vmem>>, %arg9: memref<2048xi32, #tpu.memory_space<vmem>>, %arg10: memref<2048xi32, #tpu.memory_space<vmem>>, %arg11: memref<81920xi32, #tpu.memory_space<vmem>>) attributes {dimension_semantics = [#tpu.dimension_semantics<core_parallel>, #tpu.dimension_semantics<subcore_parallel>], iteration_bounds = array<i64: 2, 16>, scalar_prefetch = 0 : i64, scratch_operands = 6 : i64, tpu.core_type = #tpu.core_type<sc_vector_subcore>, window_params = [{transform_indices = #map}, {transform_indices = #map}, {transform_indices = #map}, {transform_indices = #map}]} {
    %mul3A = arith.constant 2 : i32
    %mul3A_0 = arith.muli %arg1, %mul3A : i32
    %add3A = arith.addi %mul3A_0, %arg0 : i32
    %mul3A_1 = arith.constant 32768 : i32
    %mul3A_2 = arith.muli %add3A, %mul3A_1 : i32
    %iota3A = tpu.iota {dimensions = array<i32: 0>} : vector<16xi32>
    %broadcast_in_dim3A = arith.constant 0 : i32
    %broadcast_in_dim3A_3 = vector.broadcast %broadcast_in_dim3A : i32 to vector<16xi32>
    %broadcast_in_dim3A_4 = arith.constant true
    %broadcast_in_dim3A_5 = vector.broadcast %broadcast_in_dim3A_4 : i1 to vector<16xi1>
    %unique3A, %unique3A_6 = tpu.scan_count mask(%broadcast_in_dim3A_5 : vector<16xi1>) value(%broadcast_in_dim3A_3 : vector<16xi32>) : vector<16xi1>, vector<16xi32>
    %reduce_min3A = arith.constant true
    %reduce_min3A_7 = vector.broadcast %reduce_min3A : i1 to vector<16xi1>
    %reduce_min3A_8 = arith.constant -2147483648 : i32
    %reduce_min3A_9 = vector.broadcast %reduce_min3A_8 : i32 to vector<16xi32>
    %reduce_min3A_10 = arith.xori %unique3A_6, %reduce_min3A_9 : vector<16xi32>
    %reduce_min3A_11 = tpu.scan <min>, %reduce_min3A_10 masked %reduce_min3A_7 : vector<16xi32>, vector<16xi1> -> vector<16xi32>
    %reduce_min3A_12 = arith.xori %reduce_min3A_11, %reduce_min3A_9 : vector<16xi32>
    %reduce_min3A_13 = vector.extract %reduce_min3A_12[15] : i32 from vector<16xi32>
    %broadcast_in_dim3A_14 = arith.constant 0 : i32
    %broadcast_in_dim3A_15 = vector.broadcast %broadcast_in_dim3A_14 : i32 to vector<16xi32>
    %swap3A = arith.constant 0 : index
    %swap3A_16 = tpu.vector_load %arg8[%swap3A] {strides = array<i32>} : memref<2048xi32, #tpu.memory_space<vmem>>, vector<16xi32>,
    tpu.vector_store %arg8[%swap3A], %broadcast_in_dim3A_15 {strides = array<i32>} : memref<2048xi32, #tpu.memory_space<vmem>>, vector<16xi32>,
    %swap3A_17 = arith.constant 16 : index
    %swap3A_18 = tpu.vector_load %arg8[%swap3A_17] {strides = array<i32>} : memref<2048xi32, #tpu.memory_space<vmem>>, vector<16xi32>,
    tpu.vector_store %arg8[%swap3A_17], %broadcast_in_dim3A_15 {strides = array<i32>} : memref<2048xi32, #tpu.memory_space<vmem>>, vector<16xi32>,
    %swap3A_19 = arith.constant 32 : index
    %swap3A_20 = tpu.vector_load %arg8[%swap3A_19] {strides = array<i32>} : memref<2048xi32, #tpu.memory_space<vmem>>, vector<16xi32>,
    tpu.vector_store %arg8[%swap3A_19], %broadcast_in_dim3A_15 {strides = array<i32>} : memref<2048xi32, #tpu.memory_space<vmem>>, vector<16xi32>,
    %swap3A_21 = arith.constant 48 : index
    %swap3A_22 = tpu.vector_load %arg8[%swap3A_21] {strides = array<i32>} : memref<2048xi32, #tpu.memory_space<vmem>>, vector<16xi32>,
    tpu.vector_store %arg8[%swap3A_21], %broadcast_in_dim3A_15 {strides = array<i32>} : memref<2048xi32, #tpu.memory_space<vmem>>, vector<16xi32>,
    %swap3A_23 = arith.constant 64 : index
    %swap3A_24 = tpu.vector_load %arg8[%swap3A_23] {strides = array<i32>} : memref<2048xi32, #tpu.memory_space<vmem>>, vector<16xi32>,
    tpu.vector_store %arg8[%swap3A_23], %broadcast_in_dim3A_15 {strides = array<i32>} : memref<2048xi32, #tpu.memory_space<vmem>>, vector<16xi32>,
    %swap3A_25 = arith.constant 80 : index
    %swap3A_26 = tpu.vector_load %arg8[%swap3A_25] {strides = array<i32>} : memref<2048xi32, #tpu.memory_space<vmem>>, vector<16xi32>,
    tpu.vector_store %arg8[%swap3A_25], %broadcast_in_dim3A_15 {strides = array<i32>} : memref<2048xi32, #tpu.memory_space<vmem>>, vector<16xi32>,
    %swap3A_27 = arith.constant 96 : index
    %swap3A_28 = tpu.vector_load %arg8[%swap3A_27] {strides = array<i32>} : memref<2048xi32, #tpu.memory_space<vmem>>, vector<16xi32>,
    tpu.vector_store %arg8[%swap3A_27], %broadcast_in_dim3A_15 {strides = array<i32>} : memref<2048xi32, #tpu.memory_space<vmem>>, vector<16xi32>,
    %swap3A_29 = arith.constant 112 : index
    %swap3A_30 = tpu.vector_load %arg8[%swap3A_29] {strides = array<i32>} : memref<2048xi32, #tpu.memory_space<vmem>>, vector<16xi32>,
    tpu.vector_store %arg8[%swap3A_29], %broadcast_in_dim3A_15 {strides = array<i32>} : memref<2048xi32, #tpu.memory_space<vmem>>, vector<16xi32>,
    %swap3A_31 = arith.constant 128 : index
    %swap3A_32 = tpu.vector_load %arg8[%swap3A_31] {strides = array<i32>} : memref<2048xi32, #tpu.memory_space<vmem>>, vector<16xi32>,
    tpu.vector_store %arg8[%swap3A_31], %broadcast_in_dim3A_15 {strides = array<i32>} : memref<2048xi32, #tpu.memory_space<vmem>>, vector<16xi32>,
    %swap3A_33 = arith.constant 144 : index
    %swap3A_34 = tpu.vector_load %arg8[%swap3A_33] {strides = array<i32>} : memref<2048xi32, #tpu.memory_space<vmem>>, vector<16xi32>,
    tpu.vector_store %arg8[%swap3A_33], %broadcast_in_dim3A_15 {strides = array<i32>} : memref<2048xi32, #tpu.memory_space<vmem>>, vector<16xi32>,
    %swap3A_35 = arith.constant 160 : index
    %swap3A_36 = tpu.vector_load %arg8[%swap3A_35] {strides = array<i32>} : memref<2048xi32, #tpu.memory_space<vmem>>, vector<16xi32>,
    tpu.vector_store %arg8[%swap3A_35], %broadcast_in_dim3A_15 {strides = array<i32>} : memref<2048xi32, #tpu.memory_space<vmem>>, vector<16xi32>,
    %swap3A_37 = arith.constant 176 : index
    %swap3A_38 = tpu.vector_load %arg8[%swap3A_37] {strides = array<i32>} : memref<2048xi32, #tpu.memory_space<vmem>>, vector<16xi32>,
    tpu.vector_store %arg8[%swap3A_37], %broadcast_in_dim3A_15 {strides = array<i32>} : memref<2048xi32, #tpu.memory_space<vmem>>, vector<16xi32>,
    %swap3A_39 = arith.constant 192 : index
    %swap3A_40 = tpu.vector_load %arg8[%swap3A_39] {strides = array<i32>} : memref<2048xi32, #tpu.memory_space<vmem>>, vector<16xi32>,
    tpu.vector_store %arg8[%swap3A_39], %broadcast_in_dim3A_15 {strides = array<i32>} : memref<2048xi32, #tpu.memory_space<vmem>>, vector<16xi32>,
    %swap3A_41 = arith.constant 208 : index
    %swap3A_42 = tpu.vector_load %arg8[%swap3A_41] {strides = array<i32>} : memref<2048xi32, #tpu.memory_space<vmem>>, vector<16xi32>,
    tpu.vector_store %arg8[%swap3A_41], %broadcast_in_dim3A_15 {strides = array<i32>} : memref<2048xi32, #tpu.memory_space<vmem>>, vector<16xi32>,
    %swap3A_43 = arith.constant 224 : index
    %swap3A_44 = tpu.vector_load %arg8[%swap3A_43] {strides = array<i32>} : memref<2048xi32, #tpu.memory_space<vmem>>, vector<16xi32>,
    tpu.vector_store %arg8[%swap3A_43], %broadcast_in_dim3A_15 {strides = array<i32>} : memref<2048xi32, #tpu.memory_space<vmem>>, vector<16xi32>,
    %swap3A_45 = arith.constant 240 : index
    %swap3A_46 = tpu.vector_load %arg8[%swap3A_45] {strides = array<i32>} : memref<2048xi32, #tpu.memory_space<vmem>>, vector<16xi32>,
    tpu.vector_store %arg8[%swap3A_45], %broadcast_in_dim3A_15 {strides = array<i32>} : memref<2048xi32, #tpu.memory_space<vmem>>, vector<16xi32>,
    %swap3A_47 = arith.constant 256 : index
    %swap3A_48 = tpu.vector_load %arg8[%swap3A_47] {strides = array<i32>} : memref<2048xi32, #tpu.memory_space<vmem>>, vector<16xi32>,
    tpu.vector_store %arg8[%swap3A_47], %broadcast_in_dim3A_15 {strides = array<i32>} : memref<2048xi32, #tpu.memory_space<vmem>>, vector<16xi32>,
    %swap3A_49 = arith.constant 272 : index
    %swap3A_50 = tpu.vector_load %arg8[%swap3A_49] {strides = array<i32>} : memref<2048xi32, #tpu.memory_space<vmem>>, vector<16xi32>,
    tpu.vector_store %arg8[%swap3A_49], %broadcast_in_dim3A_15 {strides = array<i32>} : memref<2048xi32, #tpu.memory_space<vmem>>, vector<16xi32>,
    %swap3A_51 = arith.constant 288 : index
    %swap3A_52 = tpu.vector_load %arg8[%swap3A_51] {strides = array<i32>} : memref<2048xi32, #tpu.memory_space<vmem>>, vector<16xi32>,
    tpu.vector_store %arg8[%swap3A_51], %broadcast_in_dim3A_15 {strides = array<i32>} : memref<2048xi32, #tpu.memory_space<vmem>>, vector<16xi32>,
    %swap3A_53 = arith.constant 304 : index
    %swap3A_54 = tpu.vector_load %arg8[%swap3A_53] {strides = array<i32>} : memref<2048xi32, #tpu.memory_space<vmem>>, vector<16xi32>,
    tpu.vector_store %arg8[%swap3A_53], %broadcast_in_dim3A_15 {strides = array<i32>} : memref<2048xi32, #tpu.memory_space<vmem>>, vector<16xi32>,
    %swap3A_55 = arith.constant 320 : index
    %swap3A_56 = tpu.vector_load %arg8[%swap3A_55] {strides = array<i32>} : memref<2048xi32, #tpu.memory_space<vmem>>, vector<16xi32>,
    tpu.vector_store %arg8[%swap3A_55], %broadcast_in_dim3A_15 {strides = array<i32>} : memref<2048xi32, #tpu.memory_space<vmem>>, vector<16xi32>,
    %swap3A_57 = arith.constant 336 : index
    %swap3A_58 = tpu.vector_load %arg8[%swap3A_57] {strides = array<i32>} : memref<2048xi32, #tpu.memory_space<vmem>>, vector<16xi32>,
    tpu.vector_store %arg8[%swap3A_57], %broadcast_in_dim3A_15 {strides = array<i32>} : memref<2048xi32, #tpu.memory_space<vmem>>, vector<16xi32>,
    %swap3A_59 = arith.constant 352 : index
    %swap3A_60 = tpu.vector_load %arg8[%swap3A_59] {strides = array<i32>} : memref<2048xi32, #tpu.memory_space<vmem>>, vector<16xi32>,
    tpu.vector_store %arg8[%swap3A_59], %broadcast_in_dim3A_15 {strides = array<i32>} : memref<2048xi32, #tpu.memory_space<vmem>>, vector<16xi32>,
    %swap3A_61 = arith.constant 368 : index
    %swap3A_62 = tpu.vector_load %arg8[%swap3A_61] {strides = array<i32>} : memref<2048xi32, #tpu.memory_space<vmem>>, vector<16xi32>,
    tpu.vector_store %arg8[%swap3A_61], %broadcast_in_dim3A_15 {strides = array<i32>} : memref<2048xi32, #tpu.memory_space<vmem>>, vector<16xi32>,
    %swap3A_63 = arith.constant 384 : index
    %swap3A_64 = tpu.vector_load %arg8[%swap3A_63] {strides = array<i32>} : memref<2048xi32, #tpu.memory_space<vmem>>, vector<16xi32>,
    tpu.vector_store %arg8[%swap3A_63], %broadcast_in_dim3A_15 {strides = array<i32>} : memref<2048xi32, #tpu.memory_space<vmem>>, vector<16xi32>,
    %swap3A_65 = arith.constant 400 : index
    %swap3A_66 = tpu.vector_load %arg8[%swap3A_65] {strides = array<i32>} : memref<2048xi32, #tpu.memory_space<vmem>>, vector<16xi32>,
    tpu.vector_store %arg8[%swap3A_65], %broadcast_in_dim3A_15 {strides = array<i32>} : memref<2048xi32, #tpu.memory_space<vmem>>, vector<16xi32>,
    %swap3A_67 = arith.constant 416 : index
    %swap3A_68 = tpu.vector_load %arg8[%swap3A_67] {strides = array<i32>} : memref<2048xi32, #tpu.memory_space<vmem>>, vector<16xi32>,
    tpu.vector_store %arg8[%swap3A_67], %broadcast_in_dim3A_15 {strides = array<i32>} : memref<2048xi32, #tpu.memory_space<vmem>>, vector<16xi32>,
    %swap3A_69 = arith.constant 432 : index
    %swap3A_70 = tpu.vector_load %arg8[%swap3A_69] {strides = array<i32>} : memref<2048xi32, #tpu.memory_space<vmem>>, vector<16xi32>,
    tpu.vector_store %arg8[%swap3A_69], %broadcast_in_dim3A_15 {strides = array<i32>} : memref<2048xi32, #tpu.memory_space<vmem>>, vector<16xi32>,
    %swap3A_71 = arith.constant 448 : index
    %swap3A_72 = tpu.vector_load %arg8[%swap3A_71] {strides = array<i32>} : memref<2048xi32, #tpu.memory_space<vmem>>, vector<16xi32>,
    tpu.vector_store %arg8[%swap3A_71], %broadcast_in_dim3A_15 {strides = array<i32>} : memref<2048xi32, #tpu.memory_space<vmem>>, vector<16xi32>,
    %swap3A_73 = arith.constant 464 : index
    %swap3A_74 = tpu.vector_load %arg8[%swap3A_73] {strides = array<i32>} : memref<2048xi32, #tpu.memory_space<vmem>>, vector<16xi32>,
    tpu.vector_store %arg8[%swap3A_73], %broadcast_in_dim3A_15 {strides = array<i32>} : memref<2048xi32, #tpu.memory_space<vmem>>, vector<16xi32>,
    %swap3A_75 = arith.constant 480 : index
    %swap3A_76 = tpu.vector_load %arg8[%swap3A_75] {strides = array<i32>} : memref<2048xi32, #tpu.memory_space<vmem>>, vector<16xi32>,
    tpu.vector_store %arg8[%swap3A_75], %broadcast_in_dim3A_15 {strides = array<i32>} : memref<2048xi32, #tpu.memory_space<vmem>>, vector<16xi32>,
    %swap3A_77 = arith.constant 496 : index
    %swap3A_78 = tpu.vector_load %arg8[%swap3A_77] {strides = array<i32>} : memref<2048xi32, #tpu.memory_space<vmem>>, vector<16xi32>,
    tpu.vector_store %arg8[%swap3A_77], %broadcast_in_dim3A_15 {strides = array<i32>} : memref<2048xi32, #tpu.memory_space<vmem>>, vector<16xi32>,
    %swap3A_79 = arith.constant 512 : index
    %swap3A_80 = tpu.vector_load %arg8[%swap3A_79] {strides = array<i32>} : memref<2048xi32, #tpu.memory_space<vmem>>, vector<16xi32>,
    tpu.vector_store %arg8[%swap3A_79], %broadcast_in_dim3A_15 {strides = array<i32>} : memref<2048xi32, #tpu.memory_space<vmem>>, vector<16xi32>,
    %swap3A_81 = arith.constant 528 : index
    %swap3A_82 = tpu.vector_load %arg8[%swap3A_81] {strides = array<i32>} : memref<2048xi32, #tpu.memory_space<vmem>>, vector<16xi32>,
    tpu.vector_store %arg8[%swap3A_81], %broadcast_in_dim3A_15 {strides = array<i32>} : memref<2048xi32, #tpu.memory_space<vmem>>, vector<16xi32>,
    %swap3A_83 = arith.constant 544 : index
    %swap3A_84 = tpu.vector_load %arg8[%swap3A_83] {strides = array<i32>} : memref<2048xi32, #tpu.memory_space<vmem>>, vector<16xi32>,
    tpu.vector_store %arg8[%swap3A_83], %broadcast_in_dim3A_15 {strides = array<i32>} : memref<2048xi32, #tpu.memory_space<vmem>>, vector<16xi32>,
    %swap3A_85 = arith.constant 560 : index
    %swap3A_86 = tpu.vector_load %arg8[%swap3A_85] {strides = array<i32>} : memref<2048xi32, #tpu.memory_space<vmem>>, vector<16xi32>,
    tpu.vector_store %arg8[%swap3A_85], %broadcast_in_dim3A_15 {strides = array<i32>} : memref<2048xi32, #tpu.memory_space<vmem>>, vector<16xi32>,
    %swap3A_87 = arith.constant 576 : index
    %swap3A_88 = tpu.vector_load %arg8[%swap3A_87] {strides = array<i32>} : memref<2048xi32, #tpu.memory_space<vmem>>, vector<16xi32>,
    tpu.vector_store %arg8[%swap3A_87], %broadcast_in_dim3A_15 {strides = array<i32>} : memref<2048xi32, #tpu.memory_space<vmem>>, vector<16xi32>,
    %swap3A_89 = arith.constant 592 : index
    %swap3A_90 = tpu.vector_load %arg8[%swap3A_89] {strides = array<i32>} : memref<2048xi32, #tpu.memory_space<vmem>>, vector<16xi32>,
    tpu.vector_store %arg8[%swap3A_89], %broadcast_in_dim3A_15 {strides = array<i32>} : memref<2048xi32, #tpu.memory_space<vmem>>, vector<16xi32>,
    %swap3A_91 = arith.constant 608 : index
    %swap3A_92 = tpu.vector_load %arg8[%swap3A_91] {strides = array<i32>} : memref<2048xi32, #tpu.memory_space<vmem>>, vector<16xi32>,
    tpu.vector_store %arg8[%swap3A_91], %broadcast_in_dim3A_15 {strides = array<i32>} : memref<2048xi32, #tpu.memory_space<vmem>>, vector<16xi32>,
    %swap3A_93 = arith.constant 624 : index
    %swap3A_94 = tpu.vector_load %arg8[%swap3A_93] {strides = array<i32>} : memref<2048xi32, #tpu.memory_space<vmem>>, vector<16xi32>,
    tpu.vector_store %arg8[%swap3A_93], %broadcast_in_dim3A_15 {strides = array<i32>} : memref<2048xi32, #tpu.memory_space<vmem>>, vector<16xi32>,
    %swap3A_95 = arith.constant 640 : index
    %swap3A_96 = tpu.vector_load %arg8[%swap3A_95] {strides = array<i32>} : memref<2048xi32, #tpu.memory_space<vmem>>, vector<16xi32>,
    tpu.vector_store %arg8[%swap3A_95], %broadcast_in_dim3A_15 {strides = array<i32>} : memref<2048xi32, #tpu.memory_space<vmem>>, vector<16xi32>,
    %swap3A_97 = arith.constant 656 : index
    %swap3A_98 = tpu.vector_load %arg8[%swap3A_97] {strides = array<i32>} : memref<2048xi32, #tpu.memory_space<vmem>>, vector<16xi32>,
    tpu.vector_store %arg8[%swap3A_97], %broadcast_in_dim3A_15 {strides = array<i32>} : memref<2048xi32, #tpu.memory_space<vmem>>, vector<16xi32>,
    %swap3A_99 = arith.constant 672 : index
    %swap3A_100 = tpu.vector_load %arg8[%swap3A_99] {strides = array<i32>} : memref<2048xi32, #tpu.memory_space<vmem>>, vector<16xi32>,
    tpu.vector_store %arg8[%swap3A_99], %broadcast_in_dim3A_15 {strides = array<i32>} : memref<2048xi32, #tpu.memory_space<vmem>>, vector<16xi32>,
    %swap3A_101 = arith.constant 688 : index
    %swap3A_102 = tpu.vector_load %arg8[%swap3A_101] {strides = array<i32>} : memref<2048xi32, #tpu.memory_space<vmem>>, vector<16xi32>,
    tpu.vector_store %arg8[%swap3A_101], %broadcast_in_dim3A_15 {strides = array<i32>} : memref<2048xi32, #tpu.memory_space<vmem>>, vector<16xi32>,
    %swap3A_103 = arith.constant 704 : index
    %swap3A_104 = tpu.vector_load %arg8[%swap3A_103] {strides = array<i32>} : memref<2048xi32, #tpu.memory_space<vmem>>, vector<16xi32>,
    tpu.vector_store %arg8[%swap3A_103], %broadcast_in_dim3A_15 {strides = array<i32>} : memref<2048xi32, #tpu.memory_space<vmem>>, vector<16xi32>,
    %swap3A_105 = arith.constant 720 : index
    %swap3A_106 = tpu.vector_load %arg8[%swap3A_105] {strides = array<i32>} : memref<2048xi32, #tpu.memory_space<vmem>>, vector<16xi32>,
    tpu.vector_store %arg8[%swap3A_105], %broadcast_in_dim3A_15 {strides = array<i32>} : memref<2048xi32, #tpu.memory_space<vmem>>, vector<16xi32>,
    %swap3A_107 = arith.constant 736 : index
    %swap3A_108 = tpu.vector_load %arg8[%swap3A_107] {strides = array<i32>} : memref<2048xi32, #tpu.memory_space<vmem>>, vector<16xi32>,
    tpu.vector_store %arg8[%swap3A_107], %broadcast_in_dim3A_15 {strides = array<i32>} : memref<2048xi32, #tpu.memory_space<vmem>>, vector<16xi32>,
    %swap3A_109 = arith.constant 752 : index
    %swap3A_110 = tpu.vector_load %arg8[%swap3A_109] {strides = array<i32>} : memref<2048xi32, #tpu.memory_space<vmem>>, vector<16xi32>,
    tpu.vector_store %arg8[%swap3A_109], %broadcast_in_dim3A_15 {strides = array<i32>} : memref<2048xi32, #tpu.memory_space<vmem>>, vector<16xi32>,
    %swap3A_111 = arith.constant 768 : index
    %swap3A_112 = tpu.vector_load %arg8[%swap3A_111] {strides = array<i32>} : memref<2048xi32, #tpu.memory_space<vmem>>, vector<16xi32>,
    tpu.vector_store %arg8[%swap3A_111], %broadcast_in_dim3A_15 {strides = array<i32>} : memref<2048xi32, #tpu.memory_space<vmem>>, vector<16xi32>,
    %swap3A_113 = arith.constant 784 : index
    %swap3A_114 = tpu.vector_load %arg8[%swap3A_113] {strides = array<i32>} : memref<2048xi32, #tpu.memory_space<vmem>>, vector<16xi32>,
    tpu.vector_store %arg8[%swap3A_113], %broadcast_in_dim3A_15 {strides = array<i32>} : memref<2048xi32, #tpu.memory_space<vmem>>, vector<16xi32>,
    %swap3A_115 = arith.constant 800 : index
    %swap3A_116 = tpu.vector_load %arg8[%swap3A_115] {strides = array<i32>} : memref<2048xi32, #tpu.memory_space<vmem>>, vector<16xi32>,
    tpu.vector_store %arg8[%swap3A_115], %broadcast_in_dim3A_15 {strides = array<i32>} : memref<2048xi32, #tpu.memory_space<vmem>>, vector<16xi32>,
    %swap3A_117 = arith.constant 816 : index
    %swap3A_118 = tpu.vector_load %arg8[%swap3A_117] {strides = array<i32>} : memref<2048xi32, #tpu.memory_space<vmem>>, vector<16xi32>,
    tpu.vector_store %arg8[%swap3A_117], %broadcast_in_dim3A_15 {strides = array<i32>} : memref<2048xi32, #tpu.memory_space<vmem>>, vector<16xi32>,
    %swap3A_119 = arith.constant 832 : index
    %swap3A_120 = tpu.vector_load %arg8[%swap3A_119] {strides = array<i32>} : memref<2048xi32, #tpu.memory_space<vmem>>, vector<16xi32>,
    tpu.vector_store %arg8[%swap3A_119], %broadcast_in_dim3A_15 {strides = array<i32>} : memref<2048xi32, #tpu.memory_space<vmem>>, vector<16xi32>,
    %swap3A_121 = arith.constant 848 : index
    %swap3A_122 = tpu.vector_load %arg8[%swap3A_121] {strides = array<i32>} : memref<2048xi32, #tpu.memory_space<vmem>>, vector<16xi32>,
    tpu.vector_store %arg8[%swap3A_121], %broadcast_in_dim3A_15 {strides = array<i32>} : memref<2048xi32, #tpu.memory_space<vmem>>, vector<16xi32>,
    %swap3A_123 = arith.constant 864 : index
    %swap3A_124 = tpu.vector_load %arg8[%swap3A_123] {strides = array<i32>} : memref<2048xi32, #tpu.memory_space<vmem>>, vector<16xi32>,
    tpu.vector_store %arg8[%swap3A_123], %broadcast_in_dim3A_15 {strides = array<i32>} : memref<2048xi32, #tpu.memory_space<vmem>>, vector<16xi32>,
    %swap3A_125 = arith.constant 880 : index
    %swap3A_126 = tpu.vector_load %arg8[%swap3A_125] {strides = array<i32>} : memref<2048xi32, #tpu.memory_space<vmem>>, vector<16xi32>,
    tpu.vector_store %arg8[%swap3A_125], %broadcast_in_dim3A_15 {strides = array<i32>} : memref<2048xi32, #tpu.memory_space<vmem>>, vector<16xi32>,
    %swap3A_127 = arith.constant 896 : index
    %swap3A_128 = tpu.vector_load %arg8[%swap3A_127] {strides = array<i32>} : memref<2048xi32, #tpu.memory_space<vmem>>, vector<16xi32>,
    tpu.vector_store %arg8[%swap3A_127], %broadcast_in_dim3A_15 {strides = array<i32>} : memref<2048xi32, #tpu.memory_space<vmem>>, vector<16xi32>,
    %swap3A_129 = arith.constant 912 : index
    %swap3A_130 = tpu.vector_load %arg8[%swap3A_129] {strides = array<i32>} : memref<2048xi32, #tpu.memory_space<vmem>>, vector<16xi32>,
    tpu.vector_store %arg8[%swap3A_129], %broadcast_in_dim3A_15 {strides = array<i32>} : memref<2048xi32, #tpu.memory_space<vmem>>, vector<16xi32>,
    %swap3A_131 = arith.constant 928 : index
    %swap3A_132 = tpu.vector_load %arg8[%swap3A_131] {strides = array<i32>} : memref<2048xi32, #tpu.memory_space<vmem>>, vector<16xi32>,
    tpu.vector_store %arg8[%swap3A_131], %broadcast_in_dim3A_15 {strides = array<i32>} : memref<2048xi32, #tpu.memory_space<vmem>>, vector<16xi32>,
    %swap3A_133 = arith.constant 944 : index
    %swap3A_134 = tpu.vector_load %arg8[%swap3A_133] {strides = array<i32>} : memref<2048xi32, #tpu.memory_space<vmem>>, vector<16xi32>,
    tpu.vector_store %arg8[%swap3A_133], %broadcast_in_dim3A_15 {strides = array<i32>} : memref<2048xi32, #tpu.memory_space<vmem>>, vector<16xi32>,
    %swap3A_135 = arith.constant 960 : index
    %swap3A_136 = tpu.vector_load %arg8[%swap3A_135] {strides = array<i32>} : memref<2048xi32, #tpu.memory_space<vmem>>, vector<16xi32>,
    tpu.vector_store %arg8[%swap3A_135], %broadcast_in_dim3A_15 {strides = array<i32>} : memref<2048xi32, #tpu.memory_space<vmem>>, vector<16xi32>,
    %swap3A_137 = arith.constant 976 : index
    %swap3A_138 = tpu.vector_load %arg8[%swap3A_137] {strides = array<i32>} : memref<2048xi32, #tpu.memory_space<vmem>>, vector<16xi32>,
    tpu.vector_store %arg8[%swap3A_137], %broadcast_in_dim3A_15 {strides = array<i32>} : memref<2048xi32, #tpu.memory_space<vmem>>, vector<16xi32>,
    %swap3A_139 = arith.constant 992 : index
    %swap3A_140 = tpu.vector_load %arg8[%swap3A_139] {strides = array<i32>} : memref<2048xi32, #tpu.memory_space<vmem>>, vector<16xi32>,
    tpu.vector_store %arg8[%swap3A_139], %broadcast_in_dim3A_15 {strides = array<i32>} : memref<2048xi32, #tpu.memory_space<vmem>>, vector<16xi32>,
    %swap3A_141 = arith.constant 1008 : index
    %swap3A_142 = tpu.vector_load %arg8[%swap3A_141] {strides = array<i32>} : memref<2048xi32, #tpu.memory_space<vmem>>, vector<16xi32>,
    tpu.vector_store %arg8[%swap3A_141], %broadcast_in_dim3A_15 {strides = array<i32>} : memref<2048xi32, #tpu.memory_space<vmem>>, vector<16xi32>,
    %swap3A_143 = arith.constant 1024 : index
    %swap3A_144 = tpu.vector_load %arg8[%swap3A_143] {strides = array<i32>} : memref<2048xi32, #tpu.memory_space<vmem>>, vector<16xi32>,
    tpu.vector_store %arg8[%swap3A_143], %broadcast_in_dim3A_15 {strides = array<i32>} : memref<2048xi32, #tpu.memory_space<vmem>>, vector<16xi32>,
    %swap3A_145 = arith.constant 1040 : index
    %swap3A_146 = tpu.vector_load %arg8[%swap3A_145] {strides = array<i32>} : memref<2048xi32, #tpu.memory_space<vmem>>, vector<16xi32>,
    tpu.vector_store %arg8[%swap3A_145], %broadcast_in_dim3A_15 {strides = array<i32>} : memref<2048xi32, #tpu.memory_space<vmem>>, vector<16xi32>,
    %swap3A_147 = arith.constant 1056 : index
    %swap3A_148 = tpu.vector_load %arg8[%swap3A_147] {strides = array<i32>} : memref<2048xi32, #tpu.memory_space<vmem>>, vector<16xi32>,
    tpu.vector_store %arg8[%swap3A_147], %broadcast_in_dim3A_15 {strides = array<i32>} : memref<2048xi32, #tpu.memory_space<vmem>>, vector<16xi32>,
    %swap3A_149 = arith.constant 1072 : index
    %swap3A_150 = tpu.vector_load %arg8[%swap3A_149] {strides = array<i32>} : memref<2048xi32, #tpu.memory_space<vmem>>, vector<16xi32>,
    tpu.vector_store %arg8[%swap3A_149], %broadcast_in_dim3A_15 {strides = array<i32>} : memref<2048xi32, #tpu.memory_space<vmem>>, vector<16xi32>,
    %swap3A_151 = arith.constant 1088 : index
    %swap3A_152 = tpu.vector_load %arg8[%swap3A_151] {strides = array<i32>} : memref<2048xi32, #tpu.memory_space<vmem>>, vector<16xi32>,
    tpu.vector_store %arg8[%swap3A_151], %broadcast_in_dim3A_15 {strides = array<i32>} : memref<2048xi32, #tpu.memory_space<vmem>>, vector<16xi32>,
    %swap3A_153 = arith.constant 1104 : index
    %swap3A_154 = tpu.vector_load %arg8[%swap3A_153] {strides = array<i32>} : memref<2048xi32, #tpu.memory_space<vmem>>, vector<16xi32>,
    tpu.vector_store %arg8[%swap3A_153], %broadcast_in_dim3A_15 {strides = array<i32>} : memref<2048xi32, #tpu.memory_space<vmem>>, vector<16xi32>,
    %swap3A_155 = arith.constant 1120 : index
    %swap3A_156 = tpu.vector_load %arg8[%swap3A_155] {strides = array<i32>} : memref<2048xi32, #tpu.memory_space<vmem>>, vector<16xi32>,
    tpu.vector_store %arg8[%swap3A_155], %broadcast_in_dim3A_15 {strides = array<i32>} : memref<2048xi32, #tpu.memory_space<vmem>>, vector<16xi32>,
    %swap3A_157 = arith.constant 1136 : index
    %swap3A_158 = tpu.vector_load %arg8[%swap3A_157] {strides = array<i32>} : memref<2048xi32, #tpu.memory_space<vmem>>, vector<16xi32>,
    tpu.vector_store %arg8[%swap3A_157], %broadcast_in_dim3A_15 {strides = array<i32>} : memref<2048xi32, #tpu.memory_space<vmem>>, vector<16xi32>,
    %swap3A_159 = arith.constant 1152 : index
    %swap3A_160 = tpu.vector_load %arg8[%swap3A_159] {strides = array<i32>} : memref<2048xi32, #tpu.memory_space<vmem>>, vector<16xi32>,
    tpu.vector_store %arg8[%swap3A_159], %broadcast_in_dim3A_15 {strides = array<i32>} : memref<2048xi32, #tpu.memory_space<vmem>>, vector<16xi32>,
    %swap3A_161 = arith.constant 1168 : index
    %swap3A_162 = tpu.vector_load %arg8[%swap3A_161] {strides = array<i32>} : memref<2048xi32, #tpu.memory_space<vmem>>, vector<16xi32>,
    tpu.vector_store %arg8[%swap3A_161], %broadcast_in_dim3A_15 {strides = array<i32>} : memref<2048xi32, #tpu.memory_space<vmem>>, vector<16xi32>,
    %swap3A_163 = arith.constant 1184 : index
    %swap3A_164 = tpu.vector_load %arg8[%swap3A_163] {strides = array<i32>} : memref<2048xi32, #tpu.memory_space<vmem>>, vector<16xi32>,
    tpu.vector_store %arg8[%swap3A_163], %broadcast_in_dim3A_15 {strides = array<i32>} : memref<2048xi32, #tpu.memory_space<vmem>>, vector<16xi32>,
    %swap3A_165 = arith.constant 1200 : index
    %swap3A_166 = tpu.vector_load %arg8[%swap3A_165] {strides = array<i32>} : memref<2048xi32, #tpu.memory_space<vmem>>, vector<16xi32>,
    tpu.vector_store %arg8[%swap3A_165], %broadcast_in_dim3A_15 {strides = array<i32>} : memref<2048xi32, #tpu.memory_space<vmem>>, vector<16xi32>,
    %swap3A_167 = arith.constant 1216 : index
    %swap3A_168 = tpu.vector_load %arg8[%swap3A_167] {strides = array<i32>} : memref<2048xi32, #tpu.memory_space<vmem>>, vector<16xi32>,
    tpu.vector_store %arg8[%swap3A_167], %broadcast_in_dim3A_15 {strides = array<i32>} : memref<2048xi32, #tpu.memory_space<vmem>>, vector<16xi32>,
    %swap3A_169 = arith.constant 1232 : index
    %swap3A_170 = tpu.vector_load %arg8[%swap3A_169] {strides = array<i32>} : memref<2048xi32, #tpu.memory_space<vmem>>, vector<16xi32>,
    tpu.vector_store %arg8[%swap3A_169], %broadcast_in_dim3A_15 {strides = array<i32>} : memref<2048xi32, #tpu.memory_space<vmem>>, vector<16xi32>,
    %swap3A_171 = arith.constant 1248 : index
    %swap3A_172 = tpu.vector_load %arg8[%swap3A_171] {strides = array<i32>} : memref<2048xi32, #tpu.memory_space<vmem>>, vector<16xi32>,
    tpu.vector_store %arg8[%swap3A_171], %broadcast_in_dim3A_15 {strides = array<i32>} : memref<2048xi32, #tpu.memory_space<vmem>>, vector<16xi32>,
    %swap3A_173 = arith.constant 1264 : index
    %swap3A_174 = tpu.vector_load %arg8[%swap3A_173] {strides = array<i32>} : memref<2048xi32, #tpu.memory_space<vmem>>, vector<16xi32>,
    tpu.vector_store %arg8[%swap3A_173], %broadcast_in_dim3A_15 {strides = array<i32>} : memref<2048xi32, #tpu.memory_space<vmem>>, vector<16xi32>,
    %swap3A_175 = arith.constant 1280 : index
    %swap3A_176 = tpu.vector_load %arg8[%swap3A_175] {strides = array<i32>} : memref<2048xi32, #tpu.memory_space<vmem>>, vector<16xi32>,
    tpu.vector_store %arg8[%swap3A_175], %broadcast_in_dim3A_15 {strides = array<i32>} : memref<2048xi32, #tpu.memory_space<vmem>>, vector<16xi32>,
    %swap3A_177 = arith.constant 1296 : index
    %swap3A_178 = tpu.vector_load %arg8[%swap3A_177] {strides = array<i32>} : memref<2048xi32, #tpu.memory_space<vmem>>, vector<16xi32>,
    tpu.vector_store %arg8[%swap3A_177], %broadcast_in_dim3A_15 {strides = array<i32>} : memref<2048xi32, #tpu.memory_space<vmem>>, vector<16xi32>,
    %swap3A_179 = arith.constant 1312 : index
    %swap3A_180 = tpu.vector_load %arg8[%swap3A_179] {strides = array<i32>} : memref<2048xi32, #tpu.memory_space<vmem>>, vector<16xi32>,
    tpu.vector_store %arg8[%swap3A_179], %broadcast_in_dim3A_15 {strides = array<i32>} : memref<2048xi32, #tpu.memory_space<vmem>>, vector<16xi32>,
    %swap3A_181 = arith.constant 1328 : index
    %swap3A_182 = tpu.vector_load %arg8[%swap3A_181] {strides = array<i32>} : memref<2048xi32, #tpu.memory_space<vmem>>, vector<16xi32>,
    tpu.vector_store %arg8[%swap3A_181], %broadcast_in_dim3A_15 {strides = array<i32>} : memref<2048xi32, #tpu.memory_space<vmem>>, vector<16xi32>,
    %swap3A_183 = arith.constant 1344 : index
    %swap3A_184 = tpu.vector_load %arg8[%swap3A_183] {strides = array<i32>} : memref<2048xi32, #tpu.memory_space<vmem>>, vector<16xi32>,
    tpu.vector_store %arg8[%swap3A_183], %broadcast_in_dim3A_15 {strides = array<i32>} : memref<2048xi32, #tpu.memory_space<vmem>>, vector<16xi32>,
    %swap3A_185 = arith.constant 1360 : index
    %swap3A_186 = tpu.vector_load %arg8[%swap3A_185] {strides = array<i32>} : memref<2048xi32, #tpu.memory_space<vmem>>, vector<16xi32>,
    tpu.vector_store %arg8[%swap3A_185], %broadcast_in_dim3A_15 {strides = array<i32>} : memref<2048xi32, #tpu.memory_space<vmem>>, vector<16xi32>,
    %swap3A_187 = arith.constant 1376 : index
    %swap3A_188 = tpu.vector_load %arg8[%swap3A_187] {strides = array<i32>} : memref<2048xi32, #tpu.memory_space<vmem>>, vector<16xi32>,
    tpu.vector_store %arg8[%swap3A_187], %broadcast_in_dim3A_15 {strides = array<i32>} : memref<2048xi32, #tpu.memory_space<vmem>>, vector<16xi32>,
    %swap3A_189 = arith.constant 1392 : index
    %swap3A_190 = tpu.vector_load %arg8[%swap3A_189] {strides = array<i32>} : memref<2048xi32, #tpu.memory_space<vmem>>, vector<16xi32>,
    tpu.vector_store %arg8[%swap3A_189], %broadcast_in_dim3A_15 {strides = array<i32>} : memref<2048xi32, #tpu.memory_space<vmem>>, vector<16xi32>,
    %swap3A_191 = arith.constant 1408 : index
    %swap3A_192 = tpu.vector_load %arg8[%swap3A_191] {strides = array<i32>} : memref<2048xi32, #tpu.memory_space<vmem>>, vector<16xi32>,
    tpu.vector_store %arg8[%swap3A_191], %broadcast_in_dim3A_15 {strides = array<i32>} : memref<2048xi32, #tpu.memory_space<vmem>>, vector<16xi32>,
    %swap3A_193 = arith.constant 1424 : index
    %swap3A_194 = tpu.vector_load %arg8[%swap3A_193] {strides = array<i32>} : memref<2048xi32, #tpu.memory_space<vmem>>, vector<16xi32>,
    tpu.vector_store %arg8[%swap3A_193], %broadcast_in_dim3A_15 {strides = array<i32>} : memref<2048xi32, #tpu.memory_space<vmem>>, vector<16xi32>,
    %swap3A_195 = arith.constant 1440 : index
    %swap3A_196 = tpu.vector_load %arg8[%swap3A_195] {strides = array<i32>} : memref<2048xi32, #tpu.memory_space<vmem>>, vector<16xi32>,
    tpu.vector_store %arg8[%swap3A_195], %broadcast_in_dim3A_15 {strides = array<i32>} : memref<2048xi32, #tpu.memory_space<vmem>>, vector<16xi32>,
    %swap3A_197 = arith.constant 1456 : index
    %swap3A_198 = tpu.vector_load %arg8[%swap3A_197] {strides = array<i32>} : memref<2048xi32, #tpu.memory_space<vmem>>, vector<16xi32>,
    tpu.vector_store %arg8[%swap3A_197], %broadcast_in_dim3A_15 {strides = array<i32>} : memref<2048xi32, #tpu.memory_space<vmem>>, vector<16xi32>,
    %swap3A_199 = arith.constant 1472 : index
    %swap3A_200 = tpu.vector_load %arg8[%swap3A_199] {strides = array<i32>} : memref<2048xi32, #tpu.memory_space<vmem>>, vector<16xi32>,
    tpu.vector_store %arg8[%swap3A_199], %broadcast_in_dim3A_15 {strides = array<i32>} : memref<2048xi32, #tpu.memory_space<vmem>>, vector<16xi32>,
    %swap3A_201 = arith.constant 1488 : index
    %swap3A_202 = tpu.vector_load %arg8[%swap3A_201] {strides = array<i32>} : memref<2048xi32, #tpu.memory_space<vmem>>, vector<16xi32>,
    tpu.vector_store %arg8[%swap3A_201], %broadcast_in_dim3A_15 {strides = array<i32>} : memref<2048xi32, #tpu.memory_space<vmem>>, vector<16xi32>,
    %swap3A_203 = arith.constant 1504 : index
    %swap3A_204 = tpu.vector_load %arg8[%swap3A_203] {strides = array<i32>} : memref<2048xi32, #tpu.memory_space<vmem>>, vector<16xi32>,
    tpu.vector_store %arg8[%swap3A_203], %broadcast_in_dim3A_15 {strides = array<i32>} : memref<2048xi32, #tpu.memory_space<vmem>>, vector<16xi32>,
    %swap3A_205 = arith.constant 1520 : index
    %swap3A_206 = tpu.vector_load %arg8[%swap3A_205] {strides = array<i32>} : memref<2048xi32, #tpu.memory_space<vmem>>, vector<16xi32>,
    tpu.vector_store %arg8[%swap3A_205], %broadcast_in_dim3A_15 {strides = array<i32>} : memref<2048xi32, #tpu.memory_space<vmem>>, vector<16xi32>,
    %swap3A_207 = arith.constant 1536 : index
    %swap3A_208 = tpu.vector_load %arg8[%swap3A_207] {strides = array<i32>} : memref<2048xi32, #tpu.memory_space<vmem>>, vector<16xi32>,
    tpu.vector_store %arg8[%swap3A_207], %broadcast_in_dim3A_15 {strides = array<i32>} : memref<2048xi32, #tpu.memory_space<vmem>>, vector<16xi32>,
    %swap3A_209 = arith.constant 1552 : index
    %swap3A_210 = tpu.vector_load %arg8[%swap3A_209] {strides = array<i32>} : memref<2048xi32, #tpu.memory_space<vmem>>, vector<16xi32>,
    tpu.vector_store %arg8[%swap3A_209], %broadcast_in_dim3A_15 {strides = array<i32>} : memref<2048xi32, #tpu.memory_space<vmem>>, vector<16xi32>,
    %swap3A_211 = arith.constant 1568 : index
    %swap3A_212 = tpu.vector_load %arg8[%swap3A_211] {strides = array<i32>} : memref<2048xi32, #tpu.memory_space<vmem>>, vector<16xi32>,
    tpu.vector_store %arg8[%swap3A_211], %broadcast_in_dim3A_15 {strides = array<i32>} : memref<2048xi32, #tpu.memory_space<vmem>>, vector<16xi32>,
    %swap3A_213 = arith.constant 1584 : index
    %swap3A_214 = tpu.vector_load %arg8[%swap3A_213] {strides = array<i32>} : memref<2048xi32, #tpu.memory_space<vmem>>, vector<16xi32>,
    tpu.vector_store %arg8[%swap3A_213], %broadcast_in_dim3A_15 {strides = array<i32>} : memref<2048xi32, #tpu.memory_space<vmem>>, vector<16xi32>,
    %swap3A_215 = arith.constant 1600 : index
    %swap3A_216 = tpu.vector_load %arg8[%swap3A_215] {strides = array<i32>} : memref<2048xi32, #tpu.memory_space<vmem>>, vector<16xi32>,
    tpu.vector_store %arg8[%swap3A_215], %broadcast_in_dim3A_15 {strides = array<i32>} : memref<2048xi32, #tpu.memory_space<vmem>>, vector<16xi32>,
    %swap3A_217 = arith.constant 1616 : index
    %swap3A_218 = tpu.vector_load %arg8[%swap3A_217] {strides = array<i32>} : memref<2048xi32, #tpu.memory_space<vmem>>, vector<16xi32>,
    tpu.vector_store %arg8[%swap3A_217], %broadcast_in_dim3A_15 {strides = array<i32>} : memref<2048xi32, #tpu.memory_space<vmem>>, vector<16xi32>,
    %swap3A_219 = arith.constant 1632 : index
    %swap3A_220 = tpu.vector_load %arg8[%swap3A_219] {strides = array<i32>} : memref<2048xi32, #tpu.memory_space<vmem>>, vector<16xi32>,
    tpu.vector_store %arg8[%swap3A_219], %broadcast_in_dim3A_15 {strides = array<i32>} : memref<2048xi32, #tpu.memory_space<vmem>>, vector<16xi32>,
    %swap3A_221 = arith.constant 1648 : index
    %swap3A_222 = tpu.vector_load %arg8[%swap3A_221] {strides = array<i32>} : memref<2048xi32, #tpu.memory_space<vmem>>, vector<16xi32>,
    tpu.vector_store %arg8[%swap3A_221], %broadcast_in_dim3A_15 {strides = array<i32>} : memref<2048xi32, #tpu.memory_space<vmem>>, vector<16xi32>,
    %swap3A_223 = arith.constant 1664 : index
    %swap3A_224 = tpu.vector_load %arg8[%swap3A_223] {strides = array<i32>} : memref<2048xi32, #tpu.memory_space<vmem>>, vector<16xi32>,
    tpu.vector_store %arg8[%swap3A_223], %broadcast_in_dim3A_15 {strides = array<i32>} : memref<2048xi32, #tpu.memory_space<vmem>>, vector<16xi32>,
    %swap3A_225 = arith.constant 1680 : index
    %swap3A_226 = tpu.vector_load %arg8[%swap3A_225] {strides = array<i32>} : memref<2048xi32, #tpu.memory_space<vmem>>, vector<16xi32>,
    tpu.vector_store %arg8[%swap3A_225], %broadcast_in_dim3A_15 {strides = array<i32>} : memref<2048xi32, #tpu.memory_space<vmem>>, vector<16xi32>,
    %swap3A_227 = arith.constant 1696 : index
    %swap3A_228 = tpu.vector_load %arg8[%swap3A_227] {strides = array<i32>} : memref<2048xi32, #tpu.memory_space<vmem>>, vector<16xi32>,
    tpu.vector_store %arg8[%swap3A_227], %broadcast_in_dim3A_15 {strides = array<i32>} : memref<2048xi32, #tpu.memory_space<vmem>>, vector<16xi32>,
    %swap3A_229 = arith.constant 1712 : index
    %swap3A_230 = tpu.vector_load %arg8[%swap3A_229] {strides = array<i32>} : memref<2048xi32, #tpu.memory_space<vmem>>, vector<16xi32>,
    tpu.vector_store %arg8[%swap3A_229], %broadcast_in_dim3A_15 {strides = array<i32>} : memref<2048xi32, #tpu.memory_space<vmem>>, vector<16xi32>,
    %swap3A_231 = arith.constant 1728 : index
    %swap3A_232 = tpu.vector_load %arg8[%swap3A_231] {strides = array<i32>} : memref<2048xi32, #tpu.memory_space<vmem>>, vector<16xi32>,
    tpu.vector_store %arg8[%swap3A_231], %broadcast_in_dim3A_15 {strides = array<i32>} : memref<2048xi32, #tpu.memory_space<vmem>>, vector<16xi32>,
    %swap3A_233 = arith.constant 1744 : index
    %swap3A_234 = tpu.vector_load %arg8[%swap3A_233] {strides = array<i32>} : memref<2048xi32, #tpu.memory_space<vmem>>, vector<16xi32>,
    tpu.vector_store %arg8[%swap3A_233], %broadcast_in_dim3A_15 {strides = array<i32>} : memref<2048xi32, #tpu.memory_space<vmem>>, vector<16xi32>,
    %swap3A_235 = arith.constant 1760 : index
    %swap3A_236 = tpu.vector_load %arg8[%swap3A_235] {strides = array<i32>} : memref<2048xi32, #tpu.memory_space<vmem>>, vector<16xi32>,
    tpu.vector_store %arg8[%swap3A_235], %broadcast_in_dim3A_15 {strides = array<i32>} : memref<2048xi32, #tpu.memory_space<vmem>>, vector<16xi32>,
    %swap3A_237 = arith.constant 1776 : index
    %swap3A_238 = tpu.vector_load %arg8[%swap3A_237] {strides = array<i32>} : memref<2048xi32, #tpu.memory_space<vmem>>, vector<16xi32>,
    tpu.vector_store %arg8[%swap3A_237], %broadcast_in_dim3A_15 {strides = array<i32>} : memref<2048xi32, #tpu.memory_space<vmem>>, vector<16xi32>,
    %swap3A_239 = arith.constant 1792 : index
    %swap3A_240 = tpu.vector_load %arg8[%swap3A_239] {strides = array<i32>} : memref<2048xi32, #tpu.memory_space<vmem>>, vector<16xi32>,
    tpu.vector_store %arg8[%swap3A_239], %broadcast_in_dim3A_15 {strides = array<i32>} : memref<2048xi32, #tpu.memory_space<vmem>>, vector<16xi32>,
    %swap3A_241 = arith.constant 1808 : index
    %swap3A_242 = tpu.vector_load %arg8[%swap3A_241] {strides = array<i32>} : memref<2048xi32, #tpu.memory_space<vmem>>, vector<16xi32>,
    tpu.vector_store %arg8[%swap3A_241], %broadcast_in_dim3A_15 {strides = array<i32>} : memref<2048xi32, #tpu.memory_space<vmem>>, vector<16xi32>,
    %swap3A_243 = arith.constant 1824 : index
    %swap3A_244 = tpu.vector_load %arg8[%swap3A_243] {strides = array<i32>} : memref<2048xi32, #tpu.memory_space<vmem>>, vector<16xi32>,
    tpu.vector_store %arg8[%swap3A_243], %broadcast_in_dim3A_15 {strides = array<i32>} : memref<2048xi32, #tpu.memory_space<vmem>>, vector<16xi32>,
    %swap3A_245 = arith.constant 1840 : index
    %swap3A_246 = tpu.vector_load %arg8[%swap3A_245] {strides = array<i32>} : memref<2048xi32, #tpu.memory_space<vmem>>, vector<16xi32>,
    tpu.vector_store %arg8[%swap3A_245], %broadcast_in_dim3A_15 {strides = array<i32>} : memref<2048xi32, #tpu.memory_space<vmem>>, vector<16xi32>,
    %swap3A_247 = arith.constant 1856 : index
    %swap3A_248 = tpu.vector_load %arg8[%swap3A_247] {strides = array<i32>} : memref<2048xi32, #tpu.memory_space<vmem>>, vector<16xi32>,
    tpu.vector_store %arg8[%swap3A_247], %broadcast_in_dim3A_15 {strides = array<i32>} : memref<2048xi32, #tpu.memory_space<vmem>>, vector<16xi32>,
    %swap3A_249 = arith.constant 1872 : index
    %swap3A_250 = tpu.vector_load %arg8[%swap3A_249] {strides = array<i32>} : memref<2048xi32, #tpu.memory_space<vmem>>, vector<16xi32>,
    tpu.vector_store %arg8[%swap3A_249], %broadcast_in_dim3A_15 {strides = array<i32>} : memref<2048xi32, #tpu.memory_space<vmem>>, vector<16xi32>,
    %swap3A_251 = arith.constant 1888 : index
    %swap3A_252 = tpu.vector_load %arg8[%swap3A_251] {strides = array<i32>} : memref<2048xi32, #tpu.memory_space<vmem>>, vector<16xi32>,
    tpu.vector_store %arg8[%swap3A_251], %broadcast_in_dim3A_15 {strides = array<i32>} : memref<2048xi32, #tpu.memory_space<vmem>>, vector<16xi32>,
    %swap3A_253 = arith.constant 1904 : index
    %swap3A_254 = tpu.vector_load %arg8[%swap3A_253] {strides = array<i32>} : memref<2048xi32, #tpu.memory_space<vmem>>, vector<16xi32>,
    tpu.vector_store %arg8[%swap3A_253], %broadcast_in_dim3A_15 {strides = array<i32>} : memref<2048xi32, #tpu.memory_space<vmem>>, vector<16xi32>,
    %swap3A_255 = arith.constant 1920 : index
    %swap3A_256 = tpu.vector_load %arg8[%swap3A_255] {strides = array<i32>} : memref<2048xi32, #tpu.memory_space<vmem>>, vector<16xi32>,
    tpu.vector_store %arg8[%swap3A_255], %broadcast_in_dim3A_15 {strides = array<i32>} : memref<2048xi32, #tpu.memory_space<vmem>>, vector<16xi32>,
    %swap3A_257 = arith.constant 1936 : index
    %swap3A_258 = tpu.vector_load %arg8[%swap3A_257] {strides = array<i32>} : memref<2048xi32, #tpu.memory_space<vmem>>, vector<16xi32>,
    tpu.vector_store %arg8[%swap3A_257], %broadcast_in_dim3A_15 {strides = array<i32>} : memref<2048xi32, #tpu.memory_space<vmem>>, vector<16xi32>,
    %swap3A_259 = arith.constant 1952 : index
    %swap3A_260 = tpu.vector_load %arg8[%swap3A_259] {strides = array<i32>} : memref<2048xi32, #tpu.memory_space<vmem>>, vector<16xi32>,
    tpu.vector_store %arg8[%swap3A_259], %broadcast_in_dim3A_15 {strides = array<i32>} : memref<2048xi32, #tpu.memory_space<vmem>>, vector<16xi32>,
    %swap3A_261 = arith.constant 1968 : index
    %swap3A_262 = tpu.vector_load %arg8[%swap3A_261] {strides = array<i32>} : memref<2048xi32, #tpu.memory_space<vmem>>, vector<16xi32>,
    tpu.vector_store %arg8[%swap3A_261], %broadcast_in_dim3A_15 {strides = array<i32>} : memref<2048xi32, #tpu.memory_space<vmem>>, vector<16xi32>,
    %swap3A_263 = arith.constant 1984 : index
    %swap3A_264 = tpu.vector_load %arg8[%swap3A_263] {strides = array<i32>} : memref<2048xi32, #tpu.memory_space<vmem>>, vector<16xi32>,
    tpu.vector_store %arg8[%swap3A_263], %broadcast_in_dim3A_15 {strides = array<i32>} : memref<2048xi32, #tpu.memory_space<vmem>>, vector<16xi32>,
    %swap3A_265 = arith.constant 2000 : index
    %swap3A_266 = tpu.vector_load %arg8[%swap3A_265] {strides = array<i32>} : memref<2048xi32, #tpu.memory_space<vmem>>, vector<16xi32>,
    tpu.vector_store %arg8[%swap3A_265], %broadcast_in_dim3A_15 {strides = array<i32>} : memref<2048xi32, #tpu.memory_space<vmem>>, vector<16xi32>,
    %swap3A_267 = arith.constant 2016 : index
    %swap3A_268 = tpu.vector_load %arg8[%swap3A_267] {strides = array<i32>} : memref<2048xi32, #tpu.memory_space<vmem>>, vector<16xi32>,
    tpu.vector_store %arg8[%swap3A_267], %broadcast_in_dim3A_15 {strides = array<i32>} : memref<2048xi32, #tpu.memory_space<vmem>>, vector<16xi32>,
    %swap3A_269 = arith.constant 2032 : index
    %swap3A_270 = tpu.vector_load %arg8[%swap3A_269] {strides = array<i32>} : memref<2048xi32, #tpu.memory_space<vmem>>, vector<16xi32>,
    tpu.vector_store %arg8[%swap3A_269], %broadcast_in_dim3A_15 {strides = array<i32>} : memref<2048xi32, #tpu.memory_space<vmem>>, vector<16xi32>,
    %scan3A = arith.constant 0 : i32
    %scan3A_271 = arith.constant 0 : i32
    %scan3A_272 = arith.constant 4 : i32
    %scan3A_273 = arith.addi %scan3A_271, %scan3A_272 : i32
    %scan3A_274 = arith.constant 1 : i32
    %scan3A_275 = scf.for %scan3A_296 = %scan3A_271 to %scan3A_273 step %scan3A_274 iter_args(%scan3A_297 = %scan3A) -> (i32)  : i32 {
      %mul3A_298 = arith.constant 8192 : i32
      %mul3A_299 = arith.muli %scan3A_296, %mul3A_298 : i32
      %add3A_300 = arith.addi %mul3A_2, %mul3A_299 : i32
      %multiple_of3A_301 = tpu.assume_multiple %add3A_300, 8192 : i32
      "tpu.region"() ({
        %run_scoped3A = tpu.sem_alloc : memref<!tpu.dma_semaphore, #tpu.memory_space<semaphore_mem>>
        %dma_start3A = tpu.memref_slice %arg2[%multiple_of3A_301] : memref<1048576xi32, #tpu.memory_space<hbm>> -> memref<8192xi32, #tpu.memory_space<hbm>>
        %dma_start3A_309 = tpu.memref_slice %arg2[%multiple_of3A_301] : memref<1048576xi32, #tpu.memory_space<hbm>> -> memref<8192xi32, #tpu.memory_space<hbm>>
        tpu.enqueue_dma source(%dma_start3A_309 : memref<8192xi32, #tpu.memory_space<hbm>>) target(%arg6 : memref<8192xi32, #tpu.memory_space<vmem>>) target_semaphore(%run_scoped3A : memref<!tpu.dma_semaphore, #tpu.memory_space<semaphore_mem>>)
        %dma_wait3A = tpu.memref_slice %arg2[%multiple_of3A_301] : memref<1048576xi32, #tpu.memory_space<hbm>> -> memref<8192xi32, #tpu.memory_space<hbm>>
        %dma_wait3A_310 = tpu.memref_slice %arg2[%multiple_of3A_301] : memref<1048576xi32, #tpu.memory_space<hbm>> -> memref<8192xi32, #tpu.memory_space<hbm>>
        tpu.wait_dma2 semaphore(%run_scoped3A : memref<!tpu.dma_semaphore, #tpu.memory_space<semaphore_mem>>) src(%dma_wait3A_310 : memref<8192xi32, #tpu.memory_space<hbm>>) dst(%arg6 : memref<8192xi32, #tpu.memory_space<vmem>>)
        tpu.yield
      }) : () -> ()
      %scan3A_302 = arith.constant 0 : i32
      %scan3A_303 = arith.constant 0 : i32
      %scan3A_304 = arith.constant 512 : i32
      %scan3A_305 = arith.addi %scan3A_303, %scan3A_304 : i32
      %scan3A_306 = arith.constant 1 : i32
      %scan3A_307 = scf.for %scan3A_309 = %scan3A_303 to %scan3A_305 step %scan3A_306 iter_args(%scan3A_310 = %scan3A_302) -> (i32)  : i32 {
        %mul3A_311 = arith.constant 16 : i32
        %mul3A_312 = arith.muli %scan3A_309, %mul3A_311 : i32
        %get3A = arith.index_cast %mul3A_312 : i32 to index
        %get3A_313 = tpu.vector_load %arg6[%get3A] {strides = array<i32>} : memref<8192xi32, #tpu.memory_space<vmem>>, vector<16xi32>,
        %shift_right_logical3A = arith.constant 9 : i32
        %shift_right_logical3A_314 = vector.broadcast %shift_right_logical3A : i32 to vector<16xi32>
        %shift_right_logical3A_315 = arith.shrui %get3A_313, %shift_right_logical3A_314 : vector<16xi32>
        %broadcast_in_dim3A_316 = arith.constant true
        %broadcast_in_dim3A_317 = vector.broadcast %broadcast_in_dim3A_316 : i1 to vector<16xi1>
        %unique3A_318, %unique3A_319 = tpu.scan_count mask(%broadcast_in_dim3A_317 : vector<16xi1>) value(%shift_right_logical3A_315 : vector<16xi32>) : vector<16xi1>, vector<16xi32>
        %sub3A = vector.broadcast %reduce_min3A_13 : i32 to vector<16xi32>
        %sub3A_320 = arith.subi %unique3A_319, %sub3A : vector<16xi32>
        %add3A_321 = arith.constant 1 : i32
        %add3A_322 = vector.broadcast %add3A_321 : i32 to vector<16xi32>
        %add3A_323 = arith.addi %sub3A_320, %add3A_322 : vector<16xi32>
        tpu.vector_store_idx %arg8[%shift_right_logical3A_315], %add3A_323 masked %unique3A_318 {add = true} : memref<2048xi32, #tpu.memory_space<vmem>>[vector<16xi32>], vector<16xi32>, vector<16xi1>
        %scan3A_324 = arith.constant 0 : i32
        scf.yield %scan3A_324 : i32
      }
      %scan3A_308 = arith.constant 512 : i32
      scf.yield %scan3A_307 : i32
    }
    %scan3A_276 = arith.constant 4 : i32
    %scan3A_277 = arith.constant 0 : i32
    %scan3A_278 = arith.constant 0 : i32
    %scan3A_279 = arith.constant 128 : i32
    %scan3A_280 = arith.addi %scan3A_278, %scan3A_279 : i32
    %scan3A_281 = arith.constant 1 : i32
    %scan3A_282 = scf.for %scan3A_296 = %scan3A_278 to %scan3A_280 step %scan3A_281 iter_args(%scan3A_297 = %scan3A_277) -> (i32)  : i32 {
      %mul3A_298 = arith.constant 16 : i32
      %mul3A_299 = arith.muli %scan3A_296, %mul3A_298 : i32
      %get3A = arith.index_cast %mul3A_299 : i32 to index
      %get3A_300 = tpu.vector_load %arg8[%get3A] {strides = array<i32>} : memref<2048xi32, #tpu.memory_space<vmem>>, vector<16xi32>,
      %add3A_301 = arith.constant 3 : i32
      %add3A_302 = vector.broadcast %add3A_301 : i32 to vector<16xi32>
      %add3A_303 = arith.addi %get3A_300, %add3A_302 : vector<16xi32>
      %and3A = arith.constant -4 : i32
      %and3A_304 = vector.broadcast %and3A : i32 to vector<16xi32>
      %and3A_305 = arith.andi %add3A_303, %and3A_304 : vector<16xi32>
      %broadcast_in_dim3A_306 = arith.constant true
      %broadcast_in_dim3A_307 = vector.broadcast %broadcast_in_dim3A_306 : i1 to vector<16xi1>
      %masked_cumsum3A = tpu.scan <sum>, %and3A_305 masked %broadcast_in_dim3A_307 : vector<16xi32>, vector<16xi1> -> vector<16xi32>
      %sub3A = arith.subi %masked_cumsum3A, %and3A_305 : vector<16xi32>
      %add3A_308 = vector.broadcast %scan3A_297 : i32 to vector<16xi32>
      %add3A_309 = arith.addi %sub3A, %add3A_308 : vector<16xi32>
      %mul3A_310 = arith.constant 16 : i32
      %mul3A_311 = arith.muli %scan3A_296, %mul3A_310 : i32
      %swap3A_312 = arith.index_cast %mul3A_311 : i32 to index
      %swap3A_313 = tpu.vector_load %arg9[%swap3A_312] {strides = array<i32>} : memref<2048xi32, #tpu.memory_space<vmem>>, vector<16xi32>,
      tpu.vector_store %arg9[%swap3A_312], %add3A_309 {strides = array<i32>} : memref<2048xi32, #tpu.memory_space<vmem>>, vector<16xi32>,
      %shift_left3A = arith.constant 16 : i32
      %shift_left3A_314 = vector.broadcast %shift_left3A : i32 to vector<16xi32>
      %shift_left3A_315 = arith.shli %add3A_309, %shift_left3A_314 : vector<16xi32>
      %or3A = arith.ori %shift_left3A_315, %get3A_300 : vector<16xi32>
      %mul3A_316 = arith.constant 16 : i32
      %mul3A_317 = arith.muli %scan3A_296, %mul3A_316 : i32
      %swap3A_318 = arith.index_cast %mul3A_317 : i32 to index
      %swap3A_319 = tpu.vector_load %arg10[%swap3A_318] {strides = array<i32>} : memref<2048xi32, #tpu.memory_space<vmem>>, vector<16xi32>,
      tpu.vector_store %arg10[%swap3A_318], %or3A {strides = array<i32>} : memref<2048xi32, #tpu.memory_space<vmem>>, vector<16xi32>,
      %reduce_sum3A = arith.constant true
      %reduce_sum3A_320 = vector.broadcast %reduce_sum3A : i1 to vector<16xi1>
      %reduce_sum3A_321 = tpu.scan <sum>, %and3A_305 masked %reduce_sum3A_320 : vector<16xi32>, vector<16xi1> -> vector<16xi32>
      %reduce_sum3A_322 = vector.extract %reduce_sum3A_321[15] : i32 from vector<16xi32>
      %add3A_323 = arith.addi %scan3A_297, %reduce_sum3A_322 : i32
      scf.yield %add3A_323 : i32
    }
    %scan3A_283 = arith.constant 128 : i32
    %mul3A_284 = arith.constant 2048 : i32
    %mul3A_285 = arith.muli %add3A, %mul3A_284 : i32
    %multiple_of3A = tpu.assume_multiple %mul3A_285, 2048 : i32
    "tpu.region"() ({
      %run_scoped3A = tpu.sem_alloc : memref<!tpu.dma_semaphore, #tpu.memory_space<semaphore_mem>>
      %dma_start3A = tpu.memref_slice %arg5[%multiple_of3A] : memref<65536xi32, #tpu.memory_space<hbm>> -> memref<2048xi32, #tpu.memory_space<hbm>>
      %dma_start3A_296 = tpu.memref_slice %arg5[%multiple_of3A] : memref<65536xi32, #tpu.memory_space<hbm>> -> memref<2048xi32, #tpu.memory_space<hbm>>
      tpu.enqueue_dma source(%arg10 : memref<2048xi32, #tpu.memory_space<vmem>>) target(%dma_start3A_296 : memref<2048xi32, #tpu.memory_space<hbm>>) target_semaphore(%run_scoped3A : memref<!tpu.dma_semaphore, #tpu.memory_space<semaphore_mem>>)
      %dma_wait3A = tpu.memref_slice %arg5[%multiple_of3A] : memref<65536xi32, #tpu.memory_space<hbm>> -> memref<2048xi32, #tpu.memory_space<hbm>>
      %dma_wait3A_297 = tpu.memref_slice %arg5[%multiple_of3A] : memref<65536xi32, #tpu.memory_space<hbm>> -> memref<2048xi32, #tpu.memory_space<hbm>>
      tpu.wait_dma2 semaphore(%run_scoped3A : memref<!tpu.dma_semaphore, #tpu.memory_space<semaphore_mem>>) src(%arg10 : memref<2048xi32, #tpu.memory_space<vmem>>) dst(%dma_wait3A_297 : memref<2048xi32, #tpu.memory_space<hbm>>)
      tpu.yield
    }) : () -> ()
    %scan3A_286 = arith.constant 0 : i32
    %scan3A_287 = arith.constant 0 : i32
    %scan3A_288 = arith.constant 4 : i32
    %scan3A_289 = arith.addi %scan3A_287, %scan3A_288 : i32
    %scan3A_290 = arith.constant 1 : i32
    %scan3A_291 = scf.for %scan3A_296 = %scan3A_287 to %scan3A_289 step %scan3A_290 iter_args(%scan3A_297 = %scan3A_286) -> (i32)  : i32 {
      %mul3A_298 = arith.constant 8192 : i32
      %mul3A_299 = arith.muli %scan3A_296, %mul3A_298 : i32
      %add3A_300 = arith.addi %mul3A_2, %mul3A_299 : i32
      %multiple_of3A_301 = tpu.assume_multiple %add3A_300, 8192 : i32
      "tpu.region"() ({
        %run_scoped3A = tpu.sem_alloc : memref<!tpu.dma_semaphore, #tpu.memory_space<semaphore_mem>>
        %dma_start3A = tpu.memref_slice %arg2[%multiple_of3A_301] : memref<1048576xi32, #tpu.memory_space<hbm>> -> memref<8192xi32, #tpu.memory_space<hbm>>
        %dma_start3A_309 = tpu.memref_slice %arg2[%multiple_of3A_301] : memref<1048576xi32, #tpu.memory_space<hbm>> -> memref<8192xi32, #tpu.memory_space<hbm>>
        tpu.enqueue_dma source(%dma_start3A_309 : memref<8192xi32, #tpu.memory_space<hbm>>) target(%arg6 : memref<8192xi32, #tpu.memory_space<vmem>>) target_semaphore(%run_scoped3A : memref<!tpu.dma_semaphore, #tpu.memory_space<semaphore_mem>>)
        %dma_wait3A = tpu.memref_slice %arg2[%multiple_of3A_301] : memref<1048576xi32, #tpu.memory_space<hbm>> -> memref<8192xi32, #tpu.memory_space<hbm>>
        %dma_wait3A_310 = tpu.memref_slice %arg2[%multiple_of3A_301] : memref<1048576xi32, #tpu.memory_space<hbm>> -> memref<8192xi32, #tpu.memory_space<hbm>>
        tpu.wait_dma2 semaphore(%run_scoped3A : memref<!tpu.dma_semaphore, #tpu.memory_space<semaphore_mem>>) src(%dma_wait3A_310 : memref<8192xi32, #tpu.memory_space<hbm>>) dst(%arg6 : memref<8192xi32, #tpu.memory_space<vmem>>)
        tpu.yield
      }) : () -> ()
      "tpu.region"() ({
        %run_scoped3A = tpu.sem_alloc : memref<!tpu.dma_semaphore, #tpu.memory_space<semaphore_mem>>
        %dma_start3A = tpu.memref_slice %arg3[%multiple_of3A_301] : memref<1048576xf32, #tpu.memory_space<hbm>> -> memref<8192xf32, #tpu.memory_space<hbm>>
        %dma_start3A_309 = tpu.memref_slice %arg3[%multiple_of3A_301] : memref<1048576xf32, #tpu.memory_space<hbm>> -> memref<8192xf32, #tpu.memory_space<hbm>>
        tpu.enqueue_dma source(%dma_start3A_309 : memref<8192xf32, #tpu.memory_space<hbm>>) target(%arg7 : memref<8192xf32, #tpu.memory_space<vmem>>) target_semaphore(%run_scoped3A : memref<!tpu.dma_semaphore, #tpu.memory_space<semaphore_mem>>)
        %dma_wait3A = tpu.memref_slice %arg3[%multiple_of3A_301] : memref<1048576xf32, #tpu.memory_space<hbm>> -> memref<8192xf32, #tpu.memory_space<hbm>>
        %dma_wait3A_310 = tpu.memref_slice %arg3[%multiple_of3A_301] : memref<1048576xf32, #tpu.memory_space<hbm>> -> memref<8192xf32, #tpu.memory_space<hbm>>
        tpu.wait_dma2 semaphore(%run_scoped3A : memref<!tpu.dma_semaphore, #tpu.memory_space<semaphore_mem>>) src(%dma_wait3A_310 : memref<8192xf32, #tpu.memory_space<hbm>>) dst(%arg7 : memref<8192xf32, #tpu.memory_space<vmem>>)
        tpu.yield
      }) : () -> ()
      %scan3A_302 = arith.constant 0 : i32
      %scan3A_303 = arith.constant 0 : i32
      %scan3A_304 = arith.constant 512 : i32
      %scan3A_305 = arith.addi %scan3A_303, %scan3A_304 : i32
      %scan3A_306 = arith.constant 1 : i32
      %scan3A_307 = scf.for %scan3A_309 = %scan3A_303 to %scan3A_305 step %scan3A_306 iter_args(%scan3A_310 = %scan3A_302) -> (i32)  : i32 {
        %mul3A_311 = arith.constant 16 : i32
        %mul3A_312 = arith.muli %scan3A_309, %mul3A_311 : i32
        %get3A = arith.index_cast %mul3A_312 : i32 to index
        %get3A_313 = tpu.vector_load %arg6[%get3A] {strides = array<i32>} : memref<8192xi32, #tpu.memory_space<vmem>>, vector<16xi32>,
        %mul3A_314 = arith.constant 16 : i32
        %mul3A_315 = arith.muli %scan3A_309, %mul3A_314 : i32
        %get3A_316 = arith.index_cast %mul3A_315 : i32 to index
        %get3A_317 = tpu.vector_load %arg7[%get3A_316] {strides = array<i32>} : memref<8192xf32, #tpu.memory_space<vmem>>, vector<16xf32>,
        %shift_right_logical3A = arith.constant 9 : i32
        %shift_right_logical3A_318 = vector.broadcast %shift_right_logical3A : i32 to vector<16xi32>
        %shift_right_logical3A_319 = arith.shrui %get3A_313, %shift_right_logical3A_318 : vector<16xi32>
        %broadcast_in_dim3A_320 = arith.constant true
        %broadcast_in_dim3A_321 = vector.broadcast %broadcast_in_dim3A_320 : i1 to vector<16xi1>
        %unique3A_322, %unique3A_323 = tpu.scan_count mask(%broadcast_in_dim3A_321 : vector<16xi1>) value(%shift_right_logical3A_319 : vector<16xi32>) : vector<16xi1>, vector<16xi32>
        %sub3A = vector.broadcast %reduce_min3A_13 : i32 to vector<16xi32>
        %sub3A_324 = arith.subi %unique3A_323, %sub3A : vector<16xi32>
        %gather3A = tpu.vector_load_idx %arg9[%shift_right_logical3A_319] : memref<2048xi32, #tpu.memory_space<vmem>>[vector<16xi32>], vector<16xi32>,
        %add3A_325 = arith.addi %gather3A, %sub3A_324 : vector<16xi32>
        %mul3A_326 = arith.constant 16 : i32
        %mul3A_327 = arith.muli %scan3A_309, %mul3A_326 : i32
        %add3A_328 = vector.broadcast %mul3A_327 : i32 to vector<16xi32>
        %add3A_329 = arith.addi %iota3A, %add3A_328 : vector<16xi32>
        %and3A = arith.constant 63 : i32
        %and3A_330 = vector.broadcast %and3A : i32 to vector<16xi32>
        %and3A_331 = arith.andi %add3A_329, %and3A_330 : vector<16xi32>
        %and3A_332 = arith.constant 511 : i32
        %and3A_333 = vector.broadcast %and3A_332 : i32 to vector<16xi32>
        %and3A_334 = arith.andi %get3A_313, %and3A_333 : vector<16xi32>
        %shift_left3A = arith.constant 6 : i32
        %shift_left3A_335 = vector.broadcast %shift_left3A : i32 to vector<16xi32>
        %shift_left3A_336 = arith.shli %and3A_334, %shift_left3A_335 : vector<16xi32>
        %or3A = arith.ori %shift_left3A_336, %and3A_331 : vector<16xi32>
        %mul3A_337 = arith.constant 2 : i32
        %mul3A_338 = vector.broadcast %mul3A_337 : i32 to vector<16xi32>
        %mul3A_339 = arith.muli %add3A_325, %mul3A_338 : vector<16xi32>
        tpu.vector_store_idx %arg11[%mul3A_339], %or3A : memref<81920xi32, #tpu.memory_space<vmem>>[vector<16xi32>], vector<16xi32>,
        %mul3A_340 = arith.constant 2 : i32
        %mul3A_341 = vector.broadcast %mul3A_340 : i32 to vector<16xi32>
        %mul3A_342 = arith.muli %add3A_325, %mul3A_341 : vector<16xi32>
        %add3A_343 = arith.constant 1 : i32
        %add3A_344 = vector.broadcast %add3A_343 : i32 to vector<16xi32>
        %add3A_345 = arith.addi %mul3A_342, %add3A_344 : vector<16xi32>
        %bitcast3A = vector.bitcast %get3A_317 : vector<16xf32> to vector<16xi32>
        tpu.vector_store_idx %arg11[%add3A_345], %bitcast3A : memref<81920xi32, #tpu.memory_space<vmem>>[vector<16xi32>], vector<16xi32>,
        %add3A_346 = arith.constant 1 : i32
        %add3A_347 = vector.broadcast %add3A_346 : i32 to vector<16xi32>
        %add3A_348 = arith.addi %add3A_325, %add3A_347 : vector<16xi32>
        tpu.vector_store_idx %arg9[%shift_right_logical3A_319], %add3A_348 masked %unique3A_322 : memref<2048xi32, #tpu.memory_space<vmem>>[vector<16xi32>], vector<16xi32>, vector<16xi1>
        %scan3A_349 = arith.constant 0 : i32
        scf.yield %scan3A_349 : i32
      }
      %scan3A_308 = arith.constant 512 : i32
      scf.yield %scan3A_307 : i32
    }
    %scan3A_292 = arith.constant 4 : i32
    %mul3A_293 = arith.constant 81920 : i32
    %mul3A_294 = arith.muli %add3A, %mul3A_293 : i32
    %multiple_of3A_295 = tpu.assume_multiple %mul3A_294, 1024 : i32
    "tpu.region"() ({
      %run_scoped3A = tpu.sem_alloc : memref<!tpu.dma_semaphore, #tpu.memory_space<semaphore_mem>>
      %dma_start3A = tpu.memref_slice %arg4[%multiple_of3A_295] : memref<2622464xi32, #tpu.memory_space<hbm>> -> memref<81920xi32, #tpu.memory_space<hbm>>
      %dma_start3A_296 = tpu.memref_slice %arg4[%multiple_of3A_295] : memref<2622464xi32, #tpu.memory_space<hbm>> -> memref<81920xi32, #tpu.memory_space<hbm>>
      tpu.enqueue_dma source(%arg11 : memref<81920xi32, #tpu.memory_space<vmem>>) target(%dma_start3A_296 : memref<81920xi32, #tpu.memory_space<hbm>>) target_semaphore(%run_scoped3A : memref<!tpu.dma_semaphore, #tpu.memory_space<semaphore_mem>>)
      %dma_wait3A = tpu.memref_slice %arg4[%multiple_of3A_295] : memref<2622464xi32, #tpu.memory_space<hbm>> -> memref<81920xi32, #tpu.memory_space<hbm>>
      %dma_wait3A_297 = tpu.memref_slice %arg4[%multiple_of3A_295] : memref<2622464xi32, #tpu.memory_space<hbm>> -> memref<81920xi32, #tpu.memory_space<hbm>>
      tpu.wait_dma2 semaphore(%run_scoped3A : memref<!tpu.dma_semaphore, #tpu.memory_space<semaphore_mem>>) src(%arg11 : memref<81920xi32, #tpu.memory_space<vmem>>) dst(%dma_wait3A_297 : memref<81920xi32, #tpu.memory_space<hbm>>)
      tpu.yield
    }) : () -> ()
    return
  }
}

#map = affine_map<(d0, d1) -> (0, 0)>
#map1 = affine_map<(d0, d1) -> (0)>
module attributes {stable_mosaic.version = 14 : i64} {
  func.func @_apply(%arg0: i32, %arg1: i32, %arg2: memref<1000000x64xf32, #tpu.memory_space<hbm>>, %arg3: memref<2622464xi32, #tpu.memory_space<hbm>>, %arg4: memref<65536xi32, #tpu.memory_space<hbm>>, %arg5: memref<1000000x64xf32, #tpu.memory_space<hbm>>, %arg6: memref<512x64xf32, #tpu.memory_space<vmem>>, %arg7: memref<32xi32, #tpu.memory_space<vmem>>, %arg8: memref<48xi32, #tpu.memory_space<vmem>>, %arg9: memref<4096xi32, #tpu.memory_space<vmem>>, %arg10: memref<128xi32, #tpu.memory_space<vmem>>, %arg11: memref<!tpu.dma_semaphore, #tpu.memory_space<semaphore_mem>>, %arg12: memref<!tpu.dma_semaphore, #tpu.memory_space<semaphore_mem>>) attributes {dimension_semantics = [#tpu.dimension_semantics<core_parallel>, #tpu.dimension_semantics<subcore_parallel>], iteration_bounds = array<i64: 2, 16>, scalar_prefetch = 0 : i64, scratch_operands = 7 : i64, tpu.core_type = #tpu.core_type<sc_vector_subcore>, window_params = [{transform_indices = #map}, {transform_indices = #map1}, {transform_indices = #map1}, {transform_indices = #map}]} {
    %mul3A = arith.constant 2 : i32
    %mul3A_0 = arith.muli %arg1, %mul3A : i32
    %add3A = arith.addi %mul3A_0, %arg0 : i32
    %iota3A = tpu.iota {dimensions = array<i32: 0>} : vector<16xi32>
    %broadcast_in_dim3A = arith.constant 0 : i32
    %broadcast_in_dim3A_1 = vector.broadcast %broadcast_in_dim3A : i32 to vector<16xi32>
    %broadcast_in_dim3A_2 = arith.constant true
    %broadcast_in_dim3A_3 = vector.broadcast %broadcast_in_dim3A_2 : i1 to vector<16xi1>
    %unique3A, %unique3A_4 = tpu.scan_count mask(%broadcast_in_dim3A_3 : vector<16xi1>) value(%broadcast_in_dim3A_1 : vector<16xi32>) : vector<16xi1>, vector<16xi32>
    %reduce_min3A = arith.constant true
    %reduce_min3A_5 = vector.broadcast %reduce_min3A : i1 to vector<16xi1>
    %reduce_min3A_6 = arith.constant -2147483648 : i32
    %reduce_min3A_7 = vector.broadcast %reduce_min3A_6 : i32 to vector<16xi32>
    %reduce_min3A_8 = arith.xori %unique3A_4, %reduce_min3A_7 : vector<16xi32>
    %reduce_min3A_9 = tpu.scan <min>, %reduce_min3A_8 masked %reduce_min3A_5 : vector<16xi32>, vector<16xi1> -> vector<16xi32>
    %reduce_min3A_10 = arith.xori %reduce_min3A_9, %reduce_min3A_7 : vector<16xi32>
    %reduce_min3A_11 = vector.extract %reduce_min3A_10[15] : i32 from vector<16xi32>
    %scan3A = arith.constant 0 : i32
    %scan3A_12 = arith.constant 0 : i32
    %scan3A_13 = arith.constant 61 : i32
    %scan3A_14 = arith.addi %scan3A_12, %scan3A_13 : i32
    %scan3A_15 = arith.constant 1 : i32
    %scan3A_16 = scf.for %scan3A_25 = %scan3A_12 to %scan3A_14 step %scan3A_15 iter_args(%scan3A_26 = %scan3A) -> (i32)  : i32 {
      %mul3A_27 = arith.constant 32 : i32
      %mul3A_28 = arith.muli %scan3A_25, %mul3A_27 : i32
      %add3A_29 = arith.addi %mul3A_28, %add3A : i32
      %mul3A_30 = arith.constant 2048 : i32
      %mul3A_31 = vector.broadcast %mul3A_30 : i32 to vector<16xi32>
      %mul3A_32 = arith.muli %iota3A, %mul3A_31 : vector<16xi32>
      %add3A_33 = vector.broadcast %add3A_29 : i32 to vector<16xi32>
      %add3A_34 = arith.addi %mul3A_32, %add3A_33 : vector<16xi32>
      %swap3A = arith.constant 0 : index
      %swap3A_35 = tpu.vector_load %arg7[%swap3A] {strides = array<i32>} : memref<32xi32, #tpu.memory_space<vmem>>, vector<16xi32>,
      tpu.vector_store %arg7[%swap3A], %add3A_34 {strides = array<i32>} : memref<32xi32, #tpu.memory_space<vmem>>, vector<16xi32>,
      %add3A_36 = arith.constant 16 : i32
      %add3A_37 = vector.broadcast %add3A_36 : i32 to vector<16xi32>
      %add3A_38 = arith.addi %iota3A, %add3A_37 : vector<16xi32>
      %mul3A_39 = arith.constant 2048 : i32
      %mul3A_40 = vector.broadcast %mul3A_39 : i32 to vector<16xi32>
      %mul3A_41 = arith.muli %add3A_38, %mul3A_40 : vector<16xi32>
      %add3A_42 = vector.broadcast %add3A_29 : i32 to vector<16xi32>
      %add3A_43 = arith.addi %mul3A_41, %add3A_42 : vector<16xi32>
      %swap3A_44 = arith.constant 16 : index
      %swap3A_45 = tpu.vector_load %arg7[%swap3A_44] {strides = array<i32>} : memref<32xi32, #tpu.memory_space<vmem>>, vector<16xi32>,
      tpu.vector_store %arg7[%swap3A_44], %add3A_43 {strides = array<i32>} : memref<32xi32, #tpu.memory_space<vmem>>, vector<16xi32>,
      %dma_start3A = arith.constant 0 : i32
      %dma_start3A_46 = tpu.memref_slice %arg8[%dma_start3A] : memref<48xi32, #tpu.memory_space<vmem>> -> memref<32xi32, #tpu.memory_space<vmem>>
      %dma_start3A_47 = arith.constant 0 : i32
      %dma_start3A_48 = tpu.memref_slice %arg4[%dma_start3A_47] : memref<65536xi32, #tpu.memory_space<hbm>> -> memref<65536xi32, #tpu.memory_space<hbm>>
      tpu.enqueue_indirect_dma source(%dma_start3A_48 : memref<65536xi32, #tpu.memory_space<hbm>>) target(%dma_start3A_46 : memref<32xi32, #tpu.memory_space<vmem>>) offsets(%arg7 : memref<32xi32, #tpu.memory_space<vmem>>) semaphore(%arg11 : memref<!tpu.dma_semaphore, #tpu.memory_space<semaphore_mem>>)
      %dma_wait3A = arith.constant 0 : i32
      %dma_wait3A_49 = tpu.memref_slice %arg8[%dma_wait3A] : memref<48xi32, #tpu.memory_space<vmem>> -> memref<32xi32, #tpu.memory_space<vmem>>
      %dma_wait3A_50 = arith.constant 0 : i32
      %dma_wait3A_51 = tpu.memref_slice %arg4[%dma_wait3A_50] : memref<65536xi32, #tpu.memory_space<hbm>> -> memref<65536xi32, #tpu.memory_space<hbm>>
      tpu.wait_indirect_dma semaphore(%arg11 : memref<!tpu.dma_semaphore, #tpu.memory_space<semaphore_mem>>) src(%dma_wait3A_51 : memref<65536xi32, #tpu.memory_space<hbm>>) dst(%dma_wait3A_49 : memref<32xi32, #tpu.memory_space<vmem>>)
      %mul3A_52 = arith.constant 512 : i32
      %mul3A_53 = arith.muli %add3A_29, %mul3A_52 : i32
      %multiple_of3A = tpu.assume_multiple %mul3A_53, 512 : i32
      %dma_start3A_54 = arith.constant 0 : i32
      %dma_start3A_55 = arith.constant 0 : i32
      %dma_start3A_56 = tpu.memref_slice %arg6[%dma_start3A_54, %dma_start3A_55] : memref<512x64xf32, #tpu.memory_space<vmem>> -> memref<512x64xf32, #tpu.memory_space<vmem>>
      %dma_start3A_57 = arith.constant 0 : i32
      %dma_start3A_58 = tpu.memref_slice %arg2[%multiple_of3A, %dma_start3A_57] : memref<1000000x64xf32, #tpu.memory_space<hbm>> -> memref<512x64xf32, #tpu.memory_space<hbm>>
      %dma_start3A_59 = arith.constant 0 : i32
      %dma_start3A_60 = arith.constant 0 : i32
      %dma_start3A_61 = tpu.memref_slice %arg6[%dma_start3A_59, %dma_start3A_60] : memref<512x64xf32, #tpu.memory_space<vmem>> -> memref<512x64xf32, #tpu.memory_space<vmem>>
      %dma_start3A_62 = arith.constant 0 : i32
      %dma_start3A_63 = tpu.memref_slice %arg2[%multiple_of3A, %dma_start3A_62] : memref<1000000x64xf32, #tpu.memory_space<hbm>> -> memref<512x64xf32, #tpu.memory_space<hbm>>
      tpu.enqueue_dma source(%dma_start3A_63 : memref<512x64xf32, #tpu.memory_space<hbm>>) target(%dma_start3A_61 : memref<512x64xf32, #tpu.memory_space<vmem>>) target_semaphore(%arg11 : memref<!tpu.dma_semaphore, #tpu.memory_space<semaphore_mem>>)
      %scan3A_64 = arith.constant 0 : i32
      %scan3A_65 = arith.constant 0 : i32
      %scan3A_66 = arith.constant 32 : i32
      %scan3A_67 = arith.addi %scan3A_65, %scan3A_66 : i32
      %scan3A_68 = arith.constant 1 : i32
      %scan3A_69 = scf.for %scan3A_93 = %scan3A_65 to %scan3A_67 step %scan3A_68 iter_args(%scan3A_94 = %scan3A_64) -> (i32)  : i32 {
        %get3A = arith.index_cast %scan3A_93 : i32 to index
        %get3A_95 = tpu.vector_load %arg8[%get3A] {strides = array<i32>} : memref<48xi32, #tpu.memory_space<vmem>>, vector<16xi32>,
        %slice3A = vector.extract_strided_slice %get3A_95 {offsets = [0], sizes = [1], strides = [1]} : vector<16xi32> to vector<1xi32>
        %squeeze3A = vector.extract %slice3A[0] : i32 from vector<1xi32>
        %shift_right_logical3A = arith.constant 16 : i32
        %shift_right_logical3A_96 = arith.shrui %squeeze3A, %shift_right_logical3A : i32
        %mul3A_97 = arith.constant 81920 : i32
        %mul3A_98 = arith.muli %scan3A_93, %mul3A_97 : i32
        %mul3A_99 = arith.constant 2 : i32
        %mul3A_100 = arith.muli %shift_right_logical3A_96, %mul3A_99 : i32
        %add3A_101 = arith.addi %mul3A_98, %mul3A_100 : i32
        %multiple_of3A_102 = tpu.assume_multiple %add3A_101, 8 : i32
        %mul3A_103 = arith.constant 64 : i32
        %mul3A_104 = arith.muli %scan3A_93, %mul3A_103 : i32
        %mul3A_105 = arith.constant 2 : i32
        %mul3A_106 = arith.muli %mul3A_104, %mul3A_105 : i32
        %dma_start3A_107 = tpu.memref_slice %arg9[%mul3A_106] : memref<4096xi32, #tpu.memory_space<vmem>> -> memref<128xi32, #tpu.memory_space<vmem>>
        %dma_start3A_108 = tpu.memref_slice %arg3[%multiple_of3A_102] : memref<2622464xi32, #tpu.memory_space<hbm>> -> memref<128xi32, #tpu.memory_space<hbm>>
        %dma_start3A_109 = tpu.memref_slice %arg9[%mul3A_106] : memref<4096xi32, #tpu.memory_space<vmem>> -> memref<128xi32, #tpu.memory_space<vmem>>
        %dma_start3A_110 = tpu.memref_slice %arg3[%multiple_of3A_102] : memref<2622464xi32, #tpu.memory_space<hbm>> -> memref<128xi32, #tpu.memory_space<hbm>>
        tpu.enqueue_dma source(%dma_start3A_110 : memref<128xi32, #tpu.memory_space<hbm>>) target(%dma_start3A_109 : memref<128xi32, #tpu.memory_space<vmem>>) target_semaphore(%arg12 : memref<!tpu.dma_semaphore, #tpu.memory_space<semaphore_mem>>)
        %scan3A_111 = arith.constant 0 : i32
        scf.yield %scan3A_111 : i32
      }
      %scan3A_70 = arith.constant 32 : i32
      %dma_wait3A_71 = arith.constant 0 : i32
      %dma_wait3A_72 = tpu.memref_slice %arg3[%dma_wait3A_71] : memref<2622464xi32, #tpu.memory_space<hbm>> -> memref<4096xi32, #tpu.memory_space<hbm>>
      %dma_wait3A_73 = arith.constant 0 : i32
      %dma_wait3A_74 = tpu.memref_slice %arg3[%dma_wait3A_73] : memref<2622464xi32, #tpu.memory_space<hbm>> -> memref<4096xi32, #tpu.memory_space<hbm>>
      tpu.wait_dma2 semaphore(%arg12 : memref<!tpu.dma_semaphore, #tpu.memory_space<semaphore_mem>>) src(%dma_wait3A_74 : memref<4096xi32, #tpu.memory_space<hbm>>) dst(%arg9 : memref<4096xi32, #tpu.memory_space<vmem>>)
      %dma_wait3A_75 = arith.constant 0 : i32
      %dma_wait3A_76 = arith.constant 0 : i32
      %dma_wait3A_77 = tpu.memref_slice %arg6[%dma_wait3A_75, %dma_wait3A_76] : memref<512x64xf32, #tpu.memory_space<vmem>> -> memref<512x64xf32, #tpu.memory_space<vmem>>
      %dma_wait3A_78 = arith.constant 0 : i32
      %dma_wait3A_79 = tpu.memref_slice %arg2[%multiple_of3A, %dma_wait3A_78] : memref<1000000x64xf32, #tpu.memory_space<hbm>> -> memref<512x64xf32, #tpu.memory_space<hbm>>
      %dma_wait3A_80 = arith.constant 0 : i32
      %dma_wait3A_81 = arith.constant 0 : i32
      %dma_wait3A_82 = tpu.memref_slice %arg6[%dma_wait3A_80, %dma_wait3A_81] : memref<512x64xf32, #tpu.memory_space<vmem>> -> memref<512x64xf32, #tpu.memory_space<vmem>>
      %dma_wait3A_83 = arith.constant 0 : i32
      %dma_wait3A_84 = tpu.memref_slice %arg2[%multiple_of3A, %dma_wait3A_83] : memref<1000000x64xf32, #tpu.memory_space<hbm>> -> memref<512x64xf32, #tpu.memory_space<hbm>>
      tpu.wait_dma2 semaphore(%arg11 : memref<!tpu.dma_semaphore, #tpu.memory_space<semaphore_mem>>) src(%dma_wait3A_84 : memref<512x64xf32, #tpu.memory_space<hbm>>) dst(%dma_wait3A_82 : memref<512x64xf32, #tpu.memory_space<vmem>>)
      %scan3A_85 = arith.constant 0 : i32
      %scan3A_86 = arith.constant 0 : i32
      %scan3A_87 = arith.constant 32 : i32
      %scan3A_88 = arith.addi %scan3A_86, %scan3A_87 : i32
      %scan3A_89 = arith.constant 1 : i32
      %scan3A_90 = scf.for %scan3A_93 = %scan3A_86 to %scan3A_88 step %scan3A_89 iter_args(%scan3A_94 = %scan3A_85) -> (i32)  : i32 {
        %get3A = arith.index_cast %scan3A_93 : i32 to index
        %get3A_95 = tpu.vector_load %arg8[%get3A] {strides = array<i32>} : memref<48xi32, #tpu.memory_space<vmem>>, vector<16xi32>,
        %slice3A = vector.extract_strided_slice %get3A_95 {offsets = [0], sizes = [1], strides = [1]} : vector<16xi32> to vector<1xi32>
        %squeeze3A = vector.extract %slice3A[0] : i32 from vector<1xi32>
        %shift_right_logical3A = arith.constant 16 : i32
        %shift_right_logical3A_96 = arith.shrui %squeeze3A, %shift_right_logical3A : i32
        %and3A = arith.constant 65535 : i32
        %and3A_97 = arith.andi %squeeze3A, %and3A : i32
        %mul3A_98 = arith.constant 64 : i32
        %mul3A_99 = arith.muli %scan3A_93, %mul3A_98 : i32
        %mul3A_100 = arith.constant 2 : i32
        %mul3A_101 = arith.muli %mul3A_99, %mul3A_100 : i32
        %min3A = arith.constant 64 : i32
        %min3A_102 = arith.minsi %and3A_97, %min3A : i32
        %add3A_103 = arith.constant 15 : i32
        %add3A_104 = arith.addi %min3A_102, %add3A_103 : i32
        %jit3A = arith.constant 16 : i32
        %div3A = arith.divsi %add3A_104, %jit3A : i32
        %sign3A = arith.constant 0 : i32
        %sign3A_105 = arith.cmpi sgt, %add3A_104, %sign3A : i32
        %sign3A_106 = arith.extui %sign3A_105 : i1 to i32
        %sign3A_107 = arith.constant 0 : i32
        %sign3A_108 = arith.cmpi slt, %add3A_104, %sign3A_107 : i32
        %sign3A_109 = arith.extui %sign3A_108 : i1 to i32
        %sign3A_110 = arith.subi %sign3A_106, %sign3A_109 : i32
        %sign3A_111 = arith.constant 0 : i32
        %sign3A_112 = arith.cmpi sgt, %jit3A, %sign3A_111 : i32
        %sign3A_113 = arith.extui %sign3A_112 : i1 to i32
        %sign3A_114 = arith.constant 0 : i32
        %sign3A_115 = arith.cmpi slt, %jit3A, %sign3A_114 : i32
        %sign3A_116 = arith.extui %sign3A_115 : i1 to i32
        %sign3A_117 = arith.subi %sign3A_113, %sign3A_116 : i32
        %ne3A = arith.cmpi ne, %sign3A_110, %sign3A_117 : i32
        %rem3A = arith.remsi %add3A_104, %jit3A : i32
        %ne3A_118 = arith.constant 0 : i32
        %ne3A_119 = arith.cmpi ne, %rem3A, %ne3A_118 : i32
        %and3A_120 = arith.andi %ne3A, %ne3A_119 : i1
        %sub3A = arith.constant 1 : i32
        %sub3A_121 = arith.subi %div3A, %sub3A : i32
        %select_n3A = arith.select %and3A_120, %sub3A_121, %div3A : i32
        %while3A = arith.constant 0 : i32
        %while3A_122 = arith.constant 0 : i32
        %while3A_123 = arith.subi %select_n3A, %while3A : i32
        %while3A_124 = arith.addi %while3A, %while3A_123 : i32
        %while3A_125 = arith.constant 1 : i32
        %while3A_126 = arith.divsi %while3A_123, %while3A_125 : i32
        %while3A_127 = arith.muli %while3A_126, %while3A_125 : i32
        %while3A_128 = arith.addi %while3A, %while3A_127 : i32
        %while3A_129 = arith.constant 1 : i32
        %while3A_130 = scf.for %while3A_141 = %while3A to %while3A_128 step %while3A_129 iter_args(%while3A_142 = %while3A_122) -> (i32)  : i32 {
          %mul3A_143 = arith.constant 16 : i32
          %mul3A_144 = arith.muli %while3A_141, %mul3A_143 : i32
          %add3A_145 = vector.broadcast %mul3A_144 : i32 to vector<16xi32>
          %add3A_146 = arith.addi %add3A_145, %iota3A : vector<16xi32>
          %lt3A = vector.broadcast %min3A_102 : i32 to vector<16xi32>
          %lt3A_147 = arith.cmpi slt, %add3A_146, %lt3A : vector<16xi32>
          %mul3A_148 = arith.constant 2 : i32
          %mul3A_149 = vector.broadcast %mul3A_148 : i32 to vector<16xi32>
          %mul3A_150 = arith.muli %add3A_146, %mul3A_149 : vector<16xi32>
          %add3A_151 = vector.broadcast %mul3A_101 : i32 to vector<16xi32>
          %add3A_152 = arith.addi %add3A_151, %mul3A_150 : vector<16xi32>
          %gather3A = tpu.vector_load_idx %arg9[%add3A_152] : memref<4096xi32, #tpu.memory_space<vmem>>[vector<16xi32>], vector<16xi32>,
          %mul3A_153 = arith.constant 2 : i32
          %mul3A_154 = vector.broadcast %mul3A_153 : i32 to vector<16xi32>
          %mul3A_155 = arith.muli %add3A_146, %mul3A_154 : vector<16xi32>
          %add3A_156 = vector.broadcast %mul3A_101 : i32 to vector<16xi32>
          %add3A_157 = arith.addi %add3A_156, %mul3A_155 : vector<16xi32>
          %add3A_158 = arith.constant 1 : i32
          %add3A_159 = vector.broadcast %add3A_158 : i32 to vector<16xi32>
          %add3A_160 = arith.addi %add3A_157, %add3A_159 : vector<16xi32>
          %gather3A_161 = tpu.vector_load_idx %arg9[%add3A_160] : memref<4096xi32, #tpu.memory_space<vmem>>[vector<16xi32>], vector<16xi32>,
          %bitcast3A = vector.bitcast %gather3A_161 : vector<16xi32> to vector<16xf32>
          %unique3A_162, %unique3A_163 = tpu.scan_count mask(%lt3A_147 : vector<16xi1>) value(%gather3A : vector<16xi32>) : vector<16xi1>, vector<16xi32>
          %sub3A_164 = vector.broadcast %reduce_min3A_11 : i32 to vector<16xi32>
          %sub3A_165 = arith.subi %unique3A_163, %sub3A_164 : vector<16xi32>
          %jit3A_166 = arith.constant 0 : i32
          %broadcast_in_dim3A_167 = vector.broadcast %jit3A_166 : i32 to vector<16xi32>
          %select_n3A_168 = arith.select %lt3A_147, %sub3A_165, %broadcast_in_dim3A_167 : vector<16xi1>, vector<16xi32>
          %reduce_max3A = arith.constant true
          %reduce_max3A_169 = vector.broadcast %reduce_max3A : i1 to vector<16xi1>
          %reduce_max3A_170 = arith.constant -2147483648 : i32
          %reduce_max3A_171 = vector.broadcast %reduce_max3A_170 : i32 to vector<16xi32>
          %reduce_max3A_172 = arith.xori %select_n3A_168, %reduce_max3A_171 : vector<16xi32>
          %reduce_max3A_173 = tpu.scan <max>, %reduce_max3A_172 masked %reduce_max3A_169 : vector<16xi32>, vector<16xi1> -> vector<16xi32>
          %reduce_max3A_174 = arith.xori %reduce_max3A_173, %reduce_max3A_171 : vector<16xi32>
          %reduce_max3A_175 = vector.extract %reduce_max3A_174[15] : i32 from vector<16xi32>
          %shift_right_logical3A_176 = arith.constant 6 : i32
          %shift_right_logical3A_177 = vector.broadcast %shift_right_logical3A_176 : i32 to vector<16xi32>
          %shift_right_logical3A_178 = arith.shrui %gather3A, %shift_right_logical3A_177 : vector<16xi32>
          %and3A_179 = arith.constant 63 : i32
          %and3A_180 = vector.broadcast %and3A_179 : i32 to vector<16xi32>
          %and3A_181 = arith.andi %gather3A, %and3A_180 : vector<16xi32>
          %gt3A = arith.constant 0 : i32
          %gt3A_182 = arith.cmpi sgt, %reduce_max3A_175, %gt3A : i32
          %convert_element_type3A_183 = arith.extui %gt3A_182 : i1 to i32
          %cond3A_184 = arith.constant 0 : i32
          %cond3A_185 = arith.cmpi ne, %convert_element_type3A_183, %cond3A_184 : i32
          scf.if %cond3A_185 {
            %while3A_187 = arith.constant 0 : i32
            %while3A_188 = scf.while (%while3A_189 = %while3A_187) : (i32) -> i32 {
              %le3A = arith.cmpi sle, %while3A_189, %reduce_max3A_175 : i32
              scf.condition(%le3A) %while3A_189 : i32
            } do {
            ^bb0(%while3A_189: i32):
              %eq3A_190 = vector.broadcast %while3A_189 : i32 to vector<16xi32>
              %eq3A_191 = arith.cmpi eq, %select_n3A_168, %eq3A_190 : vector<16xi32>
              %and3A_192 = arith.andi %lt3A_147, %eq3A_191 : vector<16xi1>
              tpu.vector_store_idx %arg6[%shift_right_logical3A_178, %and3A_181], %bitcast3A masked %and3A_192 {add = true} : memref<512x64xf32, #tpu.memory_space<vmem>>[vector<16xi32>, vector<16xi32>], vector<16xf32>, vector<16xi1>
              %add3A_193 = arith.constant 1 : i32
              %add3A_194 = arith.addi %while3A_189, %add3A_193 : i32
              scf.yield %add3A_194 : i32
            }
          } else {
            tpu.vector_store_idx %arg6[%shift_right_logical3A_178, %and3A_181], %bitcast3A masked %lt3A_147 {add = true} : memref<512x64xf32, #tpu.memory_space<vmem>>[vector<16xi32>, vector<16xi32>], vector<16xf32>, vector<16xi1>
          }
          %while3A_186 = arith.constant 0 : i32
          scf.yield %while3A_186 : i32
        }
        %while3A_131 = arith.constant 1 : i32
        %while3A_132 = scf.for %while3A_141 = %while3A_128 to %while3A_124 step %while3A_131 iter_args(%while3A_142 = %while3A_130) -> (i32)  : i32 {
          %mul3A_143 = arith.constant 16 : i32
          %mul3A_144 = arith.muli %while3A_141, %mul3A_143 : i32
          %add3A_145 = vector.broadcast %mul3A_144 : i32 to vector<16xi32>
          %add3A_146 = arith.addi %add3A_145, %iota3A : vector<16xi32>
          %lt3A = vector.broadcast %min3A_102 : i32 to vector<16xi32>
          %lt3A_147 = arith.cmpi slt, %add3A_146, %lt3A : vector<16xi32>
          %mul3A_148 = arith.constant 2 : i32
          %mul3A_149 = vector.broadcast %mul3A_148 : i32 to vector<16xi32>
          %mul3A_150 = arith.muli %add3A_146, %mul3A_149 : vector<16xi32>
          %add3A_151 = vector.broadcast %mul3A_101 : i32 to vector<16xi32>
          %add3A_152 = arith.addi %add3A_151, %mul3A_150 : vector<16xi32>
          %gather3A = tpu.vector_load_idx %arg9[%add3A_152] : memref<4096xi32, #tpu.memory_space<vmem>>[vector<16xi32>], vector<16xi32>,
          %mul3A_153 = arith.constant 2 : i32
          %mul3A_154 = vector.broadcast %mul3A_153 : i32 to vector<16xi32>
          %mul3A_155 = arith.muli %add3A_146, %mul3A_154 : vector<16xi32>
          %add3A_156 = vector.broadcast %mul3A_101 : i32 to vector<16xi32>
          %add3A_157 = arith.addi %add3A_156, %mul3A_155 : vector<16xi32>
          %add3A_158 = arith.constant 1 : i32
          %add3A_159 = vector.broadcast %add3A_158 : i32 to vector<16xi32>
          %add3A_160 = arith.addi %add3A_157, %add3A_159 : vector<16xi32>
          %gather3A_161 = tpu.vector_load_idx %arg9[%add3A_160] : memref<4096xi32, #tpu.memory_space<vmem>>[vector<16xi32>], vector<16xi32>,
          %bitcast3A = vector.bitcast %gather3A_161 : vector<16xi32> to vector<16xf32>
          %unique3A_162, %unique3A_163 = tpu.scan_count mask(%lt3A_147 : vector<16xi1>) value(%gather3A : vector<16xi32>) : vector<16xi1>, vector<16xi32>
          %sub3A_164 = vector.broadcast %reduce_min3A_11 : i32 to vector<16xi32>
          %sub3A_165 = arith.subi %unique3A_163, %sub3A_164 : vector<16xi32>
          %jit3A_166 = arith.constant 0 : i32
          %broadcast_in_dim3A_167 = vector.broadcast %jit3A_166 : i32 to vector<16xi32>
          %select_n3A_168 = arith.select %lt3A_147, %sub3A_165, %broadcast_in_dim3A_167 : vector<16xi1>, vector<16xi32>
          %reduce_max3A = arith.constant true
          %reduce_max3A_169 = vector.broadcast %reduce_max3A : i1 to vector<16xi1>
          %reduce_max3A_170 = arith.constant -2147483648 : i32
          %reduce_max3A_171 = vector.broadcast %reduce_max3A_170 : i32 to vector<16xi32>
          %reduce_max3A_172 = arith.xori %select_n3A_168, %reduce_max3A_171 : vector<16xi32>
          %reduce_max3A_173 = tpu.scan <max>, %reduce_max3A_172 masked %reduce_max3A_169 : vector<16xi32>, vector<16xi1> -> vector<16xi32>
          %reduce_max3A_174 = arith.xori %reduce_max3A_173, %reduce_max3A_171 : vector<16xi32>
          %reduce_max3A_175 = vector.extract %reduce_max3A_174[15] : i32 from vector<16xi32>
          %shift_right_logical3A_176 = arith.constant 6 : i32
          %shift_right_logical3A_177 = vector.broadcast %shift_right_logical3A_176 : i32 to vector<16xi32>
          %shift_right_logical3A_178 = arith.shrui %gather3A, %shift_right_logical3A_177 : vector<16xi32>
          %and3A_179 = arith.constant 63 : i32
          %and3A_180 = vector.broadcast %and3A_179 : i32 to vector<16xi32>
          %and3A_181 = arith.andi %gather3A, %and3A_180 : vector<16xi32>
          %gt3A = arith.constant 0 : i32
          %gt3A_182 = arith.cmpi sgt, %reduce_max3A_175, %gt3A : i32
          %convert_element_type3A_183 = arith.extui %gt3A_182 : i1 to i32
          %cond3A_184 = arith.constant 0 : i32
          %cond3A_185 = arith.cmpi ne, %convert_element_type3A_183, %cond3A_184 : i32
          scf.if %cond3A_185 {
            %while3A_187 = arith.constant 0 : i32
            %while3A_188 = scf.while (%while3A_189 = %while3A_187) : (i32) -> i32 {
              %le3A = arith.cmpi sle, %while3A_189, %reduce_max3A_175 : i32
              scf.condition(%le3A) %while3A_189 : i32
            } do {
            ^bb0(%while3A_189: i32):
              %eq3A_190 = vector.broadcast %while3A_189 : i32 to vector<16xi32>
              %eq3A_191 = arith.cmpi eq, %select_n3A_168, %eq3A_190 : vector<16xi32>
              %and3A_192 = arith.andi %lt3A_147, %eq3A_191 : vector<16xi1>
              tpu.vector_store_idx %arg6[%shift_right_logical3A_178, %and3A_181], %bitcast3A masked %and3A_192 {add = true} : memref<512x64xf32, #tpu.memory_space<vmem>>[vector<16xi32>, vector<16xi32>], vector<16xf32>, vector<16xi1>
              %add3A_193 = arith.constant 1 : i32
              %add3A_194 = arith.addi %while3A_189, %add3A_193 : i32
              scf.yield %add3A_194 : i32
            }
          } else {
            tpu.vector_store_idx %arg6[%shift_right_logical3A_178, %and3A_181], %bitcast3A masked %lt3A_147 {add = true} : memref<512x64xf32, #tpu.memory_space<vmem>>[vector<16xi32>, vector<16xi32>], vector<16xf32>, vector<16xi1>
          }
          %while3A_186 = arith.constant 0 : i32
          scf.yield %while3A_186 : i32
        }
        %mul3A_133 = arith.constant 81920 : i32
        %mul3A_134 = arith.muli %scan3A_93, %mul3A_133 : i32
        %mul3A_135 = arith.constant 2 : i32
        %mul3A_136 = arith.muli %shift_right_logical3A_96, %mul3A_135 : i32
        %add3A_137 = arith.addi %mul3A_134, %mul3A_136 : i32
        %while3A_138 = arith.constant 64 : i32
        %while3A_139 = scf.while (%while3A_141 = %while3A_138) : (i32) -> i32 {
          %lt3A = arith.cmpi slt, %while3A_141, %and3A_97 : i32
          scf.condition(%lt3A) %while3A_141 : i32
        } do {
        ^bb0(%while3A_141: i32):
          %mul3A_142 = arith.constant 2 : i32
          %mul3A_143 = arith.muli %while3A_141, %mul3A_142 : i32
          %add3A_144 = arith.addi %add3A_137, %mul3A_143 : i32
          %multiple_of3A_145 = tpu.assume_multiple %add3A_144, 8 : i32
          "tpu.region"() ({
            %run_scoped3A = tpu.sem_alloc : memref<!tpu.dma_semaphore, #tpu.memory_space<semaphore_mem>>
            %dma_start3A_189 = tpu.memref_slice %arg3[%multiple_of3A_145] : memref<2622464xi32, #tpu.memory_space<hbm>> -> memref<128xi32, #tpu.memory_space<hbm>>
            %dma_start3A_190 = tpu.memref_slice %arg3[%multiple_of3A_145] : memref<2622464xi32, #tpu.memory_space<hbm>> -> memref<128xi32, #tpu.memory_space<hbm>>
            tpu.enqueue_dma source(%dma_start3A_190 : memref<128xi32, #tpu.memory_space<hbm>>) target(%arg10 : memref<128xi32, #tpu.memory_space<vmem>>) target_semaphore(%run_scoped3A : memref<!tpu.dma_semaphore, #tpu.memory_space<semaphore_mem>>)
            %dma_wait3A_191 = tpu.memref_slice %arg3[%multiple_of3A_145] : memref<2622464xi32, #tpu.memory_space<hbm>> -> memref<128xi32, #tpu.memory_space<hbm>>
            %dma_wait3A_192 = tpu.memref_slice %arg3[%multiple_of3A_145] : memref<2622464xi32, #tpu.memory_space<hbm>> -> memref<128xi32, #tpu.memory_space<hbm>>
            tpu.wait_dma2 semaphore(%run_scoped3A : memref<!tpu.dma_semaphore, #tpu.memory_space<semaphore_mem>>) src(%dma_wait3A_192 : memref<128xi32, #tpu.memory_space<hbm>>) dst(%arg10 : memref<128xi32, #tpu.memory_space<vmem>>)
            tpu.yield
          }) : () -> ()
          %sub3A_146 = arith.subi %and3A_97, %while3A_141 : i32
          %min3A_147 = arith.constant 64 : i32
          %min3A_148 = arith.minsi %sub3A_146, %min3A_147 : i32
          %add3A_149 = arith.constant 15 : i32
          %add3A_150 = arith.addi %min3A_148, %add3A_149 : i32
          %jit3A_151 = arith.constant 16 : i32
          %div3A_152 = arith.divsi %add3A_150, %jit3A_151 : i32
          %sign3A_153 = arith.constant 0 : i32
          %sign3A_154 = arith.cmpi sgt, %add3A_150, %sign3A_153 : i32
          %sign3A_155 = arith.extui %sign3A_154 : i1 to i32
          %sign3A_156 = arith.constant 0 : i32
          %sign3A_157 = arith.cmpi slt, %add3A_150, %sign3A_156 : i32
          %sign3A_158 = arith.extui %sign3A_157 : i1 to i32
          %sign3A_159 = arith.subi %sign3A_155, %sign3A_158 : i32
          %sign3A_160 = arith.constant 0 : i32
          %sign3A_161 = arith.cmpi sgt, %jit3A_151, %sign3A_160 : i32
          %sign3A_162 = arith.extui %sign3A_161 : i1 to i32
          %sign3A_163 = arith.constant 0 : i32
          %sign3A_164 = arith.cmpi slt, %jit3A_151, %sign3A_163 : i32
          %sign3A_165 = arith.extui %sign3A_164 : i1 to i32
          %sign3A_166 = arith.subi %sign3A_162, %sign3A_165 : i32
          %ne3A_167 = arith.cmpi ne, %sign3A_159, %sign3A_166 : i32
          %rem3A_168 = arith.remsi %add3A_150, %jit3A_151 : i32
          %ne3A_169 = arith.constant 0 : i32
          %ne3A_170 = arith.cmpi ne, %rem3A_168, %ne3A_169 : i32
          %and3A_171 = arith.andi %ne3A_167, %ne3A_170 : i1
          %sub3A_172 = arith.constant 1 : i32
          %sub3A_173 = arith.subi %div3A_152, %sub3A_172 : i32
          %select_n3A_174 = arith.select %and3A_171, %sub3A_173, %div3A_152 : i32
          %while3A_175 = arith.constant 0 : i32
          %while3A_176 = arith.constant 0 : i32
          %while3A_177 = arith.subi %select_n3A_174, %while3A_175 : i32
          %while3A_178 = arith.addi %while3A_175, %while3A_177 : i32
          %while3A_179 = arith.constant 1 : i32
          %while3A_180 = arith.divsi %while3A_177, %while3A_179 : i32
          %while3A_181 = arith.muli %while3A_180, %while3A_179 : i32
          %while3A_182 = arith.addi %while3A_175, %while3A_181 : i32
          %while3A_183 = arith.constant 1 : i32
          %while3A_184 = scf.for %while3A_189 = %while3A_175 to %while3A_182 step %while3A_183 iter_args(%while3A_190 = %while3A_176) -> (i32)  : i32 {
            %mul3A_191 = arith.constant 16 : i32
            %mul3A_192 = arith.muli %while3A_189, %mul3A_191 : i32
            %add3A_193 = vector.broadcast %mul3A_192 : i32 to vector<16xi32>
            %add3A_194 = arith.addi %add3A_193, %iota3A : vector<16xi32>
            %lt3A = vector.broadcast %min3A_148 : i32 to vector<16xi32>
            %lt3A_195 = arith.cmpi slt, %add3A_194, %lt3A : vector<16xi32>
            %mul3A_196 = arith.constant 2 : i32
            %mul3A_197 = vector.broadcast %mul3A_196 : i32 to vector<16xi32>
            %mul3A_198 = arith.muli %add3A_194, %mul3A_197 : vector<16xi32>
            %add3A_199 = arith.constant 0 : i32
            %add3A_200 = vector.broadcast %add3A_199 : i32 to vector<16xi32>
            %add3A_201 = arith.addi %add3A_200, %mul3A_198 : vector<16xi32>
            %gather3A = tpu.vector_load_idx %arg10[%add3A_201] : memref<128xi32, #tpu.memory_space<vmem>>[vector<16xi32>], vector<16xi32>,
            %mul3A_202 = arith.constant 2 : i32
            %mul3A_203 = vector.broadcast %mul3A_202 : i32 to vector<16xi32>
            %mul3A_204 = arith.muli %add3A_194, %mul3A_203 : vector<16xi32>
            %add3A_205 = arith.constant 0 : i32
            %add3A_206 = vector.broadcast %add3A_205 : i32 to vector<16xi32>
            %add3A_207 = arith.addi %add3A_206, %mul3A_204 : vector<16xi32>
            %add3A_208 = arith.constant 1 : i32
            %add3A_209 = vector.broadcast %add3A_208 : i32 to vector<16xi32>
            %add3A_210 = arith.addi %add3A_207, %add3A_209 : vector<16xi32>
            %gather3A_211 = tpu.vector_load_idx %arg10[%add3A_210] : memref<128xi32, #tpu.memory_space<vmem>>[vector<16xi32>], vector<16xi32>,
            %bitcast3A = vector.bitcast %gather3A_211 : vector<16xi32> to vector<16xf32>
            %unique3A_212, %unique3A_213 = tpu.scan_count mask(%lt3A_195 : vector<16xi1>) value(%gather3A : vector<16xi32>) : vector<16xi1>, vector<16xi32>
            %sub3A_214 = vector.broadcast %reduce_min3A_11 : i32 to vector<16xi32>
            %sub3A_215 = arith.subi %unique3A_213, %sub3A_214 : vector<16xi32>
            %jit3A_216 = arith.constant 0 : i32
            %broadcast_in_dim3A_217 = vector.broadcast %jit3A_216 : i32 to vector<16xi32>
            %select_n3A_218 = arith.select %lt3A_195, %sub3A_215, %broadcast_in_dim3A_217 : vector<16xi1>, vector<16xi32>
            %reduce_max3A = arith.constant true
            %reduce_max3A_219 = vector.broadcast %reduce_max3A : i1 to vector<16xi1>
            %reduce_max3A_220 = arith.constant -2147483648 : i32
            %reduce_max3A_221 = vector.broadcast %reduce_max3A_220 : i32 to vector<16xi32>
            %reduce_max3A_222 = arith.xori %select_n3A_218, %reduce_max3A_221 : vector<16xi32>
            %reduce_max3A_223 = tpu.scan <max>, %reduce_max3A_222 masked %reduce_max3A_219 : vector<16xi32>, vector<16xi1> -> vector<16xi32>
            %reduce_max3A_224 = arith.xori %reduce_max3A_223, %reduce_max3A_221 : vector<16xi32>
            %reduce_max3A_225 = vector.extract %reduce_max3A_224[15] : i32 from vector<16xi32>
            %shift_right_logical3A_226 = arith.constant 6 : i32
            %shift_right_logical3A_227 = vector.broadcast %shift_right_logical3A_226 : i32 to vector<16xi32>
            %shift_right_logical3A_228 = arith.shrui %gather3A, %shift_right_logical3A_227 : vector<16xi32>
            %and3A_229 = arith.constant 63 : i32
            %and3A_230 = vector.broadcast %and3A_229 : i32 to vector<16xi32>
            %and3A_231 = arith.andi %gather3A, %and3A_230 : vector<16xi32>
            %gt3A = arith.constant 0 : i32
            %gt3A_232 = arith.cmpi sgt, %reduce_max3A_225, %gt3A : i32
            %convert_element_type3A_233 = arith.extui %gt3A_232 : i1 to i32
            %cond3A_234 = arith.constant 0 : i32
            %cond3A_235 = arith.cmpi ne, %convert_element_type3A_233, %cond3A_234 : i32
            scf.if %cond3A_235 {
              %while3A_237 = arith.constant 0 : i32
              %while3A_238 = scf.while (%while3A_239 = %while3A_237) : (i32) -> i32 {
                %le3A = arith.cmpi sle, %while3A_239, %reduce_max3A_225 : i32
                scf.condition(%le3A) %while3A_239 : i32
              } do {
              ^bb0(%while3A_239: i32):
                %eq3A_240 = vector.broadcast %while3A_239 : i32 to vector<16xi32>
                %eq3A_241 = arith.cmpi eq, %select_n3A_218, %eq3A_240 : vector<16xi32>
                %and3A_242 = arith.andi %lt3A_195, %eq3A_241 : vector<16xi1>
                tpu.vector_store_idx %arg6[%shift_right_logical3A_228, %and3A_231], %bitcast3A masked %and3A_242 {add = true} : memref<512x64xf32, #tpu.memory_space<vmem>>[vector<16xi32>, vector<16xi32>], vector<16xf32>, vector<16xi1>
                %add3A_243 = arith.constant 1 : i32
                %add3A_244 = arith.addi %while3A_239, %add3A_243 : i32
                scf.yield %add3A_244 : i32
              }
            } else {
              tpu.vector_store_idx %arg6[%shift_right_logical3A_228, %and3A_231], %bitcast3A masked %lt3A_195 {add = true} : memref<512x64xf32, #tpu.memory_space<vmem>>[vector<16xi32>, vector<16xi32>], vector<16xf32>, vector<16xi1>
            }
            %while3A_236 = arith.constant 0 : i32
            scf.yield %while3A_236 : i32
          }
          %while3A_185 = arith.constant 1 : i32
          %while3A_186 = scf.for %while3A_189 = %while3A_182 to %while3A_178 step %while3A_185 iter_args(%while3A_190 = %while3A_184) -> (i32)  : i32 {
            %mul3A_191 = arith.constant 16 : i32
            %mul3A_192 = arith.muli %while3A_189, %mul3A_191 : i32
            %add3A_193 = vector.broadcast %mul3A_192 : i32 to vector<16xi32>
            %add3A_194 = arith.addi %add3A_193, %iota3A : vector<16xi32>
            %lt3A = vector.broadcast %min3A_148 : i32 to vector<16xi32>
            %lt3A_195 = arith.cmpi slt, %add3A_194, %lt3A : vector<16xi32>
            %mul3A_196 = arith.constant 2 : i32
            %mul3A_197 = vector.broadcast %mul3A_196 : i32 to vector<16xi32>
            %mul3A_198 = arith.muli %add3A_194, %mul3A_197 : vector<16xi32>
            %add3A_199 = arith.constant 0 : i32
            %add3A_200 = vector.broadcast %add3A_199 : i32 to vector<16xi32>
            %add3A_201 = arith.addi %add3A_200, %mul3A_198 : vector<16xi32>
            %gather3A = tpu.vector_load_idx %arg10[%add3A_201] : memref<128xi32, #tpu.memory_space<vmem>>[vector<16xi32>], vector<16xi32>,
            %mul3A_202 = arith.constant 2 : i32
            %mul3A_203 = vector.broadcast %mul3A_202 : i32 to vector<16xi32>
            %mul3A_204 = arith.muli %add3A_194, %mul3A_203 : vector<16xi32>
            %add3A_205 = arith.constant 0 : i32
            %add3A_206 = vector.broadcast %add3A_205 : i32 to vector<16xi32>
            %add3A_207 = arith.addi %add3A_206, %mul3A_204 : vector<16xi32>
            %add3A_208 = arith.constant 1 : i32
            %add3A_209 = vector.broadcast %add3A_208 : i32 to vector<16xi32>
            %add3A_210 = arith.addi %add3A_207, %add3A_209 : vector<16xi32>
            %gather3A_211 = tpu.vector_load_idx %arg10[%add3A_210] : memref<128xi32, #tpu.memory_space<vmem>>[vector<16xi32>], vector<16xi32>,
            %bitcast3A = vector.bitcast %gather3A_211 : vector<16xi32> to vector<16xf32>
            %unique3A_212, %unique3A_213 = tpu.scan_count mask(%lt3A_195 : vector<16xi1>) value(%gather3A : vector<16xi32>) : vector<16xi1>, vector<16xi32>
            %sub3A_214 = vector.broadcast %reduce_min3A_11 : i32 to vector<16xi32>
            %sub3A_215 = arith.subi %unique3A_213, %sub3A_214 : vector<16xi32>
            %jit3A_216 = arith.constant 0 : i32
            %broadcast_in_dim3A_217 = vector.broadcast %jit3A_216 : i32 to vector<16xi32>
            %select_n3A_218 = arith.select %lt3A_195, %sub3A_215, %broadcast_in_dim3A_217 : vector<16xi1>, vector<16xi32>
            %reduce_max3A = arith.constant true
            %reduce_max3A_219 = vector.broadcast %reduce_max3A : i1 to vector<16xi1>
            %reduce_max3A_220 = arith.constant -2147483648 : i32
            %reduce_max3A_221 = vector.broadcast %reduce_max3A_220 : i32 to vector<16xi32>
            %reduce_max3A_222 = arith.xori %select_n3A_218, %reduce_max3A_221 : vector<16xi32>
            %reduce_max3A_223 = tpu.scan <max>, %reduce_max3A_222 masked %reduce_max3A_219 : vector<16xi32>, vector<16xi1> -> vector<16xi32>
            %reduce_max3A_224 = arith.xori %reduce_max3A_223, %reduce_max3A_221 : vector<16xi32>
            %reduce_max3A_225 = vector.extract %reduce_max3A_224[15] : i32 from vector<16xi32>
            %shift_right_logical3A_226 = arith.constant 6 : i32
            %shift_right_logical3A_227 = vector.broadcast %shift_right_logical3A_226 : i32 to vector<16xi32>
            %shift_right_logical3A_228 = arith.shrui %gather3A, %shift_right_logical3A_227 : vector<16xi32>
            %and3A_229 = arith.constant 63 : i32
            %and3A_230 = vector.broadcast %and3A_229 : i32 to vector<16xi32>
            %and3A_231 = arith.andi %gather3A, %and3A_230 : vector<16xi32>
            %gt3A = arith.constant 0 : i32
            %gt3A_232 = arith.cmpi sgt, %reduce_max3A_225, %gt3A : i32
            %convert_element_type3A_233 = arith.extui %gt3A_232 : i1 to i32
            %cond3A_234 = arith.constant 0 : i32
            %cond3A_235 = arith.cmpi ne, %convert_element_type3A_233, %cond3A_234 : i32
            scf.if %cond3A_235 {
              %while3A_237 = arith.constant 0 : i32
              %while3A_238 = scf.while (%while3A_239 = %while3A_237) : (i32) -> i32 {
                %le3A = arith.cmpi sle, %while3A_239, %reduce_max3A_225 : i32
                scf.condition(%le3A) %while3A_239 : i32
              } do {
              ^bb0(%while3A_239: i32):
                %eq3A_240 = vector.broadcast %while3A_239 : i32 to vector<16xi32>
                %eq3A_241 = arith.cmpi eq, %select_n3A_218, %eq3A_240 : vector<16xi32>
                %and3A_242 = arith.andi %lt3A_195, %eq3A_241 : vector<16xi1>
                tpu.vector_store_idx %arg6[%shift_right_logical3A_228, %and3A_231], %bitcast3A masked %and3A_242 {add = true} : memref<512x64xf32, #tpu.memory_space<vmem>>[vector<16xi32>, vector<16xi32>], vector<16xf32>, vector<16xi1>
                %add3A_243 = arith.constant 1 : i32
                %add3A_244 = arith.addi %while3A_239, %add3A_243 : i32
                scf.yield %add3A_244 : i32
              }
            } else {
              tpu.vector_store_idx %arg6[%shift_right_logical3A_228, %and3A_231], %bitcast3A masked %lt3A_195 {add = true} : memref<512x64xf32, #tpu.memory_space<vmem>>[vector<16xi32>, vector<16xi32>], vector<16xf32>, vector<16xi1>
            }
            %while3A_236 = arith.constant 0 : i32
            scf.yield %while3A_236 : i32
          }
          %add3A_187 = arith.constant 64 : i32
          %add3A_188 = arith.addi %while3A_141, %add3A_187 : i32
          scf.yield %add3A_188 : i32
        }
        %scan3A_140 = arith.constant 0 : i32
        scf.yield %scan3A_140 : i32
      }
      %scan3A_91 = arith.constant 32 : i32
      "tpu.region"() ({
        %run_scoped3A = tpu.sem_alloc : memref<!tpu.dma_semaphore, #tpu.memory_space<semaphore_mem>>
        %dma_start3A_93 = arith.constant 0 : i32
        %dma_start3A_94 = arith.constant 0 : i32
        %dma_start3A_95 = tpu.memref_slice %arg6[%dma_start3A_93, %dma_start3A_94] : memref<512x64xf32, #tpu.memory_space<vmem>> -> memref<512x64xf32, #tpu.memory_space<vmem>>
        %dma_start3A_96 = arith.constant 0 : i32
        %dma_start3A_97 = tpu.memref_slice %arg5[%multiple_of3A, %dma_start3A_96] : memref<1000000x64xf32, #tpu.memory_space<hbm>> -> memref<512x64xf32, #tpu.memory_space<hbm>>
        %dma_start3A_98 = arith.constant 0 : i32
        %dma_start3A_99 = tpu.memref_slice %arg5[%multiple_of3A, %dma_start3A_98] : memref<1000000x64xf32, #tpu.memory_space<hbm>> -> memref<512x64xf32, #tpu.memory_space<hbm>>
        %dma_start3A_100 = arith.constant 0 : i32
        %dma_start3A_101 = arith.constant 0 : i32
        %dma_start3A_102 = tpu.memref_slice %arg6[%dma_start3A_100, %dma_start3A_101] : memref<512x64xf32, #tpu.memory_space<vmem>> -> memref<512x64xf32, #tpu.memory_space<vmem>>
        tpu.enqueue_dma source(%dma_start3A_102 : memref<512x64xf32, #tpu.memory_space<vmem>>) target(%dma_start3A_99 : memref<512x64xf32, #tpu.memory_space<hbm>>) target_semaphore(%run_scoped3A : memref<!tpu.dma_semaphore, #tpu.memory_space<semaphore_mem>>)
        %dma_wait3A_103 = arith.constant 0 : i32
        %dma_wait3A_104 = arith.constant 0 : i32
        %dma_wait3A_105 = tpu.memref_slice %arg6[%dma_wait3A_103, %dma_wait3A_104] : memref<512x64xf32, #tpu.memory_space<vmem>> -> memref<512x64xf32, #tpu.memory_space<vmem>>
        %dma_wait3A_106 = arith.constant 0 : i32
        %dma_wait3A_107 = tpu.memref_slice %arg5[%multiple_of3A, %dma_wait3A_106] : memref<1000000x64xf32, #tpu.memory_space<hbm>> -> memref<512x64xf32, #tpu.memory_space<hbm>>
        %dma_wait3A_108 = arith.constant 0 : i32
        %dma_wait3A_109 = tpu.memref_slice %arg5[%multiple_of3A, %dma_wait3A_108] : memref<1000000x64xf32, #tpu.memory_space<hbm>> -> memref<512x64xf32, #tpu.memory_space<hbm>>
        %dma_wait3A_110 = arith.constant 0 : i32
        %dma_wait3A_111 = arith.constant 0 : i32
        %dma_wait3A_112 = tpu.memref_slice %arg6[%dma_wait3A_110, %dma_wait3A_111] : memref<512x64xf32, #tpu.memory_space<vmem>> -> memref<512x64xf32, #tpu.memory_space<vmem>>
        tpu.wait_dma2 semaphore(%run_scoped3A : memref<!tpu.dma_semaphore, #tpu.memory_space<semaphore_mem>>) src(%dma_wait3A_112 : memref<512x64xf32, #tpu.memory_space<vmem>>) dst(%dma_wait3A_109 : memref<512x64xf32, #tpu.memory_space<hbm>>)
        tpu.yield
      }) : () -> ()
      %scan3A_92 = arith.constant 0 : i32
      scf.yield %scan3A_92 : i32
    }
    %scan3A_17 = arith.constant 61 : i32
    %eq3A = arith.constant 0 : i32
    %eq3A_18 = arith.cmpi eq, %add3A, %eq3A : i32
    %convert_element_type3A = arith.extui %eq3A_18 : i1 to i32
    %cond3A = arith.constant 0 : i32
    %cond3A_19 = arith.cmpi ne, %convert_element_type3A, %cond3A : i32
    scf.if %cond3A_19 {
      %mul3A_25 = arith.constant 2048 : i32
      %mul3A_26 = vector.broadcast %mul3A_25 : i32 to vector<16xi32>
      %mul3A_27 = arith.muli %iota3A, %mul3A_26 : vector<16xi32>
      %add3A_28 = arith.constant 1952 : i32
      %add3A_29 = vector.broadcast %add3A_28 : i32 to vector<16xi32>
      %add3A_30 = arith.addi %mul3A_27, %add3A_29 : vector<16xi32>
      %swap3A = arith.constant 0 : index
      %swap3A_31 = tpu.vector_load %arg7[%swap3A] {strides = array<i32>} : memref<32xi32, #tpu.memory_space<vmem>>, vector<16xi32>,
      tpu.vector_store %arg7[%swap3A], %add3A_30 {strides = array<i32>} : memref<32xi32, #tpu.memory_space<vmem>>, vector<16xi32>,
      %add3A_32 = arith.constant 16 : i32
      %add3A_33 = vector.broadcast %add3A_32 : i32 to vector<16xi32>
      %add3A_34 = arith.addi %iota3A, %add3A_33 : vector<16xi32>
      %mul3A_35 = arith.constant 2048 : i32
      %mul3A_36 = vector.broadcast %mul3A_35 : i32 to vector<16xi32>
      %mul3A_37 = arith.muli %add3A_34, %mul3A_36 : vector<16xi32>
      %add3A_38 = arith.constant 1952 : i32
      %add3A_39 = vector.broadcast %add3A_38 : i32 to vector<16xi32>
      %add3A_40 = arith.addi %mul3A_37, %add3A_39 : vector<16xi32>
      %swap3A_41 = arith.constant 16 : index
      %swap3A_42 = tpu.vector_load %arg7[%swap3A_41] {strides = array<i32>} : memref<32xi32, #tpu.memory_space<vmem>>, vector<16xi32>,
      tpu.vector_store %arg7[%swap3A_41], %add3A_40 {strides = array<i32>} : memref<32xi32, #tpu.memory_space<vmem>>, vector<16xi32>,
      %dma_start3A = arith.constant 0 : i32
      %dma_start3A_43 = tpu.memref_slice %arg8[%dma_start3A] : memref<48xi32, #tpu.memory_space<vmem>> -> memref<32xi32, #tpu.memory_space<vmem>>
      %dma_start3A_44 = arith.constant 0 : i32
      %dma_start3A_45 = tpu.memref_slice %arg4[%dma_start3A_44] : memref<65536xi32, #tpu.memory_space<hbm>> -> memref<65536xi32, #tpu.memory_space<hbm>>
      tpu.enqueue_indirect_dma source(%dma_start3A_45 : memref<65536xi32, #tpu.memory_space<hbm>>) target(%dma_start3A_43 : memref<32xi32, #tpu.memory_space<vmem>>) offsets(%arg7 : memref<32xi32, #tpu.memory_space<vmem>>) semaphore(%arg11 : memref<!tpu.dma_semaphore, #tpu.memory_space<semaphore_mem>>)
      %dma_wait3A = arith.constant 0 : i32
      %dma_wait3A_46 = tpu.memref_slice %arg8[%dma_wait3A] : memref<48xi32, #tpu.memory_space<vmem>> -> memref<32xi32, #tpu.memory_space<vmem>>
      %dma_wait3A_47 = arith.constant 0 : i32
      %dma_wait3A_48 = tpu.memref_slice %arg4[%dma_wait3A_47] : memref<65536xi32, #tpu.memory_space<hbm>> -> memref<65536xi32, #tpu.memory_space<hbm>>
      tpu.wait_indirect_dma semaphore(%arg11 : memref<!tpu.dma_semaphore, #tpu.memory_space<semaphore_mem>>) src(%dma_wait3A_48 : memref<65536xi32, #tpu.memory_space<hbm>>) dst(%dma_wait3A_46 : memref<32xi32, #tpu.memory_space<vmem>>)
      %mul3A_49 = arith.constant 1952 : i32
      %mul3A_50 = arith.constant 512 : i32
      %mul3A_51 = arith.muli %mul3A_49, %mul3A_50 : i32
      %multiple_of3A = tpu.assume_multiple %mul3A_51, 512 : i32
      %dma_start3A_52 = arith.constant 0 : i32
      %dma_start3A_53 = arith.constant 0 : i32
      %dma_start3A_54 = tpu.memref_slice %arg6[%dma_start3A_52, %dma_start3A_53] : memref<512x64xf32, #tpu.memory_space<vmem>> -> memref<512x64xf32, #tpu.memory_space<vmem>>
      %dma_start3A_55 = arith.constant 0 : i32
      %dma_start3A_56 = tpu.memref_slice %arg2[%multiple_of3A, %dma_start3A_55] : memref<1000000x64xf32, #tpu.memory_space<hbm>> -> memref<512x64xf32, #tpu.memory_space<hbm>>
      %dma_start3A_57 = arith.constant 0 : i32
      %dma_start3A_58 = arith.constant 0 : i32
      %dma_start3A_59 = tpu.memref_slice %arg6[%dma_start3A_57, %dma_start3A_58] : memref<512x64xf32, #tpu.memory_space<vmem>> -> memref<512x64xf32, #tpu.memory_space<vmem>>
      %dma_start3A_60 = arith.constant 0 : i32
      %dma_start3A_61 = tpu.memref_slice %arg2[%multiple_of3A, %dma_start3A_60] : memref<1000000x64xf32, #tpu.memory_space<hbm>> -> memref<512x64xf32, #tpu.memory_space<hbm>>
      tpu.enqueue_dma source(%dma_start3A_61 : memref<512x64xf32, #tpu.memory_space<hbm>>) target(%dma_start3A_59 : memref<512x64xf32, #tpu.memory_space<vmem>>) target_semaphore(%arg11 : memref<!tpu.dma_semaphore, #tpu.memory_space<semaphore_mem>>)
      %scan3A_62 = arith.constant 0 : i32
      %scan3A_63 = arith.constant 0 : i32
      %scan3A_64 = arith.constant 32 : i32
      %scan3A_65 = arith.addi %scan3A_63, %scan3A_64 : i32
      %scan3A_66 = arith.constant 1 : i32
      %scan3A_67 = scf.for %scan3A_90 = %scan3A_63 to %scan3A_65 step %scan3A_66 iter_args(%scan3A_91 = %scan3A_62) -> (i32)  : i32 {
        %get3A = arith.index_cast %scan3A_90 : i32 to index
        %get3A_92 = tpu.vector_load %arg8[%get3A] {strides = array<i32>} : memref<48xi32, #tpu.memory_space<vmem>>, vector<16xi32>,
        %slice3A = vector.extract_strided_slice %get3A_92 {offsets = [0], sizes = [1], strides = [1]} : vector<16xi32> to vector<1xi32>
        %squeeze3A = vector.extract %slice3A[0] : i32 from vector<1xi32>
        %shift_right_logical3A = arith.constant 16 : i32
        %shift_right_logical3A_93 = arith.shrui %squeeze3A, %shift_right_logical3A : i32
        %mul3A_94 = arith.constant 81920 : i32
        %mul3A_95 = arith.muli %scan3A_90, %mul3A_94 : i32
        %mul3A_96 = arith.constant 2 : i32
        %mul3A_97 = arith.muli %shift_right_logical3A_93, %mul3A_96 : i32
        %add3A_98 = arith.addi %mul3A_95, %mul3A_97 : i32
        %multiple_of3A_99 = tpu.assume_multiple %add3A_98, 8 : i32
        %mul3A_100 = arith.constant 64 : i32
        %mul3A_101 = arith.muli %scan3A_90, %mul3A_100 : i32
        %mul3A_102 = arith.constant 2 : i32
        %mul3A_103 = arith.muli %mul3A_101, %mul3A_102 : i32
        %dma_start3A_104 = tpu.memref_slice %arg9[%mul3A_103] : memref<4096xi32, #tpu.memory_space<vmem>> -> memref<128xi32, #tpu.memory_space<vmem>>
        %dma_start3A_105 = tpu.memref_slice %arg3[%multiple_of3A_99] : memref<2622464xi32, #tpu.memory_space<hbm>> -> memref<128xi32, #tpu.memory_space<hbm>>
        %dma_start3A_106 = tpu.memref_slice %arg9[%mul3A_103] : memref<4096xi32, #tpu.memory_space<vmem>> -> memref<128xi32, #tpu.memory_space<vmem>>
        %dma_start3A_107 = tpu.memref_slice %arg3[%multiple_of3A_99] : memref<2622464xi32, #tpu.memory_space<hbm>> -> memref<128xi32, #tpu.memory_space<hbm>>
        tpu.enqueue_dma source(%dma_start3A_107 : memref<128xi32, #tpu.memory_space<hbm>>) target(%dma_start3A_106 : memref<128xi32, #tpu.memory_space<vmem>>) target_semaphore(%arg12 : memref<!tpu.dma_semaphore, #tpu.memory_space<semaphore_mem>>)
        %scan3A_108 = arith.constant 0 : i32
        scf.yield %scan3A_108 : i32
      }
      %scan3A_68 = arith.constant 32 : i32
      %dma_wait3A_69 = arith.constant 0 : i32
      %dma_wait3A_70 = tpu.memref_slice %arg3[%dma_wait3A_69] : memref<2622464xi32, #tpu.memory_space<hbm>> -> memref<4096xi32, #tpu.memory_space<hbm>>
      %dma_wait3A_71 = arith.constant 0 : i32
      %dma_wait3A_72 = tpu.memref_slice %arg3[%dma_wait3A_71] : memref<2622464xi32, #tpu.memory_space<hbm>> -> memref<4096xi32, #tpu.memory_space<hbm>>
      tpu.wait_dma2 semaphore(%arg12 : memref<!tpu.dma_semaphore, #tpu.memory_space<semaphore_mem>>) src(%dma_wait3A_72 : memref<4096xi32, #tpu.memory_space<hbm>>) dst(%arg9 : memref<4096xi32, #tpu.memory_space<vmem>>)
      %dma_wait3A_73 = arith.constant 0 : i32
      %dma_wait3A_74 = arith.constant 0 : i32
      %dma_wait3A_75 = tpu.memref_slice %arg6[%dma_wait3A_73, %dma_wait3A_74] : memref<512x64xf32, #tpu.memory_space<vmem>> -> memref<512x64xf32, #tpu.memory_space<vmem>>
      %dma_wait3A_76 = arith.constant 0 : i32
      %dma_wait3A_77 = tpu.memref_slice %arg2[%multiple_of3A, %dma_wait3A_76] : memref<1000000x64xf32, #tpu.memory_space<hbm>> -> memref<512x64xf32, #tpu.memory_space<hbm>>
      %dma_wait3A_78 = arith.constant 0 : i32
      %dma_wait3A_79 = arith.constant 0 : i32
      %dma_wait3A_80 = tpu.memref_slice %arg6[%dma_wait3A_78, %dma_wait3A_79] : memref<512x64xf32, #tpu.memory_space<vmem>> -> memref<512x64xf32, #tpu.memory_space<vmem>>
      %dma_wait3A_81 = arith.constant 0 : i32
      %dma_wait3A_82 = tpu.memref_slice %arg2[%multiple_of3A, %dma_wait3A_81] : memref<1000000x64xf32, #tpu.memory_space<hbm>> -> memref<512x64xf32, #tpu.memory_space<hbm>>
      tpu.wait_dma2 semaphore(%arg11 : memref<!tpu.dma_semaphore, #tpu.memory_space<semaphore_mem>>) src(%dma_wait3A_82 : memref<512x64xf32, #tpu.memory_space<hbm>>) dst(%dma_wait3A_80 : memref<512x64xf32, #tpu.memory_space<vmem>>)
      %scan3A_83 = arith.constant 0 : i32
      %scan3A_84 = arith.constant 0 : i32
      %scan3A_85 = arith.constant 32 : i32
      %scan3A_86 = arith.addi %scan3A_84, %scan3A_85 : i32
      %scan3A_87 = arith.constant 1 : i32
      %scan3A_88 = scf.for %scan3A_90 = %scan3A_84 to %scan3A_86 step %scan3A_87 iter_args(%scan3A_91 = %scan3A_83) -> (i32)  : i32 {
        %get3A = arith.index_cast %scan3A_90 : i32 to index
        %get3A_92 = tpu.vector_load %arg8[%get3A] {strides = array<i32>} : memref<48xi32, #tpu.memory_space<vmem>>, vector<16xi32>,
        %slice3A = vector.extract_strided_slice %get3A_92 {offsets = [0], sizes = [1], strides = [1]} : vector<16xi32> to vector<1xi32>
        %squeeze3A = vector.extract %slice3A[0] : i32 from vector<1xi32>
        %shift_right_logical3A = arith.constant 16 : i32
        %shift_right_logical3A_93 = arith.shrui %squeeze3A, %shift_right_logical3A : i32
        %and3A = arith.constant 65535 : i32
        %and3A_94 = arith.andi %squeeze3A, %and3A : i32
        %mul3A_95 = arith.constant 64 : i32
        %mul3A_96 = arith.muli %scan3A_90, %mul3A_95 : i32
        %mul3A_97 = arith.constant 2 : i32
        %mul3A_98 = arith.muli %mul3A_96, %mul3A_97 : i32
        %min3A = arith.constant 64 : i32
        %min3A_99 = arith.minsi %and3A_94, %min3A : i32
        %add3A_100 = arith.constant 15 : i32
        %add3A_101 = arith.addi %min3A_99, %add3A_100 : i32
        %jit3A = arith.constant 16 : i32
        %div3A = arith.divsi %add3A_101, %jit3A : i32
        %sign3A = arith.constant 0 : i32
        %sign3A_102 = arith.cmpi sgt, %add3A_101, %sign3A : i32
        %sign3A_103 = arith.extui %sign3A_102 : i1 to i32
        %sign3A_104 = arith.constant 0 : i32
        %sign3A_105 = arith.cmpi slt, %add3A_101, %sign3A_104 : i32
        %sign3A_106 = arith.extui %sign3A_105 : i1 to i32
        %sign3A_107 = arith.subi %sign3A_103, %sign3A_106 : i32
        %sign3A_108 = arith.constant 0 : i32
        %sign3A_109 = arith.cmpi sgt, %jit3A, %sign3A_108 : i32
        %sign3A_110 = arith.extui %sign3A_109 : i1 to i32
        %sign3A_111 = arith.constant 0 : i32
        %sign3A_112 = arith.cmpi slt, %jit3A, %sign3A_111 : i32
        %sign3A_113 = arith.extui %sign3A_112 : i1 to i32
        %sign3A_114 = arith.subi %sign3A_110, %sign3A_113 : i32
        %ne3A = arith.cmpi ne, %sign3A_107, %sign3A_114 : i32
        %rem3A = arith.remsi %add3A_101, %jit3A : i32
        %ne3A_115 = arith.constant 0 : i32
        %ne3A_116 = arith.cmpi ne, %rem3A, %ne3A_115 : i32
        %and3A_117 = arith.andi %ne3A, %ne3A_116 : i1
        %sub3A = arith.constant 1 : i32
        %sub3A_118 = arith.subi %div3A, %sub3A : i32
        %select_n3A = arith.select %and3A_117, %sub3A_118, %div3A : i32
        %while3A = arith.constant 0 : i32
        %while3A_119 = arith.constant 0 : i32
        %while3A_120 = arith.subi %select_n3A, %while3A : i32
        %while3A_121 = arith.addi %while3A, %while3A_120 : i32
        %while3A_122 = arith.constant 1 : i32
        %while3A_123 = arith.divsi %while3A_120, %while3A_122 : i32
        %while3A_124 = arith.muli %while3A_123, %while3A_122 : i32
        %while3A_125 = arith.addi %while3A, %while3A_124 : i32
        %while3A_126 = arith.constant 1 : i32
        %while3A_127 = scf.for %while3A_138 = %while3A to %while3A_125 step %while3A_126 iter_args(%while3A_139 = %while3A_119) -> (i32)  : i32 {
          %mul3A_140 = arith.constant 16 : i32
          %mul3A_141 = arith.muli %while3A_138, %mul3A_140 : i32
          %add3A_142 = vector.broadcast %mul3A_141 : i32 to vector<16xi32>
          %add3A_143 = arith.addi %add3A_142, %iota3A : vector<16xi32>
          %lt3A = vector.broadcast %min3A_99 : i32 to vector<16xi32>
          %lt3A_144 = arith.cmpi slt, %add3A_143, %lt3A : vector<16xi32>
          %mul3A_145 = arith.constant 2 : i32
          %mul3A_146 = vector.broadcast %mul3A_145 : i32 to vector<16xi32>
          %mul3A_147 = arith.muli %add3A_143, %mul3A_146 : vector<16xi32>
          %add3A_148 = vector.broadcast %mul3A_98 : i32 to vector<16xi32>
          %add3A_149 = arith.addi %add3A_148, %mul3A_147 : vector<16xi32>
          %gather3A = tpu.vector_load_idx %arg9[%add3A_149] : memref<4096xi32, #tpu.memory_space<vmem>>[vector<16xi32>], vector<16xi32>,
          %mul3A_150 = arith.constant 2 : i32
          %mul3A_151 = vector.broadcast %mul3A_150 : i32 to vector<16xi32>
          %mul3A_152 = arith.muli %add3A_143, %mul3A_151 : vector<16xi32>
          %add3A_153 = vector.broadcast %mul3A_98 : i32 to vector<16xi32>
          %add3A_154 = arith.addi %add3A_153, %mul3A_152 : vector<16xi32>
          %add3A_155 = arith.constant 1 : i32
          %add3A_156 = vector.broadcast %add3A_155 : i32 to vector<16xi32>
          %add3A_157 = arith.addi %add3A_154, %add3A_156 : vector<16xi32>
          %gather3A_158 = tpu.vector_load_idx %arg9[%add3A_157] : memref<4096xi32, #tpu.memory_space<vmem>>[vector<16xi32>], vector<16xi32>,
          %bitcast3A = vector.bitcast %gather3A_158 : vector<16xi32> to vector<16xf32>
          %unique3A_159, %unique3A_160 = tpu.scan_count mask(%lt3A_144 : vector<16xi1>) value(%gather3A : vector<16xi32>) : vector<16xi1>, vector<16xi32>
          %sub3A_161 = vector.broadcast %reduce_min3A_11 : i32 to vector<16xi32>
          %sub3A_162 = arith.subi %unique3A_160, %sub3A_161 : vector<16xi32>
          %jit3A_163 = arith.constant 0 : i32
          %broadcast_in_dim3A_164 = vector.broadcast %jit3A_163 : i32 to vector<16xi32>
          %select_n3A_165 = arith.select %lt3A_144, %sub3A_162, %broadcast_in_dim3A_164 : vector<16xi1>, vector<16xi32>
          %reduce_max3A = arith.constant true
          %reduce_max3A_166 = vector.broadcast %reduce_max3A : i1 to vector<16xi1>
          %reduce_max3A_167 = arith.constant -2147483648 : i32
          %reduce_max3A_168 = vector.broadcast %reduce_max3A_167 : i32 to vector<16xi32>
          %reduce_max3A_169 = arith.xori %select_n3A_165, %reduce_max3A_168 : vector<16xi32>
          %reduce_max3A_170 = tpu.scan <max>, %reduce_max3A_169 masked %reduce_max3A_166 : vector<16xi32>, vector<16xi1> -> vector<16xi32>
          %reduce_max3A_171 = arith.xori %reduce_max3A_170, %reduce_max3A_168 : vector<16xi32>
          %reduce_max3A_172 = vector.extract %reduce_max3A_171[15] : i32 from vector<16xi32>
          %shift_right_logical3A_173 = arith.constant 6 : i32
          %shift_right_logical3A_174 = vector.broadcast %shift_right_logical3A_173 : i32 to vector<16xi32>
          %shift_right_logical3A_175 = arith.shrui %gather3A, %shift_right_logical3A_174 : vector<16xi32>
          %and3A_176 = arith.constant 63 : i32
          %and3A_177 = vector.broadcast %and3A_176 : i32 to vector<16xi32>
          %and3A_178 = arith.andi %gather3A, %and3A_177 : vector<16xi32>
          %gt3A = arith.constant 0 : i32
          %gt3A_179 = arith.cmpi sgt, %reduce_max3A_172, %gt3A : i32
          %convert_element_type3A_180 = arith.extui %gt3A_179 : i1 to i32
          %cond3A_181 = arith.constant 0 : i32
          %cond3A_182 = arith.cmpi ne, %convert_element_type3A_180, %cond3A_181 : i32
          scf.if %cond3A_182 {
            %while3A_184 = arith.constant 0 : i32
            %while3A_185 = scf.while (%while3A_186 = %while3A_184) : (i32) -> i32 {
              %le3A = arith.cmpi sle, %while3A_186, %reduce_max3A_172 : i32
              scf.condition(%le3A) %while3A_186 : i32
            } do {
            ^bb0(%while3A_186: i32):
              %eq3A_187 = vector.broadcast %while3A_186 : i32 to vector<16xi32>
              %eq3A_188 = arith.cmpi eq, %select_n3A_165, %eq3A_187 : vector<16xi32>
              %and3A_189 = arith.andi %lt3A_144, %eq3A_188 : vector<16xi1>
              tpu.vector_store_idx %arg6[%shift_right_logical3A_175, %and3A_178], %bitcast3A masked %and3A_189 {add = true} : memref<512x64xf32, #tpu.memory_space<vmem>>[vector<16xi32>, vector<16xi32>], vector<16xf32>, vector<16xi1>
              %add3A_190 = arith.constant 1 : i32
              %add3A_191 = arith.addi %while3A_186, %add3A_190 : i32
              scf.yield %add3A_191 : i32
            }
          } else {
            tpu.vector_store_idx %arg6[%shift_right_logical3A_175, %and3A_178], %bitcast3A masked %lt3A_144 {add = true} : memref<512x64xf32, #tpu.memory_space<vmem>>[vector<16xi32>, vector<16xi32>], vector<16xf32>, vector<16xi1>
          }
          %while3A_183 = arith.constant 0 : i32
          scf.yield %while3A_183 : i32
        }
        %while3A_128 = arith.constant 1 : i32
        %while3A_129 = scf.for %while3A_138 = %while3A_125 to %while3A_121 step %while3A_128 iter_args(%while3A_139 = %while3A_127) -> (i32)  : i32 {
          %mul3A_140 = arith.constant 16 : i32
          %mul3A_141 = arith.muli %while3A_138, %mul3A_140 : i32
          %add3A_142 = vector.broadcast %mul3A_141 : i32 to vector<16xi32>
          %add3A_143 = arith.addi %add3A_142, %iota3A : vector<16xi32>
          %lt3A = vector.broadcast %min3A_99 : i32 to vector<16xi32>
          %lt3A_144 = arith.cmpi slt, %add3A_143, %lt3A : vector<16xi32>
          %mul3A_145 = arith.constant 2 : i32
          %mul3A_146 = vector.broadcast %mul3A_145 : i32 to vector<16xi32>
          %mul3A_147 = arith.muli %add3A_143, %mul3A_146 : vector<16xi32>
          %add3A_148 = vector.broadcast %mul3A_98 : i32 to vector<16xi32>
          %add3A_149 = arith.addi %add3A_148, %mul3A_147 : vector<16xi32>
          %gather3A = tpu.vector_load_idx %arg9[%add3A_149] : memref<4096xi32, #tpu.memory_space<vmem>>[vector<16xi32>], vector<16xi32>,
          %mul3A_150 = arith.constant 2 : i32
          %mul3A_151 = vector.broadcast %mul3A_150 : i32 to vector<16xi32>
          %mul3A_152 = arith.muli %add3A_143, %mul3A_151 : vector<16xi32>
          %add3A_153 = vector.broadcast %mul3A_98 : i32 to vector<16xi32>
          %add3A_154 = arith.addi %add3A_153, %mul3A_152 : vector<16xi32>
          %add3A_155 = arith.constant 1 : i32
          %add3A_156 = vector.broadcast %add3A_155 : i32 to vector<16xi32>
          %add3A_157 = arith.addi %add3A_154, %add3A_156 : vector<16xi32>
          %gather3A_158 = tpu.vector_load_idx %arg9[%add3A_157] : memref<4096xi32, #tpu.memory_space<vmem>>[vector<16xi32>], vector<16xi32>,
          %bitcast3A = vector.bitcast %gather3A_158 : vector<16xi32> to vector<16xf32>
          %unique3A_159, %unique3A_160 = tpu.scan_count mask(%lt3A_144 : vector<16xi1>) value(%gather3A : vector<16xi32>) : vector<16xi1>, vector<16xi32>
          %sub3A_161 = vector.broadcast %reduce_min3A_11 : i32 to vector<16xi32>
          %sub3A_162 = arith.subi %unique3A_160, %sub3A_161 : vector<16xi32>
          %jit3A_163 = arith.constant 0 : i32
          %broadcast_in_dim3A_164 = vector.broadcast %jit3A_163 : i32 to vector<16xi32>
          %select_n3A_165 = arith.select %lt3A_144, %sub3A_162, %broadcast_in_dim3A_164 : vector<16xi1>, vector<16xi32>
          %reduce_max3A = arith.constant true
          %reduce_max3A_166 = vector.broadcast %reduce_max3A : i1 to vector<16xi1>
          %reduce_max3A_167 = arith.constant -2147483648 : i32
          %reduce_max3A_168 = vector.broadcast %reduce_max3A_167 : i32 to vector<16xi32>
          %reduce_max3A_169 = arith.xori %select_n3A_165, %reduce_max3A_168 : vector<16xi32>
          %reduce_max3A_170 = tpu.scan <max>, %reduce_max3A_169 masked %reduce_max3A_166 : vector<16xi32>, vector<16xi1> -> vector<16xi32>
          %reduce_max3A_171 = arith.xori %reduce_max3A_170, %reduce_max3A_168 : vector<16xi32>
          %reduce_max3A_172 = vector.extract %reduce_max3A_171[15] : i32 from vector<16xi32>
          %shift_right_logical3A_173 = arith.constant 6 : i32
          %shift_right_logical3A_174 = vector.broadcast %shift_right_logical3A_173 : i32 to vector<16xi32>
          %shift_right_logical3A_175 = arith.shrui %gather3A, %shift_right_logical3A_174 : vector<16xi32>
          %and3A_176 = arith.constant 63 : i32
          %and3A_177 = vector.broadcast %and3A_176 : i32 to vector<16xi32>
          %and3A_178 = arith.andi %gather3A, %and3A_177 : vector<16xi32>
          %gt3A = arith.constant 0 : i32
          %gt3A_179 = arith.cmpi sgt, %reduce_max3A_172, %gt3A : i32
          %convert_element_type3A_180 = arith.extui %gt3A_179 : i1 to i32
          %cond3A_181 = arith.constant 0 : i32
          %cond3A_182 = arith.cmpi ne, %convert_element_type3A_180, %cond3A_181 : i32
          scf.if %cond3A_182 {
            %while3A_184 = arith.constant 0 : i32
            %while3A_185 = scf.while (%while3A_186 = %while3A_184) : (i32) -> i32 {
              %le3A = arith.cmpi sle, %while3A_186, %reduce_max3A_172 : i32
              scf.condition(%le3A) %while3A_186 : i32
            } do {
            ^bb0(%while3A_186: i32):
              %eq3A_187 = vector.broadcast %while3A_186 : i32 to vector<16xi32>
              %eq3A_188 = arith.cmpi eq, %select_n3A_165, %eq3A_187 : vector<16xi32>
              %and3A_189 = arith.andi %lt3A_144, %eq3A_188 : vector<16xi1>
              tpu.vector_store_idx %arg6[%shift_right_logical3A_175, %and3A_178], %bitcast3A masked %and3A_189 {add = true} : memref<512x64xf32, #tpu.memory_space<vmem>>[vector<16xi32>, vector<16xi32>], vector<16xf32>, vector<16xi1>
              %add3A_190 = arith.constant 1 : i32
              %add3A_191 = arith.addi %while3A_186, %add3A_190 : i32
              scf.yield %add3A_191 : i32
            }
          } else {
            tpu.vector_store_idx %arg6[%shift_right_logical3A_175, %and3A_178], %bitcast3A masked %lt3A_144 {add = true} : memref<512x64xf32, #tpu.memory_space<vmem>>[vector<16xi32>, vector<16xi32>], vector<16xf32>, vector<16xi1>
          }
          %while3A_183 = arith.constant 0 : i32
          scf.yield %while3A_183 : i32
        }
        %mul3A_130 = arith.constant 81920 : i32
        %mul3A_131 = arith.muli %scan3A_90, %mul3A_130 : i32
        %mul3A_132 = arith.constant 2 : i32
        %mul3A_133 = arith.muli %shift_right_logical3A_93, %mul3A_132 : i32
        %add3A_134 = arith.addi %mul3A_131, %mul3A_133 : i32
        %while3A_135 = arith.constant 64 : i32
        %while3A_136 = scf.while (%while3A_138 = %while3A_135) : (i32) -> i32 {
          %lt3A = arith.cmpi slt, %while3A_138, %and3A_94 : i32
          scf.condition(%lt3A) %while3A_138 : i32
        } do {
        ^bb0(%while3A_138: i32):
          %mul3A_139 = arith.constant 2 : i32
          %mul3A_140 = arith.muli %while3A_138, %mul3A_139 : i32
          %add3A_141 = arith.addi %add3A_134, %mul3A_140 : i32
          %multiple_of3A_142 = tpu.assume_multiple %add3A_141, 8 : i32
          "tpu.region"() ({
            %run_scoped3A = tpu.sem_alloc : memref<!tpu.dma_semaphore, #tpu.memory_space<semaphore_mem>>
            %dma_start3A_186 = tpu.memref_slice %arg3[%multiple_of3A_142] : memref<2622464xi32, #tpu.memory_space<hbm>> -> memref<128xi32, #tpu.memory_space<hbm>>
            %dma_start3A_187 = tpu.memref_slice %arg3[%multiple_of3A_142] : memref<2622464xi32, #tpu.memory_space<hbm>> -> memref<128xi32, #tpu.memory_space<hbm>>
            tpu.enqueue_dma source(%dma_start3A_187 : memref<128xi32, #tpu.memory_space<hbm>>) target(%arg10 : memref<128xi32, #tpu.memory_space<vmem>>) target_semaphore(%run_scoped3A : memref<!tpu.dma_semaphore, #tpu.memory_space<semaphore_mem>>)
            %dma_wait3A_188 = tpu.memref_slice %arg3[%multiple_of3A_142] : memref<2622464xi32, #tpu.memory_space<hbm>> -> memref<128xi32, #tpu.memory_space<hbm>>
            %dma_wait3A_189 = tpu.memref_slice %arg3[%multiple_of3A_142] : memref<2622464xi32, #tpu.memory_space<hbm>> -> memref<128xi32, #tpu.memory_space<hbm>>
            tpu.wait_dma2 semaphore(%run_scoped3A : memref<!tpu.dma_semaphore, #tpu.memory_space<semaphore_mem>>) src(%dma_wait3A_189 : memref<128xi32, #tpu.memory_space<hbm>>) dst(%arg10 : memref<128xi32, #tpu.memory_space<vmem>>)
            tpu.yield
          }) : () -> ()
          %sub3A_143 = arith.subi %and3A_94, %while3A_138 : i32
          %min3A_144 = arith.constant 64 : i32
          %min3A_145 = arith.minsi %sub3A_143, %min3A_144 : i32
          %add3A_146 = arith.constant 15 : i32
          %add3A_147 = arith.addi %min3A_145, %add3A_146 : i32
          %jit3A_148 = arith.constant 16 : i32
          %div3A_149 = arith.divsi %add3A_147, %jit3A_148 : i32
          %sign3A_150 = arith.constant 0 : i32
          %sign3A_151 = arith.cmpi sgt, %add3A_147, %sign3A_150 : i32
          %sign3A_152 = arith.extui %sign3A_151 : i1 to i32
          %sign3A_153 = arith.constant 0 : i32
          %sign3A_154 = arith.cmpi slt, %add3A_147, %sign3A_153 : i32
          %sign3A_155 = arith.extui %sign3A_154 : i1 to i32
          %sign3A_156 = arith.subi %sign3A_152, %sign3A_155 : i32
          %sign3A_157 = arith.constant 0 : i32
          %sign3A_158 = arith.cmpi sgt, %jit3A_148, %sign3A_157 : i32
          %sign3A_159 = arith.extui %sign3A_158 : i1 to i32
          %sign3A_160 = arith.constant 0 : i32
          %sign3A_161 = arith.cmpi slt, %jit3A_148, %sign3A_160 : i32
          %sign3A_162 = arith.extui %sign3A_161 : i1 to i32
          %sign3A_163 = arith.subi %sign3A_159, %sign3A_162 : i32
          %ne3A_164 = arith.cmpi ne, %sign3A_156, %sign3A_163 : i32
          %rem3A_165 = arith.remsi %add3A_147, %jit3A_148 : i32
          %ne3A_166 = arith.constant 0 : i32
          %ne3A_167 = arith.cmpi ne, %rem3A_165, %ne3A_166 : i32
          %and3A_168 = arith.andi %ne3A_164, %ne3A_167 : i1
          %sub3A_169 = arith.constant 1 : i32
          %sub3A_170 = arith.subi %div3A_149, %sub3A_169 : i32
          %select_n3A_171 = arith.select %and3A_168, %sub3A_170, %div3A_149 : i32
          %while3A_172 = arith.constant 0 : i32
          %while3A_173 = arith.constant 0 : i32
          %while3A_174 = arith.subi %select_n3A_171, %while3A_172 : i32
          %while3A_175 = arith.addi %while3A_172, %while3A_174 : i32
          %while3A_176 = arith.constant 1 : i32
          %while3A_177 = arith.divsi %while3A_174, %while3A_176 : i32
          %while3A_178 = arith.muli %while3A_177, %while3A_176 : i32
          %while3A_179 = arith.addi %while3A_172, %while3A_178 : i32
          %while3A_180 = arith.constant 1 : i32
          %while3A_181 = scf.for %while3A_186 = %while3A_172 to %while3A_179 step %while3A_180 iter_args(%while3A_187 = %while3A_173) -> (i32)  : i32 {
            %mul3A_188 = arith.constant 16 : i32
            %mul3A_189 = arith.muli %while3A_186, %mul3A_188 : i32
            %add3A_190 = vector.broadcast %mul3A_189 : i32 to vector<16xi32>
            %add3A_191 = arith.addi %add3A_190, %iota3A : vector<16xi32>
            %lt3A = vector.broadcast %min3A_145 : i32 to vector<16xi32>
            %lt3A_192 = arith.cmpi slt, %add3A_191, %lt3A : vector<16xi32>
            %mul3A_193 = arith.constant 2 : i32
            %mul3A_194 = vector.broadcast %mul3A_193 : i32 to vector<16xi32>
            %mul3A_195 = arith.muli %add3A_191, %mul3A_194 : vector<16xi32>
            %add3A_196 = arith.constant 0 : i32
            %add3A_197 = vector.broadcast %add3A_196 : i32 to vector<16xi32>
            %add3A_198 = arith.addi %add3A_197, %mul3A_195 : vector<16xi32>
            %gather3A = tpu.vector_load_idx %arg10[%add3A_198] : memref<128xi32, #tpu.memory_space<vmem>>[vector<16xi32>], vector<16xi32>,
            %mul3A_199 = arith.constant 2 : i32
            %mul3A_200 = vector.broadcast %mul3A_199 : i32 to vector<16xi32>
            %mul3A_201 = arith.muli %add3A_191, %mul3A_200 : vector<16xi32>
            %add3A_202 = arith.constant 0 : i32
            %add3A_203 = vector.broadcast %add3A_202 : i32 to vector<16xi32>
            %add3A_204 = arith.addi %add3A_203, %mul3A_201 : vector<16xi32>
            %add3A_205 = arith.constant 1 : i32
            %add3A_206 = vector.broadcast %add3A_205 : i32 to vector<16xi32>
            %add3A_207 = arith.addi %add3A_204, %add3A_206 : vector<16xi32>
            %gather3A_208 = tpu.vector_load_idx %arg10[%add3A_207] : memref<128xi32, #tpu.memory_space<vmem>>[vector<16xi32>], vector<16xi32>,
            %bitcast3A = vector.bitcast %gather3A_208 : vector<16xi32> to vector<16xf32>
            %unique3A_209, %unique3A_210 = tpu.scan_count mask(%lt3A_192 : vector<16xi1>) value(%gather3A : vector<16xi32>) : vector<16xi1>, vector<16xi32>
            %sub3A_211 = vector.broadcast %reduce_min3A_11 : i32 to vector<16xi32>
            %sub3A_212 = arith.subi %unique3A_210, %sub3A_211 : vector<16xi32>
            %jit3A_213 = arith.constant 0 : i32
            %broadcast_in_dim3A_214 = vector.broadcast %jit3A_213 : i32 to vector<16xi32>
            %select_n3A_215 = arith.select %lt3A_192, %sub3A_212, %broadcast_in_dim3A_214 : vector<16xi1>, vector<16xi32>
            %reduce_max3A = arith.constant true
            %reduce_max3A_216 = vector.broadcast %reduce_max3A : i1 to vector<16xi1>
            %reduce_max3A_217 = arith.constant -2147483648 : i32
            %reduce_max3A_218 = vector.broadcast %reduce_max3A_217 : i32 to vector<16xi32>
            %reduce_max3A_219 = arith.xori %select_n3A_215, %reduce_max3A_218 : vector<16xi32>
            %reduce_max3A_220 = tpu.scan <max>, %reduce_max3A_219 masked %reduce_max3A_216 : vector<16xi32>, vector<16xi1> -> vector<16xi32>
            %reduce_max3A_221 = arith.xori %reduce_max3A_220, %reduce_max3A_218 : vector<16xi32>
            %reduce_max3A_222 = vector.extract %reduce_max3A_221[15] : i32 from vector<16xi32>
            %shift_right_logical3A_223 = arith.constant 6 : i32
            %shift_right_logical3A_224 = vector.broadcast %shift_right_logical3A_223 : i32 to vector<16xi32>
            %shift_right_logical3A_225 = arith.shrui %gather3A, %shift_right_logical3A_224 : vector<16xi32>
            %and3A_226 = arith.constant 63 : i32
            %and3A_227 = vector.broadcast %and3A_226 : i32 to vector<16xi32>
            %and3A_228 = arith.andi %gather3A, %and3A_227 : vector<16xi32>
            %gt3A = arith.constant 0 : i32
            %gt3A_229 = arith.cmpi sgt, %reduce_max3A_222, %gt3A : i32
            %convert_element_type3A_230 = arith.extui %gt3A_229 : i1 to i32
            %cond3A_231 = arith.constant 0 : i32
            %cond3A_232 = arith.cmpi ne, %convert_element_type3A_230, %cond3A_231 : i32
            scf.if %cond3A_232 {
              %while3A_234 = arith.constant 0 : i32
              %while3A_235 = scf.while (%while3A_236 = %while3A_234) : (i32) -> i32 {
                %le3A = arith.cmpi sle, %while3A_236, %reduce_max3A_222 : i32
                scf.condition(%le3A) %while3A_236 : i32
              } do {
              ^bb0(%while3A_236: i32):
                %eq3A_237 = vector.broadcast %while3A_236 : i32 to vector<16xi32>
                %eq3A_238 = arith.cmpi eq, %select_n3A_215, %eq3A_237 : vector<16xi32>
                %and3A_239 = arith.andi %lt3A_192, %eq3A_238 : vector<16xi1>
                tpu.vector_store_idx %arg6[%shift_right_logical3A_225, %and3A_228], %bitcast3A masked %and3A_239 {add = true} : memref<512x64xf32, #tpu.memory_space<vmem>>[vector<16xi32>, vector<16xi32>], vector<16xf32>, vector<16xi1>
                %add3A_240 = arith.constant 1 : i32
                %add3A_241 = arith.addi %while3A_236, %add3A_240 : i32
                scf.yield %add3A_241 : i32
              }
            } else {
              tpu.vector_store_idx %arg6[%shift_right_logical3A_225, %and3A_228], %bitcast3A masked %lt3A_192 {add = true} : memref<512x64xf32, #tpu.memory_space<vmem>>[vector<16xi32>, vector<16xi32>], vector<16xf32>, vector<16xi1>
            }
            %while3A_233 = arith.constant 0 : i32
            scf.yield %while3A_233 : i32
          }
          %while3A_182 = arith.constant 1 : i32
          %while3A_183 = scf.for %while3A_186 = %while3A_179 to %while3A_175 step %while3A_182 iter_args(%while3A_187 = %while3A_181) -> (i32)  : i32 {
            %mul3A_188 = arith.constant 16 : i32
            %mul3A_189 = arith.muli %while3A_186, %mul3A_188 : i32
            %add3A_190 = vector.broadcast %mul3A_189 : i32 to vector<16xi32>
            %add3A_191 = arith.addi %add3A_190, %iota3A : vector<16xi32>
            %lt3A = vector.broadcast %min3A_145 : i32 to vector<16xi32>
            %lt3A_192 = arith.cmpi slt, %add3A_191, %lt3A : vector<16xi32>
            %mul3A_193 = arith.constant 2 : i32
            %mul3A_194 = vector.broadcast %mul3A_193 : i32 to vector<16xi32>
            %mul3A_195 = arith.muli %add3A_191, %mul3A_194 : vector<16xi32>
            %add3A_196 = arith.constant 0 : i32
            %add3A_197 = vector.broadcast %add3A_196 : i32 to vector<16xi32>
            %add3A_198 = arith.addi %add3A_197, %mul3A_195 : vector<16xi32>
            %gather3A = tpu.vector_load_idx %arg10[%add3A_198] : memref<128xi32, #tpu.memory_space<vmem>>[vector<16xi32>], vector<16xi32>,
            %mul3A_199 = arith.constant 2 : i32
            %mul3A_200 = vector.broadcast %mul3A_199 : i32 to vector<16xi32>
            %mul3A_201 = arith.muli %add3A_191, %mul3A_200 : vector<16xi32>
            %add3A_202 = arith.constant 0 : i32
            %add3A_203 = vector.broadcast %add3A_202 : i32 to vector<16xi32>
            %add3A_204 = arith.addi %add3A_203, %mul3A_201 : vector<16xi32>
            %add3A_205 = arith.constant 1 : i32
            %add3A_206 = vector.broadcast %add3A_205 : i32 to vector<16xi32>
            %add3A_207 = arith.addi %add3A_204, %add3A_206 : vector<16xi32>
            %gather3A_208 = tpu.vector_load_idx %arg10[%add3A_207] : memref<128xi32, #tpu.memory_space<vmem>>[vector<16xi32>], vector<16xi32>,
            %bitcast3A = vector.bitcast %gather3A_208 : vector<16xi32> to vector<16xf32>
            %unique3A_209, %unique3A_210 = tpu.scan_count mask(%lt3A_192 : vector<16xi1>) value(%gather3A : vector<16xi32>) : vector<16xi1>, vector<16xi32>
            %sub3A_211 = vector.broadcast %reduce_min3A_11 : i32 to vector<16xi32>
            %sub3A_212 = arith.subi %unique3A_210, %sub3A_211 : vector<16xi32>
            %jit3A_213 = arith.constant 0 : i32
            %broadcast_in_dim3A_214 = vector.broadcast %jit3A_213 : i32 to vector<16xi32>
            %select_n3A_215 = arith.select %lt3A_192, %sub3A_212, %broadcast_in_dim3A_214 : vector<16xi1>, vector<16xi32>
            %reduce_max3A = arith.constant true
            %reduce_max3A_216 = vector.broadcast %reduce_max3A : i1 to vector<16xi1>
            %reduce_max3A_217 = arith.constant -2147483648 : i32
            %reduce_max3A_218 = vector.broadcast %reduce_max3A_217 : i32 to vector<16xi32>
            %reduce_max3A_219 = arith.xori %select_n3A_215, %reduce_max3A_218 : vector<16xi32>
            %reduce_max3A_220 = tpu.scan <max>, %reduce_max3A_219 masked %reduce_max3A_216 : vector<16xi32>, vector<16xi1> -> vector<16xi32>
            %reduce_max3A_221 = arith.xori %reduce_max3A_220, %reduce_max3A_218 : vector<16xi32>
            %reduce_max3A_222 = vector.extract %reduce_max3A_221[15] : i32 from vector<16xi32>
            %shift_right_logical3A_223 = arith.constant 6 : i32
            %shift_right_logical3A_224 = vector.broadcast %shift_right_logical3A_223 : i32 to vector<16xi32>
            %shift_right_logical3A_225 = arith.shrui %gather3A, %shift_right_logical3A_224 : vector<16xi32>
            %and3A_226 = arith.constant 63 : i32
            %and3A_227 = vector.broadcast %and3A_226 : i32 to vector<16xi32>
            %and3A_228 = arith.andi %gather3A, %and3A_227 : vector<16xi32>
            %gt3A = arith.constant 0 : i32
            %gt3A_229 = arith.cmpi sgt, %reduce_max3A_222, %gt3A : i32
            %convert_element_type3A_230 = arith.extui %gt3A_229 : i1 to i32
            %cond3A_231 = arith.constant 0 : i32
            %cond3A_232 = arith.cmpi ne, %convert_element_type3A_230, %cond3A_231 : i32
            scf.if %cond3A_232 {
              %while3A_234 = arith.constant 0 : i32
              %while3A_235 = scf.while (%while3A_236 = %while3A_234) : (i32) -> i32 {
                %le3A = arith.cmpi sle, %while3A_236, %reduce_max3A_222 : i32
                scf.condition(%le3A) %while3A_236 : i32
              } do {
              ^bb0(%while3A_236: i32):
                %eq3A_237 = vector.broadcast %while3A_236 : i32 to vector<16xi32>
                %eq3A_238 = arith.cmpi eq, %select_n3A_215, %eq3A_237 : vector<16xi32>
                %and3A_239 = arith.andi %lt3A_192, %eq3A_238 : vector<16xi1>
                tpu.vector_store_idx %arg6[%shift_right_logical3A_225, %and3A_228], %bitcast3A masked %and3A_239 {add = true} : memref<512x64xf32, #tpu.memory_space<vmem>>[vector<16xi32>, vector<16xi32>], vector<16xf32>, vector<16xi1>
                %add3A_240 = arith.constant 1 : i32
                %add3A_241 = arith.addi %while3A_236, %add3A_240 : i32
                scf.yield %add3A_241 : i32
              }
            } else {
              tpu.vector_store_idx %arg6[%shift_right_logical3A_225, %and3A_228], %bitcast3A masked %lt3A_192 {add = true} : memref<512x64xf32, #tpu.memory_space<vmem>>[vector<16xi32>, vector<16xi32>], vector<16xf32>, vector<16xi1>
            }
            %while3A_233 = arith.constant 0 : i32
            scf.yield %while3A_233 : i32
          }
          %add3A_184 = arith.constant 64 : i32
          %add3A_185 = arith.addi %while3A_138, %add3A_184 : i32
          scf.yield %add3A_185 : i32
        }
        %scan3A_137 = arith.constant 0 : i32
        scf.yield %scan3A_137 : i32
      }
      %scan3A_89 = arith.constant 32 : i32
      "tpu.region"() ({
        %run_scoped3A = tpu.sem_alloc : memref<!tpu.dma_semaphore, #tpu.memory_space<semaphore_mem>>
        %dma_start3A_90 = arith.constant 0 : i32
        %dma_start3A_91 = arith.constant 0 : i32
        %dma_start3A_92 = tpu.memref_slice %arg6[%dma_start3A_90, %dma_start3A_91] : memref<512x64xf32, #tpu.memory_space<vmem>> -> memref<512x64xf32, #tpu.memory_space<vmem>>
        %dma_start3A_93 = arith.constant 0 : i32
        %dma_start3A_94 = tpu.memref_slice %arg5[%multiple_of3A, %dma_start3A_93] : memref<1000000x64xf32, #tpu.memory_space<hbm>> -> memref<512x64xf32, #tpu.memory_space<hbm>>
        %dma_start3A_95 = arith.constant 0 : i32
        %dma_start3A_96 = tpu.memref_slice %arg5[%multiple_of3A, %dma_start3A_95] : memref<1000000x64xf32, #tpu.memory_space<hbm>> -> memref<512x64xf32, #tpu.memory_space<hbm>>
        %dma_start3A_97 = arith.constant 0 : i32
        %dma_start3A_98 = arith.constant 0 : i32
        %dma_start3A_99 = tpu.memref_slice %arg6[%dma_start3A_97, %dma_start3A_98] : memref<512x64xf32, #tpu.memory_space<vmem>> -> memref<512x64xf32, #tpu.memory_space<vmem>>
        tpu.enqueue_dma source(%dma_start3A_99 : memref<512x64xf32, #tpu.memory_space<vmem>>) target(%dma_start3A_96 : memref<512x64xf32, #tpu.memory_space<hbm>>) target_semaphore(%run_scoped3A : memref<!tpu.dma_semaphore, #tpu.memory_space<semaphore_mem>>)
        %dma_wait3A_100 = arith.constant 0 : i32
        %dma_wait3A_101 = arith.constant 0 : i32
        %dma_wait3A_102 = tpu.memref_slice %arg6[%dma_wait3A_100, %dma_wait3A_101] : memref<512x64xf32, #tpu.memory_space<vmem>> -> memref<512x64xf32, #tpu.memory_space<vmem>>
        %dma_wait3A_103 = arith.constant 0 : i32
        %dma_wait3A_104 = tpu.memref_slice %arg5[%multiple_of3A, %dma_wait3A_103] : memref<1000000x64xf32, #tpu.memory_space<hbm>> -> memref<512x64xf32, #tpu.memory_space<hbm>>
        %dma_wait3A_105 = arith.constant 0 : i32
        %dma_wait3A_106 = tpu.memref_slice %arg5[%multiple_of3A, %dma_wait3A_105] : memref<1000000x64xf32, #tpu.memory_space<hbm>> -> memref<512x64xf32, #tpu.memory_space<hbm>>
        %dma_wait3A_107 = arith.constant 0 : i32
        %dma_wait3A_108 = arith.constant 0 : i32
        %dma_wait3A_109 = tpu.memref_slice %arg6[%dma_wait3A_107, %dma_wait3A_108] : memref<512x64xf32, #tpu.memory_space<vmem>> -> memref<512x64xf32, #tpu.memory_space<vmem>>
        tpu.wait_dma2 semaphore(%run_scoped3A : memref<!tpu.dma_semaphore, #tpu.memory_space<semaphore_mem>>) src(%dma_wait3A_109 : memref<512x64xf32, #tpu.memory_space<vmem>>) dst(%dma_wait3A_106 : memref<512x64xf32, #tpu.memory_space<hbm>>)
        tpu.yield
      }) : () -> ()
    } else {
    }
    %eq3A_20 = arith.constant 1 : i32
    %eq3A_21 = arith.cmpi eq, %add3A, %eq3A_20 : i32
    %convert_element_type3A_22 = arith.extui %eq3A_21 : i1 to i32
    %cond3A_23 = arith.constant 0 : i32
    %cond3A_24 = arith.cmpi ne, %convert_element_type3A_22, %cond3A_23 : i32
    scf.if %cond3A_24 {
      %mul3A_25 = arith.constant 2048 : i32
      %mul3A_26 = vector.broadcast %mul3A_25 : i32 to vector<16xi32>
      %mul3A_27 = arith.muli %iota3A, %mul3A_26 : vector<16xi32>
      %add3A_28 = arith.constant 1953 : i32
      %add3A_29 = vector.broadcast %add3A_28 : i32 to vector<16xi32>
      %add3A_30 = arith.addi %mul3A_27, %add3A_29 : vector<16xi32>
      %swap3A = arith.constant 0 : index
      %swap3A_31 = tpu.vector_load %arg7[%swap3A] {strides = array<i32>} : memref<32xi32, #tpu.memory_space<vmem>>, vector<16xi32>,
      tpu.vector_store %arg7[%swap3A], %add3A_30 {strides = array<i32>} : memref<32xi32, #tpu.memory_space<vmem>>, vector<16xi32>,
      %add3A_32 = arith.constant 16 : i32
      %add3A_33 = vector.broadcast %add3A_32 : i32 to vector<16xi32>
      %add3A_34 = arith.addi %iota3A, %add3A_33 : vector<16xi32>
      %mul3A_35 = arith.constant 2048 : i32
      %mul3A_36 = vector.broadcast %mul3A_35 : i32 to vector<16xi32>
      %mul3A_37 = arith.muli %add3A_34, %mul3A_36 : vector<16xi32>
      %add3A_38 = arith.constant 1953 : i32
      %add3A_39 = vector.broadcast %add3A_38 : i32 to vector<16xi32>
      %add3A_40 = arith.addi %mul3A_37, %add3A_39 : vector<16xi32>
      %swap3A_41 = arith.constant 16 : index
      %swap3A_42 = tpu.vector_load %arg7[%swap3A_41] {strides = array<i32>} : memref<32xi32, #tpu.memory_space<vmem>>, vector<16xi32>,
      tpu.vector_store %arg7[%swap3A_41], %add3A_40 {strides = array<i32>} : memref<32xi32, #tpu.memory_space<vmem>>, vector<16xi32>,
      %dma_start3A = arith.constant 0 : i32
      %dma_start3A_43 = tpu.memref_slice %arg8[%dma_start3A] : memref<48xi32, #tpu.memory_space<vmem>> -> memref<32xi32, #tpu.memory_space<vmem>>
      %dma_start3A_44 = arith.constant 0 : i32
      %dma_start3A_45 = tpu.memref_slice %arg4[%dma_start3A_44] : memref<65536xi32, #tpu.memory_space<hbm>> -> memref<65536xi32, #tpu.memory_space<hbm>>
      tpu.enqueue_indirect_dma source(%dma_start3A_45 : memref<65536xi32, #tpu.memory_space<hbm>>) target(%dma_start3A_43 : memref<32xi32, #tpu.memory_space<vmem>>) offsets(%arg7 : memref<32xi32, #tpu.memory_space<vmem>>) semaphore(%arg11 : memref<!tpu.dma_semaphore, #tpu.memory_space<semaphore_mem>>)
      %dma_wait3A = arith.constant 0 : i32
      %dma_wait3A_46 = tpu.memref_slice %arg8[%dma_wait3A] : memref<48xi32, #tpu.memory_space<vmem>> -> memref<32xi32, #tpu.memory_space<vmem>>
      %dma_wait3A_47 = arith.constant 0 : i32
      %dma_wait3A_48 = tpu.memref_slice %arg4[%dma_wait3A_47] : memref<65536xi32, #tpu.memory_space<hbm>> -> memref<65536xi32, #tpu.memory_space<hbm>>
      tpu.wait_indirect_dma semaphore(%arg11 : memref<!tpu.dma_semaphore, #tpu.memory_space<semaphore_mem>>) src(%dma_wait3A_48 : memref<65536xi32, #tpu.memory_space<hbm>>) dst(%dma_wait3A_46 : memref<32xi32, #tpu.memory_space<vmem>>)
      %mul3A_49 = arith.constant 1953 : i32
      %mul3A_50 = arith.constant 512 : i32
      %mul3A_51 = arith.muli %mul3A_49, %mul3A_50 : i32
      %multiple_of3A = tpu.assume_multiple %mul3A_51, 512 : i32
      %dma_start3A_52 = arith.constant 0 : i32
      %dma_start3A_53 = arith.constant 0 : i32
      %dma_start3A_54 = tpu.memref_slice %arg6[%dma_start3A_52, %dma_start3A_53] : memref<512x64xf32, #tpu.memory_space<vmem>> -> memref<64x64xf32, #tpu.memory_space<vmem>>
      %dma_start3A_55 = arith.constant 0 : i32
      %dma_start3A_56 = tpu.memref_slice %arg2[%multiple_of3A, %dma_start3A_55] : memref<1000000x64xf32, #tpu.memory_space<hbm>> -> memref<64x64xf32, #tpu.memory_space<hbm>>
      %dma_start3A_57 = arith.constant 0 : i32
      %dma_start3A_58 = arith.constant 0 : i32
      %dma_start3A_59 = tpu.memref_slice %arg6[%dma_start3A_57, %dma_start3A_58] : memref<512x64xf32, #tpu.memory_space<vmem>> -> memref<64x64xf32, #tpu.memory_space<vmem>>
      %dma_start3A_60 = arith.constant 0 : i32
      %dma_start3A_61 = tpu.memref_slice %arg2[%multiple_of3A, %dma_start3A_60] : memref<1000000x64xf32, #tpu.memory_space<hbm>> -> memref<64x64xf32, #tpu.memory_space<hbm>>
      tpu.enqueue_dma source(%dma_start3A_61 : memref<64x64xf32, #tpu.memory_space<hbm>>) target(%dma_start3A_59 : memref<64x64xf32, #tpu.memory_space<vmem>>) target_semaphore(%arg11 : memref<!tpu.dma_semaphore, #tpu.memory_space<semaphore_mem>>)
      %scan3A_62 = arith.constant 0 : i32
      %scan3A_63 = arith.constant 0 : i32
      %scan3A_64 = arith.constant 32 : i32
      %scan3A_65 = arith.addi %scan3A_63, %scan3A_64 : i32
      %scan3A_66 = arith.constant 1 : i32
      %scan3A_67 = scf.for %scan3A_90 = %scan3A_63 to %scan3A_65 step %scan3A_66 iter_args(%scan3A_91 = %scan3A_62) -> (i32)  : i32 {
        %get3A = arith.index_cast %scan3A_90 : i32 to index
        %get3A_92 = tpu.vector_load %arg8[%get3A] {strides = array<i32>} : memref<48xi32, #tpu.memory_space<vmem>>, vector<16xi32>,
        %slice3A = vector.extract_strided_slice %get3A_92 {offsets = [0], sizes = [1], strides = [1]} : vector<16xi32> to vector<1xi32>
        %squeeze3A = vector.extract %slice3A[0] : i32 from vector<1xi32>
        %shift_right_logical3A = arith.constant 16 : i32
        %shift_right_logical3A_93 = arith.shrui %squeeze3A, %shift_right_logical3A : i32
        %mul3A_94 = arith.constant 81920 : i32
        %mul3A_95 = arith.muli %scan3A_90, %mul3A_94 : i32
        %mul3A_96 = arith.constant 2 : i32
        %mul3A_97 = arith.muli %shift_right_logical3A_93, %mul3A_96 : i32
        %add3A_98 = arith.addi %mul3A_95, %mul3A_97 : i32
        %multiple_of3A_99 = tpu.assume_multiple %add3A_98, 8 : i32
        %mul3A_100 = arith.constant 64 : i32
        %mul3A_101 = arith.muli %scan3A_90, %mul3A_100 : i32
        %mul3A_102 = arith.constant 2 : i32
        %mul3A_103 = arith.muli %mul3A_101, %mul3A_102 : i32
        %dma_start3A_104 = tpu.memref_slice %arg9[%mul3A_103] : memref<4096xi32, #tpu.memory_space<vmem>> -> memref<128xi32, #tpu.memory_space<vmem>>
        %dma_start3A_105 = tpu.memref_slice %arg3[%multiple_of3A_99] : memref<2622464xi32, #tpu.memory_space<hbm>> -> memref<128xi32, #tpu.memory_space<hbm>>
        %dma_start3A_106 = tpu.memref_slice %arg9[%mul3A_103] : memref<4096xi32, #tpu.memory_space<vmem>> -> memref<128xi32, #tpu.memory_space<vmem>>
        %dma_start3A_107 = tpu.memref_slice %arg3[%multiple_of3A_99] : memref<2622464xi32, #tpu.memory_space<hbm>> -> memref<128xi32, #tpu.memory_space<hbm>>
        tpu.enqueue_dma source(%dma_start3A_107 : memref<128xi32, #tpu.memory_space<hbm>>) target(%dma_start3A_106 : memref<128xi32, #tpu.memory_space<vmem>>) target_semaphore(%arg12 : memref<!tpu.dma_semaphore, #tpu.memory_space<semaphore_mem>>)
        %scan3A_108 = arith.constant 0 : i32
        scf.yield %scan3A_108 : i32
      }
      %scan3A_68 = arith.constant 32 : i32
      %dma_wait3A_69 = arith.constant 0 : i32
      %dma_wait3A_70 = tpu.memref_slice %arg3[%dma_wait3A_69] : memref<2622464xi32, #tpu.memory_space<hbm>> -> memref<4096xi32, #tpu.memory_space<hbm>>
      %dma_wait3A_71 = arith.constant 0 : i32
      %dma_wait3A_72 = tpu.memref_slice %arg3[%dma_wait3A_71] : memref<2622464xi32, #tpu.memory_space<hbm>> -> memref<4096xi32, #tpu.memory_space<hbm>>
      tpu.wait_dma2 semaphore(%arg12 : memref<!tpu.dma_semaphore, #tpu.memory_space<semaphore_mem>>) src(%dma_wait3A_72 : memref<4096xi32, #tpu.memory_space<hbm>>) dst(%arg9 : memref<4096xi32, #tpu.memory_space<vmem>>)
      %dma_wait3A_73 = arith.constant 0 : i32
      %dma_wait3A_74 = arith.constant 0 : i32
      %dma_wait3A_75 = tpu.memref_slice %arg6[%dma_wait3A_73, %dma_wait3A_74] : memref<512x64xf32, #tpu.memory_space<vmem>> -> memref<64x64xf32, #tpu.memory_space<vmem>>
      %dma_wait3A_76 = arith.constant 0 : i32
      %dma_wait3A_77 = tpu.memref_slice %arg2[%multiple_of3A, %dma_wait3A_76] : memref<1000000x64xf32, #tpu.memory_space<hbm>> -> memref<64x64xf32, #tpu.memory_space<hbm>>
      %dma_wait3A_78 = arith.constant 0 : i32
      %dma_wait3A_79 = arith.constant 0 : i32
      %dma_wait3A_80 = tpu.memref_slice %arg6[%dma_wait3A_78, %dma_wait3A_79] : memref<512x64xf32, #tpu.memory_space<vmem>> -> memref<64x64xf32, #tpu.memory_space<vmem>>
      %dma_wait3A_81 = arith.constant 0 : i32
      %dma_wait3A_82 = tpu.memref_slice %arg2[%multiple_of3A, %dma_wait3A_81] : memref<1000000x64xf32, #tpu.memory_space<hbm>> -> memref<64x64xf32, #tpu.memory_space<hbm>>
      tpu.wait_dma2 semaphore(%arg11 : memref<!tpu.dma_semaphore, #tpu.memory_space<semaphore_mem>>) src(%dma_wait3A_82 : memref<64x64xf32, #tpu.memory_space<hbm>>) dst(%dma_wait3A_80 : memref<64x64xf32, #tpu.memory_space<vmem>>)
      %scan3A_83 = arith.constant 0 : i32
      %scan3A_84 = arith.constant 0 : i32
      %scan3A_85 = arith.constant 32 : i32
      %scan3A_86 = arith.addi %scan3A_84, %scan3A_85 : i32
      %scan3A_87 = arith.constant 1 : i32
      %scan3A_88 = scf.for %scan3A_90 = %scan3A_84 to %scan3A_86 step %scan3A_87 iter_args(%scan3A_91 = %scan3A_83) -> (i32)  : i32 {
        %get3A = arith.index_cast %scan3A_90 : i32 to index
        %get3A_92 = tpu.vector_load %arg8[%get3A] {strides = array<i32>} : memref<48xi32, #tpu.memory_space<vmem>>, vector<16xi32>,
        %slice3A = vector.extract_strided_slice %get3A_92 {offsets = [0], sizes = [1], strides = [1]} : vector<16xi32> to vector<1xi32>
        %squeeze3A = vector.extract %slice3A[0] : i32 from vector<1xi32>
        %shift_right_logical3A = arith.constant 16 : i32
        %shift_right_logical3A_93 = arith.shrui %squeeze3A, %shift_right_logical3A : i32
        %and3A = arith.constant 65535 : i32
        %and3A_94 = arith.andi %squeeze3A, %and3A : i32
        %mul3A_95 = arith.constant 64 : i32
        %mul3A_96 = arith.muli %scan3A_90, %mul3A_95 : i32
        %mul3A_97 = arith.constant 2 : i32
        %mul3A_98 = arith.muli %mul3A_96, %mul3A_97 : i32
        %min3A = arith.constant 64 : i32
        %min3A_99 = arith.minsi %and3A_94, %min3A : i32
        %add3A_100 = arith.constant 15 : i32
        %add3A_101 = arith.addi %min3A_99, %add3A_100 : i32
        %jit3A = arith.constant 16 : i32
        %div3A = arith.divsi %add3A_101, %jit3A : i32
        %sign3A = arith.constant 0 : i32
        %sign3A_102 = arith.cmpi sgt, %add3A_101, %sign3A : i32
        %sign3A_103 = arith.extui %sign3A_102 : i1 to i32
        %sign3A_104 = arith.constant 0 : i32
        %sign3A_105 = arith.cmpi slt, %add3A_101, %sign3A_104 : i32
        %sign3A_106 = arith.extui %sign3A_105 : i1 to i32
        %sign3A_107 = arith.subi %sign3A_103, %sign3A_106 : i32
        %sign3A_108 = arith.constant 0 : i32
        %sign3A_109 = arith.cmpi sgt, %jit3A, %sign3A_108 : i32
        %sign3A_110 = arith.extui %sign3A_109 : i1 to i32
        %sign3A_111 = arith.constant 0 : i32
        %sign3A_112 = arith.cmpi slt, %jit3A, %sign3A_111 : i32
        %sign3A_113 = arith.extui %sign3A_112 : i1 to i32
        %sign3A_114 = arith.subi %sign3A_110, %sign3A_113 : i32
        %ne3A = arith.cmpi ne, %sign3A_107, %sign3A_114 : i32
        %rem3A = arith.remsi %add3A_101, %jit3A : i32
        %ne3A_115 = arith.constant 0 : i32
        %ne3A_116 = arith.cmpi ne, %rem3A, %ne3A_115 : i32
        %and3A_117 = arith.andi %ne3A, %ne3A_116 : i1
        %sub3A = arith.constant 1 : i32
        %sub3A_118 = arith.subi %div3A, %sub3A : i32
        %select_n3A = arith.select %and3A_117, %sub3A_118, %div3A : i32
        %while3A = arith.constant 0 : i32
        %while3A_119 = arith.constant 0 : i32
        %while3A_120 = arith.subi %select_n3A, %while3A : i32
        %while3A_121 = arith.addi %while3A, %while3A_120 : i32
        %while3A_122 = arith.constant 1 : i32
        %while3A_123 = arith.divsi %while3A_120, %while3A_122 : i32
        %while3A_124 = arith.muli %while3A_123, %while3A_122 : i32
        %while3A_125 = arith.addi %while3A, %while3A_124 : i32
        %while3A_126 = arith.constant 1 : i32
        %while3A_127 = scf.for %while3A_138 = %while3A to %while3A_125 step %while3A_126 iter_args(%while3A_139 = %while3A_119) -> (i32)  : i32 {
          %mul3A_140 = arith.constant 16 : i32
          %mul3A_141 = arith.muli %while3A_138, %mul3A_140 : i32
          %add3A_142 = vector.broadcast %mul3A_141 : i32 to vector<16xi32>
          %add3A_143 = arith.addi %add3A_142, %iota3A : vector<16xi32>
          %lt3A = vector.broadcast %min3A_99 : i32 to vector<16xi32>
          %lt3A_144 = arith.cmpi slt, %add3A_143, %lt3A : vector<16xi32>
          %mul3A_145 = arith.constant 2 : i32
          %mul3A_146 = vector.broadcast %mul3A_145 : i32 to vector<16xi32>
          %mul3A_147 = arith.muli %add3A_143, %mul3A_146 : vector<16xi32>
          %add3A_148 = vector.broadcast %mul3A_98 : i32 to vector<16xi32>
          %add3A_149 = arith.addi %add3A_148, %mul3A_147 : vector<16xi32>
          %gather3A = tpu.vector_load_idx %arg9[%add3A_149] : memref<4096xi32, #tpu.memory_space<vmem>>[vector<16xi32>], vector<16xi32>,
          %mul3A_150 = arith.constant 2 : i32
          %mul3A_151 = vector.broadcast %mul3A_150 : i32 to vector<16xi32>
          %mul3A_152 = arith.muli %add3A_143, %mul3A_151 : vector<16xi32>
          %add3A_153 = vector.broadcast %mul3A_98 : i32 to vector<16xi32>
          %add3A_154 = arith.addi %add3A_153, %mul3A_152 : vector<16xi32>
          %add3A_155 = arith.constant 1 : i32
          %add3A_156 = vector.broadcast %add3A_155 : i32 to vector<16xi32>
          %add3A_157 = arith.addi %add3A_154, %add3A_156 : vector<16xi32>
          %gather3A_158 = tpu.vector_load_idx %arg9[%add3A_157] : memref<4096xi32, #tpu.memory_space<vmem>>[vector<16xi32>], vector<16xi32>,
          %bitcast3A = vector.bitcast %gather3A_158 : vector<16xi32> to vector<16xf32>
          %unique3A_159, %unique3A_160 = tpu.scan_count mask(%lt3A_144 : vector<16xi1>) value(%gather3A : vector<16xi32>) : vector<16xi1>, vector<16xi32>
          %sub3A_161 = vector.broadcast %reduce_min3A_11 : i32 to vector<16xi32>
          %sub3A_162 = arith.subi %unique3A_160, %sub3A_161 : vector<16xi32>
          %jit3A_163 = arith.constant 0 : i32
          %broadcast_in_dim3A_164 = vector.broadcast %jit3A_163 : i32 to vector<16xi32>
          %select_n3A_165 = arith.select %lt3A_144, %sub3A_162, %broadcast_in_dim3A_164 : vector<16xi1>, vector<16xi32>
          %reduce_max3A = arith.constant true
          %reduce_max3A_166 = vector.broadcast %reduce_max3A : i1 to vector<16xi1>
          %reduce_max3A_167 = arith.constant -2147483648 : i32
          %reduce_max3A_168 = vector.broadcast %reduce_max3A_167 : i32 to vector<16xi32>
          %reduce_max3A_169 = arith.xori %select_n3A_165, %reduce_max3A_168 : vector<16xi32>
          %reduce_max3A_170 = tpu.scan <max>, %reduce_max3A_169 masked %reduce_max3A_166 : vector<16xi32>, vector<16xi1> -> vector<16xi32>
          %reduce_max3A_171 = arith.xori %reduce_max3A_170, %reduce_max3A_168 : vector<16xi32>
          %reduce_max3A_172 = vector.extract %reduce_max3A_171[15] : i32 from vector<16xi32>
          %shift_right_logical3A_173 = arith.constant 6 : i32
          %shift_right_logical3A_174 = vector.broadcast %shift_right_logical3A_173 : i32 to vector<16xi32>
          %shift_right_logical3A_175 = arith.shrui %gather3A, %shift_right_logical3A_174 : vector<16xi32>
          %and3A_176 = arith.constant 63 : i32
          %and3A_177 = vector.broadcast %and3A_176 : i32 to vector<16xi32>
          %and3A_178 = arith.andi %gather3A, %and3A_177 : vector<16xi32>
          %gt3A = arith.constant 0 : i32
          %gt3A_179 = arith.cmpi sgt, %reduce_max3A_172, %gt3A : i32
          %convert_element_type3A_180 = arith.extui %gt3A_179 : i1 to i32
          %cond3A_181 = arith.constant 0 : i32
          %cond3A_182 = arith.cmpi ne, %convert_element_type3A_180, %cond3A_181 : i32
          scf.if %cond3A_182 {
            %while3A_184 = arith.constant 0 : i32
            %while3A_185 = scf.while (%while3A_186 = %while3A_184) : (i32) -> i32 {
              %le3A = arith.cmpi sle, %while3A_186, %reduce_max3A_172 : i32
              scf.condition(%le3A) %while3A_186 : i32
            } do {
            ^bb0(%while3A_186: i32):
              %eq3A_187 = vector.broadcast %while3A_186 : i32 to vector<16xi32>
              %eq3A_188 = arith.cmpi eq, %select_n3A_165, %eq3A_187 : vector<16xi32>
              %and3A_189 = arith.andi %lt3A_144, %eq3A_188 : vector<16xi1>
              tpu.vector_store_idx %arg6[%shift_right_logical3A_175, %and3A_178], %bitcast3A masked %and3A_189 {add = true} : memref<512x64xf32, #tpu.memory_space<vmem>>[vector<16xi32>, vector<16xi32>], vector<16xf32>, vector<16xi1>
              %add3A_190 = arith.constant 1 : i32
              %add3A_191 = arith.addi %while3A_186, %add3A_190 : i32
              scf.yield %add3A_191 : i32
            }
          } else {
            tpu.vector_store_idx %arg6[%shift_right_logical3A_175, %and3A_178], %bitcast3A masked %lt3A_144 {add = true} : memref<512x64xf32, #tpu.memory_space<vmem>>[vector<16xi32>, vector<16xi32>], vector<16xf32>, vector<16xi1>
          }
          %while3A_183 = arith.constant 0 : i32
          scf.yield %while3A_183 : i32
        }
        %while3A_128 = arith.constant 1 : i32
        %while3A_129 = scf.for %while3A_138 = %while3A_125 to %while3A_121 step %while3A_128 iter_args(%while3A_139 = %while3A_127) -> (i32)  : i32 {
          %mul3A_140 = arith.constant 16 : i32
          %mul3A_141 = arith.muli %while3A_138, %mul3A_140 : i32
          %add3A_142 = vector.broadcast %mul3A_141 : i32 to vector<16xi32>
          %add3A_143 = arith.addi %add3A_142, %iota3A : vector<16xi32>
          %lt3A = vector.broadcast %min3A_99 : i32 to vector<16xi32>
          %lt3A_144 = arith.cmpi slt, %add3A_143, %lt3A : vector<16xi32>
          %mul3A_145 = arith.constant 2 : i32
          %mul3A_146 = vector.broadcast %mul3A_145 : i32 to vector<16xi32>
          %mul3A_147 = arith.muli %add3A_143, %mul3A_146 : vector<16xi32>
          %add3A_148 = vector.broadcast %mul3A_98 : i32 to vector<16xi32>
          %add3A_149 = arith.addi %add3A_148, %mul3A_147 : vector<16xi32>
          %gather3A = tpu.vector_load_idx %arg9[%add3A_149] : memref<4096xi32, #tpu.memory_space<vmem>>[vector<16xi32>], vector<16xi32>,
          %mul3A_150 = arith.constant 2 : i32
          %mul3A_151 = vector.broadcast %mul3A_150 : i32 to vector<16xi32>
          %mul3A_152 = arith.muli %add3A_143, %mul3A_151 : vector<16xi32>
          %add3A_153 = vector.broadcast %mul3A_98 : i32 to vector<16xi32>
          %add3A_154 = arith.addi %add3A_153, %mul3A_152 : vector<16xi32>
          %add3A_155 = arith.constant 1 : i32
          %add3A_156 = vector.broadcast %add3A_155 : i32 to vector<16xi32>
          %add3A_157 = arith.addi %add3A_154, %add3A_156 : vector<16xi32>
          %gather3A_158 = tpu.vector_load_idx %arg9[%add3A_157] : memref<4096xi32, #tpu.memory_space<vmem>>[vector<16xi32>], vector<16xi32>,
          %bitcast3A = vector.bitcast %gather3A_158 : vector<16xi32> to vector<16xf32>
          %unique3A_159, %unique3A_160 = tpu.scan_count mask(%lt3A_144 : vector<16xi1>) value(%gather3A : vector<16xi32>) : vector<16xi1>, vector<16xi32>
          %sub3A_161 = vector.broadcast %reduce_min3A_11 : i32 to vector<16xi32>
          %sub3A_162 = arith.subi %unique3A_160, %sub3A_161 : vector<16xi32>
          %jit3A_163 = arith.constant 0 : i32
          %broadcast_in_dim3A_164 = vector.broadcast %jit3A_163 : i32 to vector<16xi32>
          %select_n3A_165 = arith.select %lt3A_144, %sub3A_162, %broadcast_in_dim3A_164 : vector<16xi1>, vector<16xi32>
          %reduce_max3A = arith.constant true
          %reduce_max3A_166 = vector.broadcast %reduce_max3A : i1 to vector<16xi1>
          %reduce_max3A_167 = arith.constant -2147483648 : i32
          %reduce_max3A_168 = vector.broadcast %reduce_max3A_167 : i32 to vector<16xi32>
          %reduce_max3A_169 = arith.xori %select_n3A_165, %reduce_max3A_168 : vector<16xi32>
          %reduce_max3A_170 = tpu.scan <max>, %reduce_max3A_169 masked %reduce_max3A_166 : vector<16xi32>, vector<16xi1> -> vector<16xi32>
          %reduce_max3A_171 = arith.xori %reduce_max3A_170, %reduce_max3A_168 : vector<16xi32>
          %reduce_max3A_172 = vector.extract %reduce_max3A_171[15] : i32 from vector<16xi32>
          %shift_right_logical3A_173 = arith.constant 6 : i32
          %shift_right_logical3A_174 = vector.broadcast %shift_right_logical3A_173 : i32 to vector<16xi32>
          %shift_right_logical3A_175 = arith.shrui %gather3A, %shift_right_logical3A_174 : vector<16xi32>
          %and3A_176 = arith.constant 63 : i32
          %and3A_177 = vector.broadcast %and3A_176 : i32 to vector<16xi32>
          %and3A_178 = arith.andi %gather3A, %and3A_177 : vector<16xi32>
          %gt3A = arith.constant 0 : i32
          %gt3A_179 = arith.cmpi sgt, %reduce_max3A_172, %gt3A : i32
          %convert_element_type3A_180 = arith.extui %gt3A_179 : i1 to i32
          %cond3A_181 = arith.constant 0 : i32
          %cond3A_182 = arith.cmpi ne, %convert_element_type3A_180, %cond3A_181 : i32
          scf.if %cond3A_182 {
            %while3A_184 = arith.constant 0 : i32
            %while3A_185 = scf.while (%while3A_186 = %while3A_184) : (i32) -> i32 {
              %le3A = arith.cmpi sle, %while3A_186, %reduce_max3A_172 : i32
              scf.condition(%le3A) %while3A_186 : i32
            } do {
            ^bb0(%while3A_186: i32):
              %eq3A_187 = vector.broadcast %while3A_186 : i32 to vector<16xi32>
              %eq3A_188 = arith.cmpi eq, %select_n3A_165, %eq3A_187 : vector<16xi32>
              %and3A_189 = arith.andi %lt3A_144, %eq3A_188 : vector<16xi1>
              tpu.vector_store_idx %arg6[%shift_right_logical3A_175, %and3A_178], %bitcast3A masked %and3A_189 {add = true} : memref<512x64xf32, #tpu.memory_space<vmem>>[vector<16xi32>, vector<16xi32>], vector<16xf32>, vector<16xi1>
              %add3A_190 = arith.constant 1 : i32
              %add3A_191 = arith.addi %while3A_186, %add3A_190 : i32
              scf.yield %add3A_191 : i32
            }
          } else {
            tpu.vector_store_idx %arg6[%shift_right_logical3A_175, %and3A_178], %bitcast3A masked %lt3A_144 {add = true} : memref<512x64xf32, #tpu.memory_space<vmem>>[vector<16xi32>, vector<16xi32>], vector<16xf32>, vector<16xi1>
          }
          %while3A_183 = arith.constant 0 : i32
          scf.yield %while3A_183 : i32
        }
        %mul3A_130 = arith.constant 81920 : i32
        %mul3A_131 = arith.muli %scan3A_90, %mul3A_130 : i32
        %mul3A_132 = arith.constant 2 : i32
        %mul3A_133 = arith.muli %shift_right_logical3A_93, %mul3A_132 : i32
        %add3A_134 = arith.addi %mul3A_131, %mul3A_133 : i32
        %while3A_135 = arith.constant 64 : i32
        %while3A_136 = scf.while (%while3A_138 = %while3A_135) : (i32) -> i32 {
          %lt3A = arith.cmpi slt, %while3A_138, %and3A_94 : i32
          scf.condition(%lt3A) %while3A_138 : i32
        } do {
        ^bb0(%while3A_138: i32):
          %mul3A_139 = arith.constant 2 : i32
          %mul3A_140 = arith.muli %while3A_138, %mul3A_139 : i32
          %add3A_141 = arith.addi %add3A_134, %mul3A_140 : i32
          %multiple_of3A_142 = tpu.assume_multiple %add3A_141, 8 : i32
          "tpu.region"() ({
            %run_scoped3A = tpu.sem_alloc : memref<!tpu.dma_semaphore, #tpu.memory_space<semaphore_mem>>
            %dma_start3A_186 = tpu.memref_slice %arg3[%multiple_of3A_142] : memref<2622464xi32, #tpu.memory_space<hbm>> -> memref<128xi32, #tpu.memory_space<hbm>>
            %dma_start3A_187 = tpu.memref_slice %arg3[%multiple_of3A_142] : memref<2622464xi32, #tpu.memory_space<hbm>> -> memref<128xi32, #tpu.memory_space<hbm>>
            tpu.enqueue_dma source(%dma_start3A_187 : memref<128xi32, #tpu.memory_space<hbm>>) target(%arg10 : memref<128xi32, #tpu.memory_space<vmem>>) target_semaphore(%run_scoped3A : memref<!tpu.dma_semaphore, #tpu.memory_space<semaphore_mem>>)
            %dma_wait3A_188 = tpu.memref_slice %arg3[%multiple_of3A_142] : memref<2622464xi32, #tpu.memory_space<hbm>> -> memref<128xi32, #tpu.memory_space<hbm>>
            %dma_wait3A_189 = tpu.memref_slice %arg3[%multiple_of3A_142] : memref<2622464xi32, #tpu.memory_space<hbm>> -> memref<128xi32, #tpu.memory_space<hbm>>
            tpu.wait_dma2 semaphore(%run_scoped3A : memref<!tpu.dma_semaphore, #tpu.memory_space<semaphore_mem>>) src(%dma_wait3A_189 : memref<128xi32, #tpu.memory_space<hbm>>) dst(%arg10 : memref<128xi32, #tpu.memory_space<vmem>>)
            tpu.yield
          }) : () -> ()
          %sub3A_143 = arith.subi %and3A_94, %while3A_138 : i32
          %min3A_144 = arith.constant 64 : i32
          %min3A_145 = arith.minsi %sub3A_143, %min3A_144 : i32
          %add3A_146 = arith.constant 15 : i32
          %add3A_147 = arith.addi %min3A_145, %add3A_146 : i32
          %jit3A_148 = arith.constant 16 : i32
          %div3A_149 = arith.divsi %add3A_147, %jit3A_148 : i32
          %sign3A_150 = arith.constant 0 : i32
          %sign3A_151 = arith.cmpi sgt, %add3A_147, %sign3A_150 : i32
          %sign3A_152 = arith.extui %sign3A_151 : i1 to i32
          %sign3A_153 = arith.constant 0 : i32
          %sign3A_154 = arith.cmpi slt, %add3A_147, %sign3A_153 : i32
          %sign3A_155 = arith.extui %sign3A_154 : i1 to i32
          %sign3A_156 = arith.subi %sign3A_152, %sign3A_155 : i32
          %sign3A_157 = arith.constant 0 : i32
          %sign3A_158 = arith.cmpi sgt, %jit3A_148, %sign3A_157 : i32
          %sign3A_159 = arith.extui %sign3A_158 : i1 to i32
          %sign3A_160 = arith.constant 0 : i32
          %sign3A_161 = arith.cmpi slt, %jit3A_148, %sign3A_160 : i32
          %sign3A_162 = arith.extui %sign3A_161 : i1 to i32
          %sign3A_163 = arith.subi %sign3A_159, %sign3A_162 : i32
          %ne3A_164 = arith.cmpi ne, %sign3A_156, %sign3A_163 : i32
          %rem3A_165 = arith.remsi %add3A_147, %jit3A_148 : i32
          %ne3A_166 = arith.constant 0 : i32
          %ne3A_167 = arith.cmpi ne, %rem3A_165, %ne3A_166 : i32
          %and3A_168 = arith.andi %ne3A_164, %ne3A_167 : i1
          %sub3A_169 = arith.constant 1 : i32
          %sub3A_170 = arith.subi %div3A_149, %sub3A_169 : i32
          %select_n3A_171 = arith.select %and3A_168, %sub3A_170, %div3A_149 : i32
          %while3A_172 = arith.constant 0 : i32
          %while3A_173 = arith.constant 0 : i32
          %while3A_174 = arith.subi %select_n3A_171, %while3A_172 : i32
          %while3A_175 = arith.addi %while3A_172, %while3A_174 : i32
          %while3A_176 = arith.constant 1 : i32
          %while3A_177 = arith.divsi %while3A_174, %while3A_176 : i32
          %while3A_178 = arith.muli %while3A_177, %while3A_176 : i32
          %while3A_179 = arith.addi %while3A_172, %while3A_178 : i32
          %while3A_180 = arith.constant 1 : i32
          %while3A_181 = scf.for %while3A_186 = %while3A_172 to %while3A_179 step %while3A_180 iter_args(%while3A_187 = %while3A_173) -> (i32)  : i32 {
            %mul3A_188 = arith.constant 16 : i32
            %mul3A_189 = arith.muli %while3A_186, %mul3A_188 : i32
            %add3A_190 = vector.broadcast %mul3A_189 : i32 to vector<16xi32>
            %add3A_191 = arith.addi %add3A_190, %iota3A : vector<16xi32>
            %lt3A = vector.broadcast %min3A_145 : i32 to vector<16xi32>
            %lt3A_192 = arith.cmpi slt, %add3A_191, %lt3A : vector<16xi32>
            %mul3A_193 = arith.constant 2 : i32
            %mul3A_194 = vector.broadcast %mul3A_193 : i32 to vector<16xi32>
            %mul3A_195 = arith.muli %add3A_191, %mul3A_194 : vector<16xi32>
            %add3A_196 = arith.constant 0 : i32
            %add3A_197 = vector.broadcast %add3A_196 : i32 to vector<16xi32>
            %add3A_198 = arith.addi %add3A_197, %mul3A_195 : vector<16xi32>
            %gather3A = tpu.vector_load_idx %arg10[%add3A_198] : memref<128xi32, #tpu.memory_space<vmem>>[vector<16xi32>], vector<16xi32>,
            %mul3A_199 = arith.constant 2 : i32
            %mul3A_200 = vector.broadcast %mul3A_199 : i32 to vector<16xi32>
            %mul3A_201 = arith.muli %add3A_191, %mul3A_200 : vector<16xi32>
            %add3A_202 = arith.constant 0 : i32
            %add3A_203 = vector.broadcast %add3A_202 : i32 to vector<16xi32>
            %add3A_204 = arith.addi %add3A_203, %mul3A_201 : vector<16xi32>
            %add3A_205 = arith.constant 1 : i32
            %add3A_206 = vector.broadcast %add3A_205 : i32 to vector<16xi32>
            %add3A_207 = arith.addi %add3A_204, %add3A_206 : vector<16xi32>
            %gather3A_208 = tpu.vector_load_idx %arg10[%add3A_207] : memref<128xi32, #tpu.memory_space<vmem>>[vector<16xi32>], vector<16xi32>,
            %bitcast3A = vector.bitcast %gather3A_208 : vector<16xi32> to vector<16xf32>
            %unique3A_209, %unique3A_210 = tpu.scan_count mask(%lt3A_192 : vector<16xi1>) value(%gather3A : vector<16xi32>) : vector<16xi1>, vector<16xi32>
            %sub3A_211 = vector.broadcast %reduce_min3A_11 : i32 to vector<16xi32>
            %sub3A_212 = arith.subi %unique3A_210, %sub3A_211 : vector<16xi32>
            %jit3A_213 = arith.constant 0 : i32
            %broadcast_in_dim3A_214 = vector.broadcast %jit3A_213 : i32 to vector<16xi32>
            %select_n3A_215 = arith.select %lt3A_192, %sub3A_212, %broadcast_in_dim3A_214 : vector<16xi1>, vector<16xi32>
            %reduce_max3A = arith.constant true
            %reduce_max3A_216 = vector.broadcast %reduce_max3A : i1 to vector<16xi1>
            %reduce_max3A_217 = arith.constant -2147483648 : i32
            %reduce_max3A_218 = vector.broadcast %reduce_max3A_217 : i32 to vector<16xi32>
            %reduce_max3A_219 = arith.xori %select_n3A_215, %reduce_max3A_218 : vector<16xi32>
            %reduce_max3A_220 = tpu.scan <max>, %reduce_max3A_219 masked %reduce_max3A_216 : vector<16xi32>, vector<16xi1> -> vector<16xi32>
            %reduce_max3A_221 = arith.xori %reduce_max3A_220, %reduce_max3A_218 : vector<16xi32>
            %reduce_max3A_222 = vector.extract %reduce_max3A_221[15] : i32 from vector<16xi32>
            %shift_right_logical3A_223 = arith.constant 6 : i32
            %shift_right_logical3A_224 = vector.broadcast %shift_right_logical3A_223 : i32 to vector<16xi32>
            %shift_right_logical3A_225 = arith.shrui %gather3A, %shift_right_logical3A_224 : vector<16xi32>
            %and3A_226 = arith.constant 63 : i32
            %and3A_227 = vector.broadcast %and3A_226 : i32 to vector<16xi32>
            %and3A_228 = arith.andi %gather3A, %and3A_227 : vector<16xi32>
            %gt3A = arith.constant 0 : i32
            %gt3A_229 = arith.cmpi sgt, %reduce_max3A_222, %gt3A : i32
            %convert_element_type3A_230 = arith.extui %gt3A_229 : i1 to i32
            %cond3A_231 = arith.constant 0 : i32
            %cond3A_232 = arith.cmpi ne, %convert_element_type3A_230, %cond3A_231 : i32
            scf.if %cond3A_232 {
              %while3A_234 = arith.constant 0 : i32
              %while3A_235 = scf.while (%while3A_236 = %while3A_234) : (i32) -> i32 {
                %le3A = arith.cmpi sle, %while3A_236, %reduce_max3A_222 : i32
                scf.condition(%le3A) %while3A_236 : i32
              } do {
              ^bb0(%while3A_236: i32):
                %eq3A_237 = vector.broadcast %while3A_236 : i32 to vector<16xi32>
                %eq3A_238 = arith.cmpi eq, %select_n3A_215, %eq3A_237 : vector<16xi32>
                %and3A_239 = arith.andi %lt3A_192, %eq3A_238 : vector<16xi1>
                tpu.vector_store_idx %arg6[%shift_right_logical3A_225, %and3A_228], %bitcast3A masked %and3A_239 {add = true} : memref<512x64xf32, #tpu.memory_space<vmem>>[vector<16xi32>, vector<16xi32>], vector<16xf32>, vector<16xi1>
                %add3A_240 = arith.constant 1 : i32
                %add3A_241 = arith.addi %while3A_236, %add3A_240 : i32
                scf.yield %add3A_241 : i32
              }
            } else {
              tpu.vector_store_idx %arg6[%shift_right_logical3A_225, %and3A_228], %bitcast3A masked %lt3A_192 {add = true} : memref<512x64xf32, #tpu.memory_space<vmem>>[vector<16xi32>, vector<16xi32>], vector<16xf32>, vector<16xi1>
            }
            %while3A_233 = arith.constant 0 : i32
            scf.yield %while3A_233 : i32
          }
          %while3A_182 = arith.constant 1 : i32
          %while3A_183 = scf.for %while3A_186 = %while3A_179 to %while3A_175 step %while3A_182 iter_args(%while3A_187 = %while3A_181) -> (i32)  : i32 {
            %mul3A_188 = arith.constant 16 : i32
            %mul3A_189 = arith.muli %while3A_186, %mul3A_188 : i32
            %add3A_190 = vector.broadcast %mul3A_189 : i32 to vector<16xi32>
            %add3A_191 = arith.addi %add3A_190, %iota3A : vector<16xi32>
            %lt3A = vector.broadcast %min3A_145 : i32 to vector<16xi32>
            %lt3A_192 = arith.cmpi slt, %add3A_191, %lt3A : vector<16xi32>
            %mul3A_193 = arith.constant 2 : i32
            %mul3A_194 = vector.broadcast %mul3A_193 : i32 to vector<16xi32>
            %mul3A_195 = arith.muli %add3A_191, %mul3A_194 : vector<16xi32>
            %add3A_196 = arith.constant 0 : i32
            %add3A_197 = vector.broadcast %add3A_196 : i32 to vector<16xi32>
            %add3A_198 = arith.addi %add3A_197, %mul3A_195 : vector<16xi32>
            %gather3A = tpu.vector_load_idx %arg10[%add3A_198] : memref<128xi32, #tpu.memory_space<vmem>>[vector<16xi32>], vector<16xi32>,
            %mul3A_199 = arith.constant 2 : i32
            %mul3A_200 = vector.broadcast %mul3A_199 : i32 to vector<16xi32>
            %mul3A_201 = arith.muli %add3A_191, %mul3A_200 : vector<16xi32>
            %add3A_202 = arith.constant 0 : i32
            %add3A_203 = vector.broadcast %add3A_202 : i32 to vector<16xi32>
            %add3A_204 = arith.addi %add3A_203, %mul3A_201 : vector<16xi32>
            %add3A_205 = arith.constant 1 : i32
            %add3A_206 = vector.broadcast %add3A_205 : i32 to vector<16xi32>
            %add3A_207 = arith.addi %add3A_204, %add3A_206 : vector<16xi32>
            %gather3A_208 = tpu.vector_load_idx %arg10[%add3A_207] : memref<128xi32, #tpu.memory_space<vmem>>[vector<16xi32>], vector<16xi32>,
            %bitcast3A = vector.bitcast %gather3A_208 : vector<16xi32> to vector<16xf32>
            %unique3A_209, %unique3A_210 = tpu.scan_count mask(%lt3A_192 : vector<16xi1>) value(%gather3A : vector<16xi32>) : vector<16xi1>, vector<16xi32>
            %sub3A_211 = vector.broadcast %reduce_min3A_11 : i32 to vector<16xi32>
            %sub3A_212 = arith.subi %unique3A_210, %sub3A_211 : vector<16xi32>
            %jit3A_213 = arith.constant 0 : i32
            %broadcast_in_dim3A_214 = vector.broadcast %jit3A_213 : i32 to vector<16xi32>
            %select_n3A_215 = arith.select %lt3A_192, %sub3A_212, %broadcast_in_dim3A_214 : vector<16xi1>, vector<16xi32>
            %reduce_max3A = arith.constant true
            %reduce_max3A_216 = vector.broadcast %reduce_max3A : i1 to vector<16xi1>
            %reduce_max3A_217 = arith.constant -2147483648 : i32
            %reduce_max3A_218 = vector.broadcast %reduce_max3A_217 : i32 to vector<16xi32>
            %reduce_max3A_219 = arith.xori %select_n3A_215, %reduce_max3A_218 : vector<16xi32>
            %reduce_max3A_220 = tpu.scan <max>, %reduce_max3A_219 masked %reduce_max3A_216 : vector<16xi32>, vector<16xi1> -> vector<16xi32>
            %reduce_max3A_221 = arith.xori %reduce_max3A_220, %reduce_max3A_218 : vector<16xi32>
            %reduce_max3A_222 = vector.extract %reduce_max3A_221[15] : i32 from vector<16xi32>
            %shift_right_logical3A_223 = arith.constant 6 : i32
            %shift_right_logical3A_224 = vector.broadcast %shift_right_logical3A_223 : i32 to vector<16xi32>
            %shift_right_logical3A_225 = arith.shrui %gather3A, %shift_right_logical3A_224 : vector<16xi32>
            %and3A_226 = arith.constant 63 : i32
            %and3A_227 = vector.broadcast %and3A_226 : i32 to vector<16xi32>
            %and3A_228 = arith.andi %gather3A, %and3A_227 : vector<16xi32>
            %gt3A = arith.constant 0 : i32
            %gt3A_229 = arith.cmpi sgt, %reduce_max3A_222, %gt3A : i32
            %convert_element_type3A_230 = arith.extui %gt3A_229 : i1 to i32
            %cond3A_231 = arith.constant 0 : i32
            %cond3A_232 = arith.cmpi ne, %convert_element_type3A_230, %cond3A_231 : i32
            scf.if %cond3A_232 {
              %while3A_234 = arith.constant 0 : i32
              %while3A_235 = scf.while (%while3A_236 = %while3A_234) : (i32) -> i32 {
                %le3A = arith.cmpi sle, %while3A_236, %reduce_max3A_222 : i32
                scf.condition(%le3A) %while3A_236 : i32
              } do {
              ^bb0(%while3A_236: i32):
                %eq3A_237 = vector.broadcast %while3A_236 : i32 to vector<16xi32>
                %eq3A_238 = arith.cmpi eq, %select_n3A_215, %eq3A_237 : vector<16xi32>
                %and3A_239 = arith.andi %lt3A_192, %eq3A_238 : vector<16xi1>
                tpu.vector_store_idx %arg6[%shift_right_logical3A_225, %and3A_228], %bitcast3A masked %and3A_239 {add = true} : memref<512x64xf32, #tpu.memory_space<vmem>>[vector<16xi32>, vector<16xi32>], vector<16xf32>, vector<16xi1>
                %add3A_240 = arith.constant 1 : i32
                %add3A_241 = arith.addi %while3A_236, %add3A_240 : i32
                scf.yield %add3A_241 : i32
              }
            } else {
              tpu.vector_store_idx %arg6[%shift_right_logical3A_225, %and3A_228], %bitcast3A masked %lt3A_192 {add = true} : memref<512x64xf32, #tpu.memory_space<vmem>>[vector<16xi32>, vector<16xi32>], vector<16xf32>, vector<16xi1>
            }
            %while3A_233 = arith.constant 0 : i32
            scf.yield %while3A_233 : i32
          }
          %add3A_184 = arith.constant 64 : i32
          %add3A_185 = arith.addi %while3A_138, %add3A_184 : i32
          scf.yield %add3A_185 : i32
        }
        %scan3A_137 = arith.constant 0 : i32
        scf.yield %scan3A_137 : i32
      }
      %scan3A_89 = arith.constant 32 : i32
      "tpu.region"() ({
        %run_scoped3A = tpu.sem_alloc : memref<!tpu.dma_semaphore, #tpu.memory_space<semaphore_mem>>
        %dma_start3A_90 = arith.constant 0 : i32
        %dma_start3A_91 = arith.constant 0 : i32
        %dma_start3A_92 = tpu.memref_slice %arg6[%dma_start3A_90, %dma_start3A_91] : memref<512x64xf32, #tpu.memory_space<vmem>> -> memref<64x64xf32, #tpu.memory_space<vmem>>
        %dma_start3A_93 = arith.constant 0 : i32
        %dma_start3A_94 = tpu.memref_slice %arg5[%multiple_of3A, %dma_start3A_93] : memref<1000000x64xf32, #tpu.memory_space<hbm>> -> memref<64x64xf32, #tpu.memory_space<hbm>>
        %dma_start3A_95 = arith.constant 0 : i32
        %dma_start3A_96 = tpu.memref_slice %arg5[%multiple_of3A, %dma_start3A_95] : memref<1000000x64xf32, #tpu.memory_space<hbm>> -> memref<64x64xf32, #tpu.memory_space<hbm>>
        %dma_start3A_97 = arith.constant 0 : i32
        %dma_start3A_98 = arith.constant 0 : i32
        %dma_start3A_99 = tpu.memref_slice %arg6[%dma_start3A_97, %dma_start3A_98] : memref<512x64xf32, #tpu.memory_space<vmem>> -> memref<64x64xf32, #tpu.memory_space<vmem>>
        tpu.enqueue_dma source(%dma_start3A_99 : memref<64x64xf32, #tpu.memory_space<vmem>>) target(%dma_start3A_96 : memref<64x64xf32, #tpu.memory_space<hbm>>) target_semaphore(%run_scoped3A : memref<!tpu.dma_semaphore, #tpu.memory_space<semaphore_mem>>)
        %dma_wait3A_100 = arith.constant 0 : i32
        %dma_wait3A_101 = arith.constant 0 : i32
        %dma_wait3A_102 = tpu.memref_slice %arg6[%dma_wait3A_100, %dma_wait3A_101] : memref<512x64xf32, #tpu.memory_space<vmem>> -> memref<64x64xf32, #tpu.memory_space<vmem>>
        %dma_wait3A_103 = arith.constant 0 : i32
        %dma_wait3A_104 = tpu.memref_slice %arg5[%multiple_of3A, %dma_wait3A_103] : memref<1000000x64xf32, #tpu.memory_space<hbm>> -> memref<64x64xf32, #tpu.memory_space<hbm>>
        %dma_wait3A_105 = arith.constant 0 : i32
        %dma_wait3A_106 = tpu.memref_slice %arg5[%multiple_of3A, %dma_wait3A_105] : memref<1000000x64xf32, #tpu.memory_space<hbm>> -> memref<64x64xf32, #tpu.memory_space<hbm>>
        %dma_wait3A_107 = arith.constant 0 : i32
        %dma_wait3A_108 = arith.constant 0 : i32
        %dma_wait3A_109 = tpu.memref_slice %arg6[%dma_wait3A_107, %dma_wait3A_108] : memref<512x64xf32, #tpu.memory_space<vmem>> -> memref<64x64xf32, #tpu.memory_space<vmem>>
        tpu.wait_dma2 semaphore(%run_scoped3A : memref<!tpu.dma_semaphore, #tpu.memory_space<semaphore_mem>>) src(%dma_wait3A_109 : memref<64x64xf32, #tpu.memory_space<vmem>>) dst(%dma_wait3A_106 : memref<64x64xf32, #tpu.memory_space<hbm>>)
        tpu.yield
      }) : () -> ()
    } else {
    }
    return
  }
}

</mosaic_0001>

<sc_bundles>
// kernel: kernel.4.cloned.1.call-start
scs
__scs_entry_jumppad:
0x0: {  	(pc) =	sbr.rel $0x88, $3  }
0x1: {  	(tag) =	ssettag $0x0;
	lr =	simm.s32 $0x1  }
0x2: {  	[smem:$0x3F9E] =	sst lr;
	_ =	strace $0xD0000000  }
0x3: {  	_ = 	snop  }
0x4: {  	_ = 	snop  }
0x5: {  	_ = 	snop  }
0x6: {  	_ = 	snop  }
0x7: {  	_ = 	snop  }
__scs_overlays_trampoline_lowered:
0x8: {  	[smem:$0x3FAD] =	sst s0  }
0x9: {  	[smem:$0x3FAE] =	sst s1  }
0xa: {  	[smem:$0x3FAF] =	sst s2  }
0xb: {  	[smem:$0x3FB0] =	sst s3  }
0xc: {  	[smem:$0x3FB1] =	sst s4  }
0xd: {  	[smem:$0x3FB2] =	sst s5  }
0xe: {  	[smem:$0x3FB3] =	sst s6  }
0xf: {  	[smem:$0x3FB4] =	sst s7  }
0x10: {  	[smem:$0x3FB5] =	sst s8  }
0x11: {  	[smem:$0x3FB6] =	sst s9;
	s0 =	simm.s32 @!p0 $0x0  }
0x12: {  	s1 =	sld [smem:$0x3F9C];
	s0 =	simm.s32 @p0 $0x1  }
0x13: {  	[smem:$0x3FB7] =	sst s0;
	s0 =	simm.s32 @!p1 $0x0  }
0x14: {  	s2 =	sld [smem:$0x3F9B];
	s0 =	simm.s32 @p1 $0x1  }
0x15: {  	[smem:$0x3FB8] =	sst s0;
	s0 =	simm.s32 @!p2 $0x0  }
0x16: {  	s3 =	sld [smem:$0x3FDB];
	s0 =	simm.s32 @p2 $0x1  }
0x17: {  	s4 =	simm.s32 $0x1BF5;
	[smem:$0x3FBA] =	sst s0  }
0x18: {  	s0 =	sld [smem:$0x3F9D];
	_ =	swait.ge [sflag:s4], $0x0  }
0x19: {  	s7 =	sld [smem:$0x3F9E]  }
0x1a: {  	s8 =	sadd.s32 $0xFFFFE003, lr  }
0x1b: {  	s9 =	sadd.s32 $0xFFFFFEF7, lr;
	s5 =	simm.s32 $0xFFFFFFFF;
	p2 =	slt.u32 s8, $0xFFFFF086  }
0x1c: {  	p1 =	slt.u32 s9, $0xF7A;
	s5 =	simm.s32 @!p2 $0x0  }
0x1d: {  	s5 =	simm.s32 @p1 $0x1;
	p0 =	seq.s32 s7, s2  }
0x1e: {  	s7 =	smul.u32 @!p0 $0xF7A, s2;
	p2 =	seq.s32 @!p0 s5, $0x0  }
0x1f: {  	s9 =	smul.u32 $0xF7A, s1;
	s8 =	simm.s32 @!p0 $0x1BF5;
	p2 =	por !p2, p0  }
0x20: {  	[sflag:s8] =	ssyncset.s32 @!p0 $0xFFFFF086;
	s6 =	sadd.s32 @!p0 s3, s7;
	s7 =	simm.s32 @!p0 $0x108  }
0x21: {  	s3 =	sadd.s32 s3, s9;
	s6 =	sadd.s32 @!p0 $0x88, s6;
	s7 =	simm.s32 @p2 $0x1082  }
0x22: {  	[simem:s7], [sflag:s8] =	dma.local @!p0 [hbm:s6], $0xF7A  }
0x23: {  	s9 =	sor.u32 $0xD0000000, s2;
	s6 =	simm.s32 $0x108;
	_ =	swait.ge @!p0 [sflag:s8], $0x0  }
0x24: {  	s3 =	sadd.s32 $0x88, s3;
	s6 =	simm.s32 @!p1 $0x1082;
	[sflag:s4] =	ssyncset.s32 $0xFFFFF086  }
0x25: {  	[simem:s6], [sflag:s4] =	dma.local [hbm:s3], $0xF7A  }
0x26: {  	[smem:$0x3F9E] =	sst s1;
	(tag) =	ssettag s2;
	_ =	strace s9  }
0x27: {  	s1 =	sld [smem:$0x3FAE]  }
0x28: {  	s2 =	sld [smem:$0x3FAF]  }
0x29: {  	s4 =	sld [smem:$0x3FB1]  }
0x2a: {  	p0 =	seq.s32 s5, $0x0;
	s5 =	sld [smem:$0x3FB2]  }
0x2b: {  	s6 =	sld [smem:$0x3FB3]  }
0x2c: {  	s7 =	sld [smem:$0x3FB4]  }
0x2d: {  	s3 =	simm.s32 $0x108;
	s8 =	sld [smem:$0x3FB5]  }
0x2e: {  	s3 =	simm.s32 @!p0 $0x1082;
	s9 =	sld [smem:$0x3FB6]  }
0x2f: {  	lr =	sadd.s32 s0, s3;
	s0 =	sld [smem:$0x3FAD]  }
0x30: {  	s3 =	sld [smem:$0x3FB0]  }
0x31: {  	[smem:$0x3FB9] =	sst s10  }
0x32: {  	s10 =	sld [smem:$0x3FB7];
	_ =	sdelay $0x3  }
0x33: {  	p0 =	seq.s32 s10, $0x1;
	s10 =	sld [smem:$0x3FB9];
	_ =	sdelay $0x3  }
0x34: {  	[smem:$0x3FB9] =	sst s10  }
0x35: {  	s10 =	sld [smem:$0x3FB8];
	_ =	sdelay $0x3  }
0x36: {  	p1 =	seq.s32 s10, $0x1;
	s10 =	sld [smem:$0x3FB9];
	_ =	sdelay $0x3  }
0x37: {  	[smem:$0x3FB9] =	sst s10  }
0x38: {  	s10 =	sld [smem:$0x3FBA]  }
0x39: {  	_ = 	snop;
	(pc) =	sbr.ind lr, $3  }
0x3a: {  	_ = 	snop  }
0x3b: {  	_ = 	snop  }
0x3c: {  	p2 =	seq.s32 s10, $0x1;
	s10 =	sld [smem:$0x3FB9]  }
0x3d: {  	_ =	shalt  }
0x3e: {  	_ =	shalt  }
0x3f: {  	_ =	shalt  }
0x40: {  	_ =	shalt  }
0x41: {  	_ =	shalt  }
0x42: {  	_ =	shalt  }
0x43: {  	_ =	shalt  }
0x44: {  	_ =	shalt  }
0x45: {  	_ =	shalt  }
0x46: {  	_ =	shalt  }
0x47: {  	_ =	shalt  }
0x48: {  	_ =	shalt  }
0x49: {  	_ =	shalt  }
0x4a: {  	_ =	shalt  }
0x4b: {  	_ =	shalt  }
0x4c: {  	_ =	shalt  }
0x4d: {  	_ =	shalt  }
0x4e: {  	_ =	shalt  }
0x4f: {  	_ =	shalt  }
0x50: {  	_ =	shalt  }
0x51: {  	_ =	shalt  }
0x52: {  	_ =	shalt  }
0x53: {  	_ =	shalt  }
0x54: {  	_ =	shalt  }
0x55: {  	_ =	shalt  }
0x56: {  	_ =	shalt  }
0x57: {  	_ =	shalt  }
0x58: {  	_ =	shalt  }
0x59: {  	_ =	shalt  }
0x5a: {  	_ =	shalt  }
0x5b: {  	_ =	shalt  }
0x5c: {  	_ =	shalt  }
0x5d: {  	_ =	shalt  }
0x5e: {  	_ =	shalt  }
0x5f: {  	_ =	shalt  }
0x60: {  	_ =	shalt  }
0x61: {  	_ =	shalt  }
0x62: {  	_ =	shalt  }
0x63: {  	_ =	shalt  }
0x64: {  	_ =	shalt  }
0x65: {  	_ =	shalt  }
0x66: {  	_ =	shalt  }
0x67: {  	_ =	shalt  }
0x68: {  	_ =	shalt  }
0x69: {  	_ =	shalt  }
0x6a: {  	_ =	shalt  }
0x6b: {  	_ =	shalt  }
0x6c: {  	_ =	shalt  }
0x6d: {  	_ =	shalt  }
0x6e: {  	_ =	shalt  }
0x6f: {  	_ =	shalt  }
0x70: {  	_ =	shalt  }
0x71: {  	_ =	shalt  }
0x72: {  	_ =	shalt  }
0x73: {  	_ =	shalt  }
0x74: {  	_ =	shalt  }
0x75: {  	_ =	shalt  }
0x76: {  	_ =	shalt  }
0x77: {  	_ =	shalt  }
0x78: {  	_ =	shalt  }
0x79: {  	_ =	shalt  }
0x7a: {  	_ =	shalt  }
0x7b: {  	_ =	shalt  }
0x7c: {  	_ =	shalt  }
0x7d: {  	_ =	shalt  }
0x7e: {  	_ =	shalt  }
0x7f: {  	_ =	shalt  }
0x80: {  	_ =	shalt  }
0x81: {  	_ =	shalt  }
0x82: {  	_ =	shalt  }
0x83: {  	_ =	shalt  }
0x84: {  	_ =	shalt  }
0x85: {  	_ =	shalt  }
0x86: {  	_ =	shalt  }
0x87: {  	_ =	shalt  }
.Lfunc_end0:
.L_simem_size_0:
called_computation_lowered:
.L_overlay_start_0:
0x88: {  	s2 =	sld [smem:$0x3FD9]  }
0x89: {  	s3 =	sld [smem:$0x3FFE];
	_ =	sdelay $0x1  }
0x8a: {  	s1 =	srdreg.scid  }
0x8b: {  	s0 =	sand.u32 $0x1, s1  }
0x8c: {  	s17 =	sshll.u32 s0, $0xA;
	s2 =	sadd.s32 s3, s2  }
0x8d: {  	s2 =	sadd.s32 s2, s17  }
0x8e: {  	[smem:$0x3FC5] =	sst s2  }
0x8f: {  	_ = 	snop  }
0x90: {  	s2 =	sld [smem:$0x3FD0];
	(tm) =	ssettm $0x1  }
0x91: {  	s18 =	sld [smem:$0x3FFB];
	_ =	sdelay $0x3  }
0x92: {  	_ =	strace s18  }
0x93: {  	s3 =	sld [smem:$0x3FFC];
	_ =	sdelay $0x3  }
0x94: {  	_ =	strace s3  }
0x95: {  	s3 =	sld [smem:$0x3FFD];
	_ =	sdelay $0x3  }
0x96: {  	_ =	strace s3  }
0x97: {  	_ =	strace $0x8FFFFFFF  }
0x98: {  	s19 =	sld [smem:$0x3FDB];
	_ =	sdelay $0x1  }
0x99: {  	s4 =	simm.s32 $_scs_section_size  }
0x9a: {  	s5 =	simm.s32 $_size__tile_overlayer_lowered;
	s6 =	simm.s32 $_tile_overlayer_lowered  }
0x9b: {  	s22 =	simm.s32 $0x1BFF;
	s21 =	sshll.u32 s6, $0x1;
	s3 =	sadd.s32 s4, s19  }
0x9c: {  	s7 =	simm.s32 $0x0;
	s20 =	sshll.u32 s5, $0x1;
	s5 =	sadd.s32 s21, s3  }
0x9d: {  	[timem:s7], [sflag:s22] =	dma.local [hbm:s5], s20  }
0x9e: {  	_ =	swait.ge [sflag:s22], s20  }
0x9f: {  	s4 =	ssub.s32 $0x0, s20;
	[sflag:s22] =	ssyncset.done $0x0  }
0xa0: {  	[sflag:s22] =	ssyncadd.s32 s4;
	_ =	sdelay $0x1  }
0xa1: {  	s23 =	simm.s32 $0x1B8B  }
0xa2: {  	_ =	swait.ge [sflag:s23], $0x1  }
0xa3: {  	[sflag:s23] =	ssyncset.done $0x0  }
0xa4: {  	s25 =	simm.s32 $0x1B8E;
	s24 =	sld [smem:$0x3FFE];
	[sflag:s23] =	ssyncadd.s32 $0xFFFFFFFF  }
0xa5: {  	s26 =	simm.s32 $execute0_lowered;
	[smem:$0x3FD2] =	sst s25  }
0xa6: {  	s5 =	sshll.u32 s26, $0x1;
	_ =	strace $0x80000046;
	[dreg:$0x1] =	wrdreg $0xFFFFFFFF  }
0xa7: {  	s28 =	simm.s32 $_size_execute0_lowered;
	s3 =	sadd.s32 s3, s5;
	[dreg:$0x0] =	wrdreg $0x0  }
0xa8: {  	s5 =	sshll.u32 s28, $0x1;
	[dreg:$0x2] =	wrdreg s3  }
0xa9: {  	[dreg:$0x3] =	wrdreg s5  }
0xaa: {  	[dreg:$0x4] =	wrdreg $0xC0  }
0xab: {  	_ =	task [dreg:s7], $0x5FFFF  }
0xac: {  	[dreg:$0x1] =	wrdreg $0xFFFFFFFF  }
0xad: {  	[dreg:$0x0] =	wrdreg $0x60  }
0xae: {  	[dreg:$0x2] =	wrdreg s24  }
0xaf: {  	[dreg:$0x3] =	wrdreg s2  }
0xb0: {  	[dreg:$0x4] =	wrdreg $0x9  }
0xb1: {  	_ =	task.clear_ibuf [dreg:s7], $0x5FFFF;
	_ =	strace $0x90000046  }
0xb2: {  	s29 =	simm.s32 $0x9;
	_ =	strace $0x80000048  }
0xb3: {  	_ =	swait.ge [sflag:s29], $0x1  }
0xb4: {  	[sflag:s29] =	ssyncadd.s32 $0xFFFFFFFF  }
0xb5: {  	_ =	strace $0x90000048  }
0xb6: {  	_ =	sfence  }
0xb7: {  	s30 =	sld [smem:$0x0];
	_ =	sdelay $0x2  }
0xb8: {  	s31 =	sshll.u32 s1, $0xD;
	s1 =	sshrl.u32 s1, $0x2  }
0xb9: {  	s3 =	sand.u32 $0x4000, s31;
	s1 =	sadd.s32 s1, s30  }
0xba: {  	s0 =	sor.u32 s3, s0;
	s1 =	sshll.u32 s1, $0x11  }
0xbb: {  	s0 =	sor.u32 s1, s0  }
0xbc: {  	s0 =	sadd.s32 $0x8F2B, s0  }
0xbd: {  	[sflag:s0] =	ssyncadd.remote.s32 $0x1  }
0xbe: {  	_ =	sfence.sel $0xFFFF  }
0xbf: {  	[dreg:$0x0] =	wrdreg $0xFFFFFFFF;
	(pc) =	sbr.abs _section_cstart, $3  }
0xc0: {  	[dreg:$0x1] =	wrdreg $0xFFFFFFFF  }
0xc1: {  	_ =	task.clear_ibuf [dreg:s7], $0x2FFFF;
	_ =	strace $0x9FFFFFFF  }
0xc2: {  	(tm) =	ssettm $0x7FFFFFFF  }
0xc3: {  	_ =	shalt  }
tec
execute0_lowered:
.L_overlay_start_1:
0x0: {  	(tag) =	ssettag $0x1  }
0x1: {  	s5 =	rddreg [dreg:$0x0]  }
0x2: {  	s7 =	rddreg [dreg:$0x1];
	s1 =	simm.s32 $0x0  }
0x3: {  	[smem:$0x7FF] =	sst s1  }
0x4: {  	s0 =	rddreg [dreg:$0x2];
	v0 =	vimm.s32 $0x0;
	_ =	strace $0x80000047  }
0x5: {  	(xrf1) =	vunique.msk.u32 $0xffff, v0;
	_ =	sdelay $0xd  }
0x6: {  	_, v1, _ =	vpop (xrf1)  }
0x7: {  	v1 =	vxor.u32 $0x80000000, v1  }
0x8: {  	(xrf0) =	vmin.scan.msk.u32 $0xffff, v1;
	_ =	sdelay $0x5  }
0x9: {  	v1, _, _ =	vpop (xrf0)  }
0xa: {  	(v2sf) =	vpush v1, $0xF;
	_ =	sdelay $0x9  }
0xb: {  	s3 =	srdreg.scid;
	s2 =	stileid.u32;
	s13 =	simm.s32 $0x1  }
0xc: {  	s14 =	simm.s32 $0x4000;
	s15 =	simm.s32 $0x5000;
	s16 =	simm.s32 $0x4800  }
0xd: {  	s17 =	simm.s32 $0x5800;
	s3 =	sand.u32 $0x1, s3;
	s4 =	sshll.u32 s2, $0x1  }
0xe: {  	s18 =	simm.s32 $0x0;
	s8 =	sor.u32 s3, s4;
	s6 =	ssub.s32 $0x2, s3  }
0xf: {  	s3 =	sadd.s32 $0xE00, s5;
	s4 =	sadd.s32 $0x20E00, s5;
	s9 =	sshll.u32 s8, $0x8  }
0x10: {  	s10 =	sshrl.u32 s6, $0x1;
	s11 =	smul.u32 $0x2800, s8;
	s30 =	spop (v2sf)  }
0x11: {  	s31 =	sshll.u32 s8, $0xC;
	s9 =	sadd.s32 s9, s5;
	s12 =	sxor.u32 $0x80000000, s30  }
0x12: {  	s10 =	ssub.s32 s6, s10;
	s5 =	sshll.u32 s8, $0xF;
	s6 =	sadd.s32 $0x40E00, s9;
	v1 =	vmov s12  }
0x13: {  	s7 =	sadd.s32 s7, s11;
	s8 =	smax.u32 s10, $0x1;
	s9 =	sadd.s32 s3, s31;
	v2 =	vsub.s32 $0x1, v1  }
0x14: {  	v3 =	vlaneseq.u32;
	s10 =	sadd.s32 $0x400, s9;
	s11 =	sadd.s32 $0x800, s9;
	s12 =	sadd.s32 $0xC00, s9;
	v2 =	vbroadcast v2, $0x0  }
.LBB2_1:
0x15: {  	[tilespmem:$0x4000] =	vst v0  }
0x16: {  	[tilespmem:$0x4010] =	vst v0  }
0x17: {  	[tilespmem:$0x4020] =	vst v0  }
0x18: {  	[tilespmem:$0x4030] =	vst v0  }
0x19: {  	[tilespmem:$0x4040] =	vst v0  }
0x1a: {  	[tilespmem:$0x4050] =	vst v0  }
0x1b: {  	[tilespmem:$0x4060] =	vst v0  }
0x1c: {  	[tilespmem:$0x4070] =	vst v0  }
0x1d: {  	[tilespmem:$0x4080] =	vst v0  }
0x1e: {  	[tilespmem:$0x4090] =	vst v0  }
0x1f: {  	[tilespmem:$0x40A0] =	vst v0  }
0x20: {  	[tilespmem:$0x40B0] =	vst v0  }
0x21: {  	[tilespmem:$0x40C0] =	vst v0  }
0x22: {  	[tilespmem:$0x40D0] =	vst v0  }
0x23: {  	[tilespmem:$0x40E0] =	vst v0  }
0x24: {  	[tilespmem:$0x40F0] =	vst v0  }
0x25: {  	[tilespmem:$0x4100] =	vst v0  }
0x26: {  	[tilespmem:$0x4110] =	vst v0  }
0x27: {  	[tilespmem:$0x4120] =	vst v0  }
0x28: {  	[tilespmem:$0x4130] =	vst v0  }
0x29: {  	[tilespmem:$0x4140] =	vst v0  }
0x2a: {  	[tilespmem:$0x4150] =	vst v0  }
0x2b: {  	[tilespmem:$0x4160] =	vst v0  }
0x2c: {  	[tilespmem:$0x4170] =	vst v0  }
0x2d: {  	[tilespmem:$0x4180] =	vst v0  }
0x2e: {  	[tilespmem:$0x4190] =	vst v0  }
0x2f: {  	[tilespmem:$0x41A0] =	vst v0  }
0x30: {  	[tilespmem:$0x41B0] =	vst v0  }
0x31: {  	[tilespmem:$0x41C0] =	vst v0  }
0x32: {  	[tilespmem:$0x41D0] =	vst v0  }
0x33: {  	[tilespmem:$0x41E0] =	vst v0  }
0x34: {  	[tilespmem:$0x41F0] =	vst v0  }
0x35: {  	[tilespmem:$0x4200] =	vst v0  }
0x36: {  	[tilespmem:$0x4210] =	vst v0  }
0x37: {  	[tilespmem:$0x4220] =	vst v0  }
0x38: {  	[tilespmem:$0x4230] =	vst v0  }
0x39: {  	[tilespmem:$0x4240] =	vst v0  }
0x3a: {  	[tilespmem:$0x4250] =	vst v0  }
0x3b: {  	[tilespmem:$0x4260] =	vst v0  }
0x3c: {  	[tilespmem:$0x4270] =	vst v0  }
0x3d: {  	[tilespmem:$0x4280] =	vst v0  }
0x3e: {  	[tilespmem:$0x4290] =	vst v0  }
0x3f: {  	[tilespmem:$0x42A0] =	vst v0  }
0x40: {  	[tilespmem:$0x42B0] =	vst v0  }
0x41: {  	[tilespmem:$0x42C0] =	vst v0  }
0x42: {  	[tilespmem:$0x42D0] =	vst v0  }
0x43: {  	[tilespmem:$0x42E0] =	vst v0  }
0x44: {  	[tilespmem:$0x42F0] =	vst v0  }
0x45: {  	[tilespmem:$0x4300] =	vst v0  }
0x46: {  	[tilespmem:$0x4310] =	vst v0  }
0x47: {  	[tilespmem:$0x4320] =	vst v0  }
0x48: {  	[tilespmem:$0x4330] =	vst v0  }
0x49: {  	[tilespmem:$0x4340] =	vst v0  }
0x4a: {  	[tilespmem:$0x4350] =	vst v0  }
0x4b: {  	[tilespmem:$0x4360] =	vst v0  }
0x4c: {  	[tilespmem:$0x4370] =	vst v0  }
0x4d: {  	[tilespmem:$0x4380] =	vst v0  }
0x4e: {  	[tilespmem:$0x4390] =	vst v0  }
0x4f: {  	[tilespmem:$0x43A0] =	vst v0  }
0x50: {  	[tilespmem:$0x43B0] =	vst v0  }
0x51: {  	[tilespmem:$0x43C0] =	vst v0  }
0x52: {  	[tilespmem:$0x43D0] =	vst v0  }
0x53: {  	[tilespmem:$0x43E0] =	vst v0  }
0x54: {  	[tilespmem:$0x43F0] =	vst v0  }
0x55: {  	[tilespmem:$0x4400] =	vst v0  }
0x56: {  	[tilespmem:$0x4410] =	vst v0  }
0x57: {  	[tilespmem:$0x4420] =	vst v0  }
0x58: {  	[tilespmem:$0x4430] =	vst v0  }
0x59: {  	[tilespmem:$0x4440] =	vst v0  }
0x5a: {  	[tilespmem:$0x4450] =	vst v0  }
0x5b: {  	[tilespmem:$0x4460] =	vst v0  }
0x5c: {  	[tilespmem:$0x4470] =	vst v0  }
0x5d: {  	[tilespmem:$0x4480] =	vst v0  }
0x5e: {  	[tilespmem:$0x4490] =	vst v0  }
0x5f: {  	[tilespmem:$0x44A0] =	vst v0  }
0x60: {  	[tilespmem:$0x44B0] =	vst v0  }
0x61: {  	[tilespmem:$0x44C0] =	vst v0  }
0x62: {  	[tilespmem:$0x44D0] =	vst v0  }
0x63: {  	[tilespmem:$0x44E0] =	vst v0  }
0x64: {  	[tilespmem:$0x44F0] =	vst v0  }
0x65: {  	[tilespmem:$0x4500] =	vst v0  }
0x66: {  	[tilespmem:$0x4510] =	vst v0  }
0x67: {  	[tilespmem:$0x4520] =	vst v0  }
0x68: {  	[tilespmem:$0x4530] =	vst v0  }
0x69: {  	[tilespmem:$0x4540] =	vst v0  }
0x6a: {  	[tilespmem:$0x4550] =	vst v0  }
0x6b: {  	[tilespmem:$0x4560] =	vst v0  }
0x6c: {  	[tilespmem:$0x4570] =	vst v0  }
0x6d: {  	[tilespmem:$0x4580] =	vst v0  }
0x6e: {  	[tilespmem:$0x4590] =	vst v0  }
0x6f: {  	[tilespmem:$0x45A0] =	vst v0  }
0x70: {  	[tilespmem:$0x45B0] =	vst v0  }
0x71: {  	[tilespmem:$0x45C0] =	vst v0  }
0x72: {  	[tilespmem:$0x45D0] =	vst v0  }
0x73: {  	[tilespmem:$0x45E0] =	vst v0  }
0x74: {  	[tilespmem:$0x45F0] =	vst v0  }
0x75: {  	[tilespmem:$0x4600] =	vst v0  }
0x76: {  	[tilespmem:$0x4610] =	vst v0  }
0x77: {  	[tilespmem:$0x4620] =	vst v0  }
0x78: {  	[tilespmem:$0x4630] =	vst v0  }
0x79: {  	[tilespmem:$0x4640] =	vst v0  }
0x7a: {  	[tilespmem:$0x4650] =	vst v0  }
0x7b: {  	[tilespmem:$0x4660] =	vst v0  }
0x7c: {  	[tilespmem:$0x4670] =	vst v0  }
0x7d: {  	[tilespmem:$0x4680] =	vst v0  }
0x7e: {  	[tilespmem:$0x4690] =	vst v0  }
0x7f: {  	[tilespmem:$0x46A0] =	vst v0  }
0x80: {  	[tilespmem:$0x46B0] =	vst v0  }
0x81: {  	[tilespmem:$0x46C0] =	vst v0  }
0x82: {  	[tilespmem:$0x46D0] =	vst v0  }
0x83: {  	[tilespmem:$0x46E0] =	vst v0  }
0x84: {  	[tilespmem:$0x46F0] =	vst v0  }
0x85: {  	[tilespmem:$0x4700] =	vst v0  }
0x86: {  	[tilespmem:$0x4710] =	vst v0  }
0x87: {  	[tilespmem:$0x4720] =	vst v0  }
0x88: {  	[tilespmem:$0x4730] =	vst v0  }
0x89: {  	[tilespmem:$0x4740] =	vst v0  }
0x8a: {  	[tilespmem:$0x4750] =	vst v0  }
0x8b: {  	[tilespmem:$0x4760] =	vst v0  }
0x8c: {  	[tilespmem:$0x4770] =	vst v0  }
0x8d: {  	[tilespmem:$0x4780] =	vst v0  }
0x8e: {  	[tilespmem:$0x4790] =	vst v0  }
0x8f: {  	[tilespmem:$0x47A0] =	vst v0  }
0x90: {  	[tilespmem:$0x47B0] =	vst v0  }
0x91: {  	[tilespmem:$0x47C0] =	vst v0  }
0x92: {  	[tilespmem:$0x47D0] =	vst v0  }
0x93: {  	[tilespmem:$0x47E0] =	vst v0  }
0x94: {  	[tilespmem:$0x47F0] =	vst v0  }
0x95: {  	[tilespmem:s1], [sflag:$0x1] =	stream.linear.gather [hbm4b:s9+s1], $0x2000, $0x38;
	[tilespmem:$0x19800] =	vst v63  }
0x96: {  	_ =	swait.ge [sflag:s13], $0x2000  }
0x97: {  	[sflag:s13] =	ssyncset.done $0x0  }
0x98: {  	s20 =	simm.s32 $0x0;
	s19 =	simm.s32 $0x40;
	[sflag:s13] =	ssyncadd.s32 $0xFFFFE000  }
.LBB2_2:
0x99: {  	p0 =	sne.s32 s19, $0x7FC0;
	v4 =	vld [tilespmem:s20+$0x0];
	_ =	sdelay $0x4  }
0x9a: {  	v4 =	vshrl.u32 v4, $0x9  }
0x9b: {  	(xrf1) =	vunique.msk.u32 $0xffff, v4;
	_ =	sdelay $0xd  }
0x9c: {  	_, v5, vm0 =	vpop (xrf1);
	_ =	sdelay $0x1  }
.Ltmp0:
0x9d: {  	(pc) =	sbr.rel @p0 .LBB2_2-.Ltmp0, $3  }
0x9e: {  	_ =	sdelay $0x1  }
0x9f: {  	v5 =	vadd.s32 v5, v2  }
0xa0: {  	s20 =	sshra.s32 s19, $0x2;
	s19 =	sadd.s32 $0x40, s19;
	[tilespmem:v4+s14+$0x0] =	vst.idx.add.s32.msk vm0, v5  }
0xa1: {  	v4 =	vld [tilespmem:s20+$0x0];
	_ =	sdelay $0x4  }
0xa2: {  	v4 =	vshrl.u32 v4, $0x9  }
0xa3: {  	(xrf1) =	vunique.msk.u32 $0xffff, v4;
	_ =	sdelay $0xd  }
0xa4: {  	_, v5, vm0 =	vpop (xrf1);
	_ =	sdelay $0x4  }
0xa5: {  	v5 =	vadd.s32 v5, v2  }
0xa6: {  	s19 =	simm.s32 $0x0;
	[tilespmem:v4+s14+$0x0] =	vst.idx.add.s32.msk vm0, v5  }
0xa7: {  	[tilespmem:s19], [sflag:$0x1] =	stream.linear.gather [hbm4b:s10+s19], $0x2000, $0x38;
	[tilespmem:$0x19800] =	vst v63  }
0xa8: {  	_ =	swait.ge [sflag:s13], $0x2000  }
0xa9: {  	[sflag:s13] =	ssyncset.done $0x0  }
0xaa: {  	s20 =	simm.s32 $0x0;
	s19 =	simm.s32 $0x40;
	[sflag:s13] =	ssyncadd.s32 $0xFFFFE000  }
.LBB2_4:
0xab: {  	p0 =	sne.s32 s19, $0x7FC0;
	v4 =	vld [tilespmem:s20+$0x0];
	_ =	sdelay $0x4  }
0xac: {  	v4 =	vshrl.u32 v4, $0x9  }
0xad: {  	(xrf1) =	vunique.msk.u32 $0xffff, v4;
	_ =	sdelay $0xd  }
0xae: {  	_, v5, vm0 =	vpop (xrf1);
	_ =	sdelay $0x1  }
.Ltmp1:
0xaf: {  	(pc) =	sbr.rel @p0 .LBB2_4-.Ltmp1, $3  }
0xb0: {  	_ =	sdelay $0x1  }
0xb1: {  	v5 =	vadd.s32 v5, v2  }
0xb2: {  	s20 =	sshra.s32 s19, $0x2;
	s19 =	sadd.s32 $0x40, s19;
	[tilespmem:v4+s14+$0x0] =	vst.idx.add.s32.msk vm0, v5  }
0xb3: {  	v4 =	vld [tilespmem:s20+$0x0];
	_ =	sdelay $0x4  }
0xb4: {  	v4 =	vshrl.u32 v4, $0x9  }
0xb5: {  	(xrf1) =	vunique.msk.u32 $0xffff, v4;
	_ =	sdelay $0xd  }
0xb6: {  	_, v5, vm0 =	vpop (xrf1);
	_ =	sdelay $0x4  }
0xb7: {  	v5 =	vadd.s32 v5, v2  }
0xb8: {  	s19 =	simm.s32 $0x0;
	[tilespmem:v4+s14+$0x0] =	vst.idx.add.s32.msk vm0, v5  }
0xb9: {  	[tilespmem:s19], [sflag:$0x1] =	stream.linear.gather [hbm4b:s11+s19], $0x2000, $0x38;
	[tilespmem:$0x19800] =	vst v63  }
0xba: {  	_ =	swait.ge [sflag:s13], $0x2000  }
0xbb: {  	[sflag:s13] =	ssyncset.done $0x0  }
0xbc: {  	s20 =	simm.s32 $0x0;
	s19 =	simm.s32 $0x40;
	[sflag:s13] =	ssyncadd.s32 $0xFFFFE000  }
.LBB2_6:
0xbd: {  	p0 =	sne.s32 s19, $0x7FC0;
	v4 =	vld [tilespmem:s20+$0x0];
	_ =	sdelay $0x4  }
0xbe: {  	v4 =	vshrl.u32 v4, $0x9  }
0xbf: {  	(xrf1) =	vunique.msk.u32 $0xffff, v4;
	_ =	sdelay $0xd  }
0xc0: {  	_, v5, vm0 =	vpop (xrf1);
	_ =	sdelay $0x1  }
.Ltmp2:
0xc1: {  	(pc) =	sbr.rel @p0 .LBB2_6-.Ltmp2, $3  }
0xc2: {  	_ =	sdelay $0x1  }
0xc3: {  	v5 =	vadd.s32 v5, v2  }
0xc4: {  	s20 =	sshra.s32 s19, $0x2;
	s19 =	sadd.s32 $0x40, s19;
	[tilespmem:v4+s14+$0x0] =	vst.idx.add.s32.msk vm0, v5  }
0xc5: {  	v4 =	vld [tilespmem:s20+$0x0];
	_ =	sdelay $0x4  }
0xc6: {  	v4 =	vshrl.u32 v4, $0x9  }
0xc7: {  	(xrf1) =	vunique.msk.u32 $0xffff, v4;
	_ =	sdelay $0xd  }
0xc8: {  	_, v5, vm0 =	vpop (xrf1);
	_ =	sdelay $0x4  }
0xc9: {  	v5 =	vadd.s32 v5, v2  }
0xca: {  	s19 =	simm.s32 $0x0;
	[tilespmem:v4+s14+$0x0] =	vst.idx.add.s32.msk vm0, v5  }
0xcb: {  	[tilespmem:s19], [sflag:$0x1] =	stream.linear.gather [hbm4b:s12+s19], $0x2000, $0x38;
	[tilespmem:$0x19800] =	vst v63  }
0xcc: {  	_ =	swait.ge [sflag:s13], $0x2000  }
0xcd: {  	[sflag:s13] =	ssyncset.done $0x0  }
0xce: {  	s21 =	simm.s32 $0x0;
	s20 =	simm.s32 $0x40;
	[sflag:s13] =	ssyncadd.s32 $0xFFFFE000  }
.LBB2_8:
0xcf: {  	p0 =	sne.s32 s20, $0x7FC0;
	v4 =	vld [tilespmem:s21+$0x0];
	_ =	sdelay $0x4  }
0xd0: {  	v4 =	vshrl.u32 v4, $0x9  }
0xd1: {  	(xrf1) =	vunique.msk.u32 $0xffff, v4;
	_ =	sdelay $0xd  }
0xd2: {  	_, v5, vm0 =	vpop (xrf1);
	_ =	sdelay $0x1  }
.Ltmp3:
0xd3: {  	(pc) =	sbr.rel @p0 .LBB2_8-.Ltmp3, $3  }
0xd4: {  	_ =	sdelay $0x1  }
0xd5: {  	v5 =	vadd.s32 v5, v2  }
0xd6: {  	s21 =	sshra.s32 s20, $0x2;
	s20 =	sadd.s32 $0x40, s20;
	[tilespmem:v4+s14+$0x0] =	vst.idx.add.s32.msk vm0, v5  }
0xd7: {  	v4 =	vld [tilespmem:s21+$0x0];
	_ =	sdelay $0x4  }
0xd8: {  	v4 =	vshrl.u32 v4, $0x9  }
0xd9: {  	(xrf1) =	vunique.msk.u32 $0xffff, v4;
	_ =	sdelay $0xd  }
0xda: {  	_, v5, vm0 =	vpop (xrf1);
	_ =	sdelay $0x4  }
0xdb: {  	v5 =	vadd.s32 v5, v2  }
0xdc: {  	s23 =	simm.s32 $0x0;
	[tilespmem:v4+s14+$0x0] =	vst.idx.add.s32.msk vm0, v5  }
0xdd: {  	v11 =	vld [tilespmem:s23+$0x4000];
	_ =	sdelay $0x1  }
0xde: {  	s21 =	simm.s32 $0x10  }
0xdf: {  	s22 =	simm.s32 $0x20;
	v6 =	vld [tilespmem:s21+$0x4000]  }
0xe0: {  	v4 =	vld [tilespmem:s22+$0x4000]  }
0xe1: {  	v5 =	vadd.s32 $0x3, v11  }
0xe2: {  	v7 =	vand.u32 $0xFFFFFFFC, v5  }
0xe3: {  	(xrf0) =	vadd.scan.msk.s32 $0xffff, v7  }
0xe4: {  	v5 =	vadd.s32 $0x3, v6  }
0xe5: {  	v8 =	vand.u32 $0xFFFFFFFC, v5;
	v5 =	vadd.s32 $0x3, v4  }
0xe6: {  	(xrf0) =	vadd.scan.msk.s32 $0xffff, v8;
	v10 =	vand.u32 $0xFFFFFFFC, v5  }
0xe7: {  	(xrf0) =	vadd.scan.msk.s32 $0xffff, v10;
	_ =	sdelay $0x1  }
0xe8: {  	v9, _, _ =	vpop (xrf0)  }
0xe9: {  	(v2sf) =	vpush v9, $0xF;
	_ =	sdelay $0x1  }
0xea: {  	v12, _, _ =	vpop (xrf0)  }
0xeb: {  	s20 =	simm.s32 $0x30;
	(v2sf) =	vpush v12, $0xF;
	v63, _, _ =	vpop (xrf0)  }
0xec: {  	v5 =	vld [tilespmem:s20+$0x4000];
	(v2sf) =	vpush v63, $0xF;
	_ =	sdelay $0x4  }
0xed: {  	s24 =	simm.s32 $0x40;
	v7 =	vsub.s32 v9, v7;
	v9 =	vadd.s32 $0x3, v5  }
0xee: {  	v13 =	vadd.s32 s19, v7;
	v7 =	vld [tilespmem:s24+$0x4000];
	v9 =	vand.u32 $0xFFFFFFFC, v9  }
0xef: {  	v14 =	vshll.u32 v13, $0x10;
	(xrf0) =	vadd.scan.msk.s32 $0xffff, v9  }
0xf0: {  	s25 =	simm.s32 $0x140;
	v8 =	vsub.s32 v12, v8;
	v10 =	vsub.s32 v63, v10;
	[tilespmem:s23+$0x4800] =	vst v13;
	v11 =	vor.u32 v11, v14  }
.LBB2_10:
0xf1: {  	s26 =	sshra.s32 s25, $0x2  }
0xf2: {  	[tilespmem:s23+$0x5000] =	vst v11;
	s23 =	smov.u32 s21;
	s21 =	smov.u32 s22;
	p0 =	sne.s32 s25, $0x1FC0  }
.Ltmp4:
0xf3: {  	s25 =	sadd.s32 $0x40, s25;
	v11 =	vadd.s32 $0x3, v7;
	s22 =	spop (v2sf);
	(pc) =	sbr.rel @p0 .LBB2_10-.Ltmp4, $4  }
0xf4: {  	v12 =	vmov v7;
	v11 =	vand.u32 $0xFFFFFFFC, v11;
	s19 =	sadd.s32 s19, s22;
	v7 =	vld [tilespmem:s26+$0x4000];
	s22 =	smov.u32 s20;
	s20 =	smov.u32 s24  }
0xf5: {  	s24 =	smov.u32 s26;
	(xrf0) =	vadd.scan.msk.s32 $0xffff, v11;
	v13, _, _ =	vpop (xrf0);
	v14 =	vadd.s32 s19, v8;
	v8 =	vmov v10  }
0xf6: {  	v10 =	vsub.s32 v13, v9;
	(v2sf) =	vpush v13, $0xF;
	[tilespmem:s23+$0x4800] =	vst v14;
	v13 =	vshll.u32 v14, $0x10;
	v9 =	vmovc v11  }
0xf7: {  	v11 =	vor.u32 v6, v13;
	v6 =	vmovc v4;
	v4 =	vmov v5;
	v5 =	vmov v12  }
0xf8: {  	_ = 	snop  }
0xf9: {  	v12 =	vadd.s32 $0x3, v7  }
0xfa: {  	v12 =	vand.u32 $0xFFFFFFFC, v12  }
0xfb: {  	(xrf0) =	vadd.scan.msk.s32 $0xffff, v12  }
0xfc: {  	v13, _, _ =	vpop (xrf0)  }
0xfd: {  	(v2sf) =	vpush v13, $0xF;
	_ =	sdelay $0x3  }
0xfe: {  	v14, _, _ =	vpop (xrf0)  }
0xff: {  	(v2sf) =	vpush v14, $0xF;
	_ =	sdelay $0x3  }
0x100: {  	s25 =	spop (v2sf)  }
0x101: {  	s19 =	sadd.s32 s19, s25  }
0x102: {  	s28 =	spop (v2sf);
	v8 =	vadd.s32 s19, v8  }
0x103: {  	[tilespmem:s23+$0x5000] =	vst v11;
	s19 =	sadd.s32 s19, s28;
	v59 =	vshll.u32 v8, $0x10  }
0x104: {  	[tilespmem:s21+$0x4800] =	vst v8;
	v60 =	vadd.s32 s19, v10;
	v6 =	vor.u32 v6, v59;
	s29 =	spop (v2sf)  }
0x105: {  	v9 =	vsub.s32 v13, v9;
	v61 =	vshll.u32 v60, $0x10;
	[tilespmem:s21+$0x5000] =	vst v6;
	s19 =	sadd.s32 s19, s29  }
0x106: {  	v4 =	vor.u32 v4, v61;
	[tilespmem:s22+$0x4800] =	vst v60;
	v62 =	vadd.s32 s19, v9;
	s30 =	spop (v2sf)  }
0x107: {  	[tilespmem:s22+$0x5000] =	vst v4;
	v63 =	vsub.s32 v14, v12;
	v4 =	vshll.u32 v62, $0x10;
	s19 =	sadd.s32 s19, s30  }
0x108: {  	[tilespmem:s20+$0x4800] =	vst v62;
	v4 =	vor.u32 v5, v4;
	v5 =	vadd.s32 s19, v63  }
0x109: {  	[tilespmem:s20+$0x5000] =	vst v4;
	v4 =	vshll.u32 v5, $0x10  }
0x10a: {  	[tilespmem:s24+$0x4800] =	vst v5;
	v4 =	vor.u32 v7, v4  }
0x10b: {  	s19 =	simm.s32 $0x0;
	[tilespmem:s24+$0x5000] =	vst v4;
	s31 =	spop (v2sf)  }
0x10c: {  	[hbm4b:s6+s19] =	stream.linear.scatter [tilespmem:s15], [sflag:$0x1], $0x800, $0x38;
	[tilespmem:$0x19800] =	vst v63  }
0x10d: {  	_ =	swait.ge [sflag:s13], $0x800  }
0x10e: {  	[sflag:s13] =	ssyncset.done $0x0  }
0x10f: {  	s20 =	simm.s32 $0x0;
	[sflag:s13] =	ssyncadd.s32 $0xFFFFF800  }
.LBB2_12:
0x110: {  	s21 =	sshll.u32 s20, $0xD  }
0x111: {  	s21 =	sadd.s32 s5, s21  }
0x112: {  	s21 =	sshrl.u32 s21, $0x3  }
0x113: {  	s22 =	sadd.s32 s3, s21  }
0x114: {  	[tilespmem:s19], [sflag:$0x1] =	stream.linear.gather [hbm4b:s22+s19], $0x2000, $0x38;
	[tilespmem:$0x19800] =	vst v63  }
0x115: {  	_ =	swait.ge [sflag:s13], $0x2000  }
0x116: {  	[sflag:s13] =	ssyncset.done $0x0  }
0x117: {  	s31 =	sadd.s32 s4, s21;
	s21 =	simm.s32 $0x2000;
	[sflag:s13] =	ssyncadd.s32 $0xFFFFE000  }
0x118: {  	[tilespmem:s21], [sflag:$0x1] =	stream.linear.gather [hbm4b:s31+s19], $0x2000, $0x38;
	[tilespmem:$0x19800] =	vst v63  }
0x119: {  	_ =	swait.ge [sflag:s13], $0x2000  }
0x11a: {  	[sflag:s13] =	ssyncset.done $0x0  }
0x11b: {  	[sflag:s13] =	ssyncadd.s32 $0xFFFFE000  }
0x11c: {  	v5 =	vld [tilespmem:s19+$0x0]  }
0x11d: {  	s23 =	simm.s32 $0x10;
	s24 =	simm.s32 $0x0;
	s22 =	simm.s32 $0x0;
	v4 =	vld [tilespmem:s21+$0x0]  }
.LBB2_13:
0x11e: {  	p0 =	sne.s32 s23, $0x1FF0;
	_ =	sdelay $0x2  }
0x11f: {  	v6 =	vshrl.u32 v5, $0x9  }
0x120: {  	(xrf1) =	vunique.msk.u32 $0xffff, v6;
	_ =	sdelay $0x9  }
0x121: {  	v7 =	vld.idx.msk [tilespmem:v6+s16+$0x0], $0xffff;
	_ =	sdelay $0x3  }
0x122: {  	_, v8, vm0 =	vpop (xrf1)  }
0x123: {  	v8 =	vsub.s32 v8, v1  }
0x124: {  	v7 =	vadd.s32 v7, v8  }
0x125: {  	v8 =	vshll.u32 v7, $0x1;
	v7 =	vadd.s32 $0x1, v7  }
0x126: {  	v9 =	vor.u32 $0x1, v8  }
0x127: {  	v10 =	vor.u32 s22, v3;
	s22 =	smov.u32 s23;
	v5 =	vshll.u32 v5, $0x6  }
0x128: {  	v10 =	vand.u32 $0x3F, v10;
	v5 =	vand.u32 $0x7FC0, v5  }
0x129: {  	v5 =	vor.u32 v10, v5  }
.Ltmp5:
0x12a: {  	[tilespmem:v8+s17+$0x0] =	vst.idx.msk $0xffff, v5;
	(pc) =	sbr.rel @p0 .LBB2_13-.Ltmp5, $4  }
0x12b: {  	[tilespmem:v9+s17+$0x0] =	vst.idx.msk $0xffff, v4  }
0x12c: {  	s24 =	sadd.s32 $0x10, s24;
	[tilespmem:v6+s16+$0x0] =	vst.idx.msk vm0, v7  }
0x12d: {  	s21 =	sadd.s32 $0x10, s21;
	v5 =	vld [tilespmem:s24+$0x0]  }
0x12e: {  	s23 =	sadd.s32 $0x10, s23;
	v4 =	vld [tilespmem:s21+$0x0]  }
0x12f: {  	_ =	sdelay $0x2  }
0x130: {  	v6 =	vshrl.u32 v5, $0x9  }
0x131: {  	(xrf1) =	vunique.msk.u32 $0xffff, v6;
	_ =	sdelay $0xa  }
0x132: {  	v7 =	vld.idx.msk [tilespmem:v6+s16+$0x0], $0xffff;
	_ =	sdelay $0x2  }
0x133: {  	_, v8, vm0 =	vpop (xrf1)  }
0x134: {  	v8 =	vsub.s32 v8, v1  }
0x135: {  	v7 =	vadd.s32 v7, v8  }
0x136: {  	v8 =	vshll.u32 v7, $0x1  }
0x137: {  	s20 =	sadd.s32 $0x1, s20;
	v9 =	vor.u32 $0x1, v8  }
0x138: {  	v10 =	vor.u32 s22, v3;
	p0 =	sne.s32 s20, $0x4;
	v5 =	vshll.u32 v5, $0x6  }
.Ltmp6:
0x139: {  	v10 =	vand.u32 $0x3F, v10;
	v5 =	vand.u32 $0x7FC0, v5;
	(pc) =	sbr.rel @p0 .LBB2_12-.Ltmp6, $4  }
0x13a: {  	v5 =	vor.u32 v10, v5  }
0x13b: {  	[tilespmem:v8+s17+$0x0] =	vst.idx.msk $0xffff, v5  }
0x13c: {  	v5 =	vadd.s32 $0x1, v7;
	[tilespmem:v9+s17+$0x0] =	vst.idx.msk $0xffff, v4  }
0x13d: {  	[tilespmem:v6+s16+$0x0] =	vst.idx.msk vm0, v5  }
0x13e: {  	s18 =	sadd.s32 $0x1, s18  }
0x13f: {  	p0 =	sne.s32 s18, s8  }
.Ltmp7:
0x140: {  	_ = 	snop;
	(pc) =	sbr.rel @p0 .LBB2_1-.Ltmp7, $4  }
0x141: {  	[hbm4b:s7+s1] =	stream.linear.scatter [tilespmem:s17], [sflag:$0x1], $0x14000, $0x38;
	[tilespmem:$0x19800] =	vst v63  }
0x142: {  	_ =	swait.ge [sflag:s13], $0x14000  }
0x143: {  	[sflag:s13] =	ssyncset.done $0x0  }
0x144: {  	[sflag:s13] =	ssyncadd.s32 $0xFFFEC000  }
0x145: {  	_ =	sfence.sel $0x180000  }
0x146: {  	[bflag:$0x0] =	sbarrier.arrive $0xFFFF  }
0x147: {  	p0 =	sne.s32 s2, $0x0;
	_ =	strace $0x90000047  }
0x148: {  	s0 =	sadd.s32 @!p0 $0x100000, s0;
	[bflag:$0x2] =	sbarrier.arrive $0xFFFF  }
0x149: {  	[sflag:s0] =	ssyncadd.tile.s32 @!p0 $0x1;
	_ =	shalt  }
.Lfunc_end2:
_tile_overlayer_lowered:
.L_overlay_start_2:
0x14a: {  	(tag) =	ssettag $0x2  }
0x14b: {  	s0 =	rddreg [dreg:$0x0];
	s2 =	stileid.u32  }
0x14c: {  	s1 =	rddreg [dreg:$0x1];
	p0 =	sne.s32 s2, $0x0  }
0x14d: {  	s3 =	rddreg [dreg:$0x2];
	[bflag:$0x3] =	sbarrier.arrive $0xFFFF;
	s2 =	simm.s32 @!p0 $0x1C01  }
0x14e: {  	[timem:s3], [sflag:s2] =	dma.local @!p0 [hbm:s0], s1  }
0x14f: {  	s0 =	simm.s32 @!p0 $0x1  }
0x150: {  	_ =	swait.ge @!p0 [sflag:s0], s1  }
0x151: {  	s1 =	ssub.s32 @!p0 $0x0, s1;
	[sflag:s0] =	ssyncset.done @!p0 $0x0  }
0x152: {  	[sflag:s0] =	ssyncadd.s32 @!p0 s1  }
0x153: {  	[bflag:$0x3] =	sbarrier.arrive $0xFFFF  }
0x154: {  	_ =	shalt  }

// kernel: kernel.7.cloned.1.call-start
scs
__scs_entry_jumppad:
0x0: {  	(pc) =	sbr.rel $0x88, $3  }
0x1: {  	(tag) =	ssettag $0x0;
	lr =	simm.s32 $0x1  }
0x2: {  	[smem:$0x3F9E] =	sst lr;
	_ =	strace $0xD0000000  }
0x3: {  	_ = 	snop  }
0x4: {  	_ = 	snop  }
0x5: {  	_ = 	snop  }
0x6: {  	_ = 	snop  }
0x7: {  	_ = 	snop  }
__scs_overlays_trampoline_lowered:
0x8: {  	[smem:$0x3FAD] =	sst s0  }
0x9: {  	[smem:$0x3FAE] =	sst s1  }
0xa: {  	[smem:$0x3FAF] =	sst s2  }
0xb: {  	[smem:$0x3FB0] =	sst s3  }
0xc: {  	[smem:$0x3FB1] =	sst s4  }
0xd: {  	[smem:$0x3FB2] =	sst s5  }
0xe: {  	[smem:$0x3FB3] =	sst s6  }
0xf: {  	[smem:$0x3FB4] =	sst s7  }
0x10: {  	[smem:$0x3FB5] =	sst s8  }
0x11: {  	[smem:$0x3FB6] =	sst s9;
	s0 =	simm.s32 @!p0 $0x0  }
0x12: {  	s1 =	sld [smem:$0x3F9C];
	s0 =	simm.s32 @p0 $0x1  }
0x13: {  	[smem:$0x3FB7] =	sst s0;
	s0 =	simm.s32 @!p1 $0x0  }
0x14: {  	s2 =	sld [smem:$0x3F9B];
	s0 =	simm.s32 @p1 $0x1  }
0x15: {  	[smem:$0x3FB8] =	sst s0;
	s0 =	simm.s32 @!p2 $0x0  }
0x16: {  	s3 =	sld [smem:$0x3FDB];
	s0 =	simm.s32 @p2 $0x1  }
0x17: {  	s4 =	simm.s32 $0x1BF5;
	[smem:$0x3FBA] =	sst s0  }
0x18: {  	s0 =	sld [smem:$0x3F9D];
	_ =	swait.ge [sflag:s4], $0x0  }
0x19: {  	s7 =	sld [smem:$0x3F9E]  }
0x1a: {  	s8 =	sadd.s32 $0xFFFFE003, lr  }
0x1b: {  	s9 =	sadd.s32 $0xFFFFFEF7, lr;
	s5 =	simm.s32 $0xFFFFFFFF;
	p2 =	slt.u32 s8, $0xFFFFF086  }
0x1c: {  	p1 =	slt.u32 s9, $0xF7A;
	s5 =	simm.s32 @!p2 $0x0  }
0x1d: {  	s5 =	simm.s32 @p1 $0x1;
	p0 =	seq.s32 s7, s2  }
0x1e: {  	s7 =	smul.u32 @!p0 $0xF7A, s2;
	p2 =	seq.s32 @!p0 s5, $0x0  }
0x1f: {  	s9 =	smul.u32 $0xF7A, s1;
	s8 =	simm.s32 @!p0 $0x1BF5;
	p2 =	por !p2, p0  }
0x20: {  	[sflag:s8] =	ssyncset.s32 @!p0 $0xFFFFF086;
	s6 =	sadd.s32 @!p0 s3, s7;
	s7 =	simm.s32 @!p0 $0x108  }
0x21: {  	s3 =	sadd.s32 s3, s9;
	s6 =	sadd.s32 @!p0 $0x88, s6;
	s7 =	simm.s32 @p2 $0x1082  }
0x22: {  	[simem:s7], [sflag:s8] =	dma.local @!p0 [hbm:s6], $0xF7A  }
0x23: {  	s9 =	sor.u32 $0xD0000000, s2;
	s6 =	simm.s32 $0x108;
	_ =	swait.ge @!p0 [sflag:s8], $0x0  }
0x24: {  	s3 =	sadd.s32 $0x88, s3;
	s6 =	simm.s32 @!p1 $0x1082;
	[sflag:s4] =	ssyncset.s32 $0xFFFFF086  }
0x25: {  	[simem:s6], [sflag:s4] =	dma.local [hbm:s3], $0xF7A  }
0x26: {  	[smem:$0x3F9E] =	sst s1;
	(tag) =	ssettag s2;
	_ =	strace s9  }
0x27: {  	s1 =	sld [smem:$0x3FAE]  }
0x28: {  	s2 =	sld [smem:$0x3FAF]  }
0x29: {  	s4 =	sld [smem:$0x3FB1]  }
0x2a: {  	p0 =	seq.s32 s5, $0x0;
	s5 =	sld [smem:$0x3FB2]  }
0x2b: {  	s6 =	sld [smem:$0x3FB3]  }
0x2c: {  	s7 =	sld [smem:$0x3FB4]  }
0x2d: {  	s3 =	simm.s32 $0x108;
	s8 =	sld [smem:$0x3FB5]  }
0x2e: {  	s3 =	simm.s32 @!p0 $0x1082;
	s9 =	sld [smem:$0x3FB6]  }
0x2f: {  	lr =	sadd.s32 s0, s3;
	s0 =	sld [smem:$0x3FAD]  }
0x30: {  	s3 =	sld [smem:$0x3FB0]  }
0x31: {  	[smem:$0x3FB9] =	sst s10  }
0x32: {  	s10 =	sld [smem:$0x3FB7];
	_ =	sdelay $0x3  }
0x33: {  	p0 =	seq.s32 s10, $0x1;
	s10 =	sld [smem:$0x3FB9];
	_ =	sdelay $0x3  }
0x34: {  	[smem:$0x3FB9] =	sst s10  }
0x35: {  	s10 =	sld [smem:$0x3FB8];
	_ =	sdelay $0x3  }
0x36: {  	p1 =	seq.s32 s10, $0x1;
	s10 =	sld [smem:$0x3FB9];
	_ =	sdelay $0x3  }
0x37: {  	[smem:$0x3FB9] =	sst s10  }
0x38: {  	s10 =	sld [smem:$0x3FBA]  }
0x39: {  	_ = 	snop;
	(pc) =	sbr.ind lr, $3  }
0x3a: {  	_ = 	snop  }
0x3b: {  	_ = 	snop  }
0x3c: {  	p2 =	seq.s32 s10, $0x1;
	s10 =	sld [smem:$0x3FB9]  }
0x3d: {  	_ =	shalt  }
0x3e: {  	_ =	shalt  }
0x3f: {  	_ =	shalt  }
0x40: {  	_ =	shalt  }
0x41: {  	_ =	shalt  }
0x42: {  	_ =	shalt  }
0x43: {  	_ =	shalt  }
0x44: {  	_ =	shalt  }
0x45: {  	_ =	shalt  }
0x46: {  	_ =	shalt  }
0x47: {  	_ =	shalt  }
0x48: {  	_ =	shalt  }
0x49: {  	_ =	shalt  }
0x4a: {  	_ =	shalt  }
0x4b: {  	_ =	shalt  }
0x4c: {  	_ =	shalt  }
0x4d: {  	_ =	shalt  }
0x4e: {  	_ =	shalt  }
0x4f: {  	_ =	shalt  }
0x50: {  	_ =	shalt  }
0x51: {  	_ =	shalt  }
0x52: {  	_ =	shalt  }
0x53: {  	_ =	shalt  }
0x54: {  	_ =	shalt  }
0x55: {  	_ =	shalt  }
0x56: {  	_ =	shalt  }
0x57: {  	_ =	shalt  }
0x58: {  	_ =	shalt  }
0x59: {  	_ =	shalt  }
0x5a: {  	_ =	shalt  }
0x5b: {  	_ =	shalt  }
0x5c: {  	_ =	shalt  }
0x5d: {  	_ =	shalt  }
0x5e: {  	_ =	shalt  }
0x5f: {  	_ =	shalt  }
0x60: {  	_ =	shalt  }
0x61: {  	_ =	shalt  }
0x62: {  	_ =	shalt  }
0x63: {  	_ =	shalt  }
0x64: {  	_ =	shalt  }
0x65: {  	_ =	shalt  }
0x66: {  	_ =	shalt  }
0x67: {  	_ =	shalt  }
0x68: {  	_ =	shalt  }
0x69: {  	_ =	shalt  }
0x6a: {  	_ =	shalt  }
0x6b: {  	_ =	shalt  }
0x6c: {  	_ =	shalt  }
0x6d: {  	_ =	shalt  }
0x6e: {  	_ =	shalt  }
0x6f: {  	_ =	shalt  }
0x70: {  	_ =	shalt  }
0x71: {  	_ =	shalt  }
0x72: {  	_ =	shalt  }
0x73: {  	_ =	shalt  }
0x74: {  	_ =	shalt  }
0x75: {  	_ =	shalt  }
0x76: {  	_ =	shalt  }
0x77: {  	_ =	shalt  }
0x78: {  	_ =	shalt  }
0x79: {  	_ =	shalt  }
0x7a: {  	_ =	shalt  }
0x7b: {  	_ =	shalt  }
0x7c: {  	_ =	shalt  }
0x7d: {  	_ =	shalt  }
0x7e: {  	_ =	shalt  }
0x7f: {  	_ =	shalt  }
0x80: {  	_ =	shalt  }
0x81: {  	_ =	shalt  }
0x82: {  	_ =	shalt  }
0x83: {  	_ =	shalt  }
0x84: {  	_ =	shalt  }
0x85: {  	_ =	shalt  }
0x86: {  	_ =	shalt  }
0x87: {  	_ =	shalt  }
.Lfunc_end0:
.L_simem_size_0:
called_computation.1_lowered:
.L_overlay_start_0:
0x88: {  	s2 =	sld [smem:$0x3FD9]  }
0x89: {  	s3 =	sld [smem:$0x3FFE];
	_ =	sdelay $0x1  }
0x8a: {  	s1 =	srdreg.scid  }
0x8b: {  	s0 =	sand.u32 $0x1, s1  }
0x8c: {  	s17 =	sshll.u32 s0, $0xA;
	s2 =	sadd.s32 s3, s2  }
0x8d: {  	s2 =	sadd.s32 s2, s17  }
0x8e: {  	[smem:$0x3FC5] =	sst s2  }
0x8f: {  	_ = 	snop  }
0x90: {  	s2 =	sld [smem:$0x3FD0];
	(tm) =	ssettm $0x1  }
0x91: {  	s18 =	sld [smem:$0x3FFB];
	_ =	sdelay $0x3  }
0x92: {  	_ =	strace s18  }
0x93: {  	s3 =	sld [smem:$0x3FFC];
	_ =	sdelay $0x3  }
0x94: {  	_ =	strace s3  }
0x95: {  	s3 =	sld [smem:$0x3FFD];
	_ =	sdelay $0x3  }
0x96: {  	_ =	strace s3  }
0x97: {  	_ =	strace $0x8FFFFFFF  }
0x98: {  	s19 =	sld [smem:$0x3FDB];
	_ =	sdelay $0x1  }
0x99: {  	s4 =	simm.s32 $_scs_section_size  }
0x9a: {  	s5 =	simm.s32 $_size__tile_overlayer_lowered;
	s6 =	simm.s32 $_tile_overlayer_lowered  }
0x9b: {  	s22 =	simm.s32 $0x1BFF;
	s21 =	sshll.u32 s6, $0x1;
	s3 =	sadd.s32 s4, s19  }
0x9c: {  	s7 =	simm.s32 $0x0;
	s20 =	sshll.u32 s5, $0x1;
	s5 =	sadd.s32 s21, s3  }
0x9d: {  	[timem:s7], [sflag:s22] =	dma.local [hbm:s5], s20  }
0x9e: {  	_ =	swait.ge [sflag:s22], s20  }
0x9f: {  	s4 =	ssub.s32 $0x0, s20;
	[sflag:s22] =	ssyncset.done $0x0  }
0xa0: {  	[sflag:s22] =	ssyncadd.s32 s4;
	_ =	sdelay $0x1  }
0xa1: {  	s23 =	simm.s32 $0x1B8B  }
0xa2: {  	_ =	swait.ge [sflag:s23], $0x1  }
0xa3: {  	[sflag:s23] =	ssyncset.done $0x0  }
0xa4: {  	s25 =	simm.s32 $0x1B8E;
	s24 =	sld [smem:$0x3FFE];
	[sflag:s23] =	ssyncadd.s32 $0xFFFFFFFF  }
0xa5: {  	s26 =	simm.s32 $execute0_lowered;
	[smem:$0x3FD2] =	sst s25  }
0xa6: {  	s5 =	sshll.u32 s26, $0x1;
	_ =	strace $0x80000049;
	[dreg:$0x1] =	wrdreg $0xFFFFFFFF  }
0xa7: {  	s28 =	simm.s32 $_size_execute0_lowered;
	s3 =	sadd.s32 s3, s5;
	[dreg:$0x0] =	wrdreg $0x0  }
0xa8: {  	s5 =	sshll.u32 s28, $0x1;
	[dreg:$0x2] =	wrdreg s3  }
0xa9: {  	[dreg:$0x3] =	wrdreg s5  }
0xaa: {  	[dreg:$0x4] =	wrdreg $0xC0  }
0xab: {  	_ =	task [dreg:s7], $0x5FFFF  }
0xac: {  	[dreg:$0x1] =	wrdreg $0xFFFFFFFF  }
0xad: {  	[dreg:$0x0] =	wrdreg $0x60  }
0xae: {  	[dreg:$0x2] =	wrdreg s24  }
0xaf: {  	[dreg:$0x3] =	wrdreg s2  }
0xb0: {  	[dreg:$0x4] =	wrdreg $0x9  }
0xb1: {  	_ =	task.clear_ibuf [dreg:s7], $0x5FFFF;
	_ =	strace $0x90000049  }
0xb2: {  	s29 =	simm.s32 $0x9;
	_ =	strace $0x8000004B  }
0xb3: {  	_ =	swait.ge [sflag:s29], $0x1  }
0xb4: {  	[sflag:s29] =	ssyncadd.s32 $0xFFFFFFFF  }
0xb5: {  	_ =	strace $0x9000004B  }
0xb6: {  	_ =	sfence  }
0xb7: {  	s30 =	sld [smem:$0x0];
	_ =	sdelay $0x2  }
0xb8: {  	s31 =	sshll.u32 s1, $0xD;
	s1 =	sshrl.u32 s1, $0x2  }
0xb9: {  	s3 =	sand.u32 $0x4000, s31;
	s1 =	sadd.s32 s1, s30  }
0xba: {  	s0 =	sor.u32 s3, s0;
	s1 =	sshll.u32 s1, $0x11  }
0xbb: {  	s0 =	sor.u32 s1, s0  }
0xbc: {  	s0 =	sadd.s32 $0x8F2B, s0  }
0xbd: {  	[sflag:s0] =	ssyncadd.remote.s32 $0x1  }
0xbe: {  	_ =	sfence.sel $0xFFFF  }
0xbf: {  	[dreg:$0x0] =	wrdreg $0xFFFFFFFF;
	(pc) =	sbr.abs _section_cstart, $3  }
0xc0: {  	[dreg:$0x1] =	wrdreg $0xFFFFFFFF  }
0xc1: {  	_ =	task.clear_ibuf [dreg:s7], $0x2FFFF;
	_ =	strace $0x9FFFFFFF  }
0xc2: {  	(tm) =	ssettm $0x7FFFFFFF  }
0xc3: {  	_ =	shalt  }
tec
execute0_lowered:
.L_overlay_start_1:
0x0: {  	(tag) =	ssettag $0x1  }
0x1: {  	s0 =	rddreg [dreg:$0x0];
	s2 =	simm.s32 $0x0  }
0x2: {  	[smem:$0x7FF] =	sst s2  }
0x3: {  	s1 =	rddreg [dreg:$0x1];
	v0 =	vimm.s32 $0x0;
	_ =	strace $0x8000004A  }
0x4: {  	(xrf1) =	vunique.msk.u32 $0xffff, v0;
	_ =	sdelay $0xd  }
0x5: {  	_, v0, _ =	vpop (xrf1)  }
0x6: {  	v0 =	vxor.u32 $0x80000000, v0  }
0x7: {  	(xrf0) =	vmin.scan.msk.u32 $0xffff, v0;
	_ =	sdelay $0x5  }
0x8: {  	v0, _, _ =	vpop (xrf0)  }
0x9: {  	(v2sf) =	vpush v0, $0xF;
	_ =	sdelay $0x7  }
0xa: {  	s3 =	srdreg.scid;
	s9 =	stileid.u32;
	s13 =	simm.s32 $0x20  }
0xb: {  	s14 =	simm.s32 $0x10000;
	s15 =	simm.s32 $0x1;
	s16 =	simm.s32 $0x2  }
0xc: {  	s18 =	simm.s32 $0x3;
	s19 =	simm.s32 $0x10100;
	s20 =	simm.s32 $0x0  }
0xd: {  	s4 =	sand.u32 $0x1, s3;
	s3 =	sadd.s32 $0x42E00, s0;
	s5 =	sadd.s32 $0x40E00, s0  }
0xe: {  	s6 =	sadd.s32 $0xF85200, s0;
	s9 =	sshll.u32 s9, $0x1;
	s31 =	sadd.s32 $0xF84E00, s0  }
.Ltmp0:
0xf: {  	s10 =	sadd.s32 $0xF82E00, s0;
	s7 =	ssub.s32 $0x2, s4;
	v0 =	vlaneseq.u32;
	(pc) =	sbr.rel .LBB2_1-.Ltmp0, $4  }
0x10: {  	s11 =	sadd.s32 $0x1EC5200, s0;
	[dreg:$0x3] =	wrdreg s31;
	s8 =	sshrl.u32 s7, $0x1;
	v1 =	vmul.u32 $0x800, v0  }
0x11: {  	s7 =	ssub.s32 s7, s8;
	s8 =	sor.u32 s4, s9;
	s30 =	spop (v2sf)  }
0x12: {  	s9 =	sadd.s32 $0x1EC7200, s0;
	s12 =	smax.u32 s7, $0x1;
	v3 =	vor.u32 $0x8000, v1;
	v4 =	vor.u32 $0x7A1, v1;
	v5 =	vor.u32 $0x87A1, v1;
	s17 =	sxor.u32 $0x80000000, s30  }
0x13: {  	p0 =	seq.s32 s8, $0x1;
	p1 =	sne.s32 s8, $0x0;
	v6 =	vor.u32 $0x7A0, v1;
	v7 =	vor.u32 $0x87A0, v1;
	v2 =	vmov s17;
	s17 =	simm.s32 $0x11100  }
.LBB2_87:
0x14: {  	[hbm4b:s9+s2] =	stream.linear.scatter [tilespmem:s2], [sflag:$0x3], $0x2000, $0x38;
	[tilespmem:$0x11180] =	vst v63  }
0x15: {  	_ =	swait.ge [sflag:s18], $0x2000  }
0x16: {  	[sflag:s18] =	ssyncset.done $0x0  }
0x17: {  	[sflag:s18] =	ssyncadd.s32 $0xFFFFE000  }
.LBB2_88:
0x18: {  	s20 =	sadd.s32 $0x1, s20  }
0x19: {  	p2 =	sne.s32 s20, s12  }
.Ltmp1:
0x1a: {  	_ = 	snop;
	(pc) =	sbr.rel @!p2 .LBB2_89-.Ltmp1, $1  }
0x1b: {  	_ =	sdelay $0x3  }
.LBB2_1:
.Ltmp2:
0x1c: {  	(pc) =	sbr.rel .LBB2_2-.Ltmp2, $2  }
0x1d: {  	_ =	sdelay $0x2  }
0x1e: {  	s21 =	simm.s32 $0x0  }
.LBB2_29:
0x1f: {  	s21 =	sadd.s32 $0x1, s21  }
0x20: {  	p2 =	sne.s32 s21, $0x3D  }
.Ltmp3:
0x21: {  	s0 =	sadd.s32 s6, s22;
	(pc) =	sbr.rel @!p2 .LBB2_30-.Ltmp3, $4  }
0x22: {  	[hbm4b:s0+s2] =	stream.linear.scatter [tilespmem:s2], [sflag:$0x3], $0x10000, $0x38;
	[tilespmem:$0x11180] =	vst v63  }
0x23: {  	_ =	swait.ge [sflag:s18], $0x10000  }
0x24: {  	[sflag:s18] =	ssyncset.done $0x0  }
0x25: {  	[sflag:s18] =	ssyncadd.s32 $0xFFFF0000  }
.LBB2_2:
0x26: {  	s0 =	sshll.u32 s21, $0x5  }
0x27: {  	s0 =	sor.u32 s8, s0  }
0x28: {  	v8 =	vor.u32 s0, v1  }
0x29: {  	[tilespmem:$0x10000] =	vst v8;
	v8 =	vor.u32 s0, v3  }
0x2a: {  	s4 =	simm.s32 $0x10080;
	[tilespmem:$0x10010] =	vst v8  }
0x2b: {  	[tilespmem:s4], [sflag:$0x1] =	stream.indirect.gather [hbm4b:s5+s13], $0x1, s14, s13, $0xb8;
	[tilespmem:$0x11180] =	vst v63  }
0x2c: {  	_ =	swait.ge [sflag:s15], $0x20  }
0x2d: {  	s22 =	sshll.u32 s0, $0xD;
	[sflag:s15] =	ssyncset.done $0x0  }
0x2e: {  	s7 =	simm.s32 $0x0;
	s0 =	sadd.s32 s3, s22;
	[sflag:s15] =	ssyncadd.s32 $0xFFFFFFE0  }
0x2f: {  	[tilespmem:s7], [sflag:$0x1] =	stream.linear.gather [hbm4b:s0+s7], $0x10000, $0x38;
	[tilespmem:$0x11180] =	vst v63  }
0x30: {  	v8 =	vld [tilespmem:s4+$0x0];
	_ =	sdelay $0x4  }
0x31: {  	(v2sf) =	vpush v8, $0x0;
	_ =	sdelay $0xe  }
0x32: {  	s31 =	spop (v2sf)  }
0x33: {  	s0 =	sshrl.u32 s31, $0xF  }
0x34: {  	s0 =	sadd.s32 $0x0, s0  }
0x35: {  	s0 =	sshrl.u32 s0, $0x3  }
0x36: {  	s23 =	simm.s32 $0x10100;
	s25 =	simm.s32 $0x10081;
	s0 =	sadd.s32 s1, s0  }
0x37: {  	[tilespmem:s23], [sflag:$0x2] =	stream.linear.gather [hbm4b:s0+s2], $0x80, $0x38;
	[tilespmem:$0x11180] =	vst v63  }
0x38: {  	s24 =	simm.s32 $0x14000;
	s26 =	simm.s32 $0x28000;
	v8 =	vld [tilespmem:s25+$0x0]  }
.LBB2_3:
0x39: {  	p2 =	sne.s32 s26, $0x26C000;
	_ =	sdelay $0x3  }
0x3a: {  	(v2sf) =	vpush v8, $0x0;
	_ =	sdelay $0xe  }
0x3b: {  	s0 =	spop (v2sf)  }
0x3c: {  	s0 =	sshrl.u32 s0, $0xF  }
.Ltmp4:
0x3d: {  	s0 =	sadd.s32 s0, s24;
	s24 =	smov.u32 s26;
	(pc) =	sbr.rel @p2 .LBB2_3-.Ltmp4, $4  }
0x3e: {  	s0 =	sshrl.u32 s0, $0x3  }
0x3f: {  	s25 =	sadd.s32 $0x1, s25;
	s23 =	sadd.s32 $0x80, s23;
	s0 =	sadd.s32 s1, s0  }
0x40: {  	[tilespmem:s23], [sflag:$0x2] =	stream.linear.gather [hbm4b:s0+s2], $0x80, $0x38;
	[tilespmem:$0x11180] =	vst v63  }
0x41: {  	s26 =	sadd.s32 $0x14000, s26;
	v8 =	vld [tilespmem:s25+$0x0]  }
0x42: {  	_ =	sdelay $0x3  }
0x43: {  	(v2sf) =	vpush v8, $0x0;
	_ =	sdelay $0xe  }
0x44: {  	s0 =	spop (v2sf)  }
0x45: {  	s0 =	sshrl.u32 s0, $0xF  }
0x46: {  	s0 =	sadd.s32 s0, s24  }
0x47: {  	s0 =	sshrl.u32 s0, $0x3  }
0x48: {  	s4 =	sadd.s32 $0x80, s23;
	s0 =	sadd.s32 s1, s0  }
0x49: {  	[tilespmem:s4], [sflag:$0x2] =	stream.linear.gather [hbm4b:s0+s2], $0x80, $0x38;
	[tilespmem:$0x11180] =	vst v63  }
0x4a: {  	_ =	swait.ge [sflag:s16], $0x1000  }
.Ltmp5:
0x4b: {  	[sflag:s16] =	ssyncset.done $0x0;
	(pc) =	sbr.rel .LBB2_5-.Ltmp5, $4  }
0x4c: {  	[sflag:s16] =	ssyncadd.s32 $0xFFFFF000  }
0x4d: {  	_ =	swait.ge [sflag:s15], $0x10000  }
0x4e: {  	[sflag:s15] =	ssyncset.done $0x0  }
0x4f: {  	s23 =	simm.s32 $0x0;
	[sflag:s15] =	ssyncadd.s32 $0xFFFF0000  }
.LBB2_28:
0x50: {  	s23 =	sadd.s32 $0x1, s23  }
0x51: {  	p2 =	sne.s32 s23, $0x20  }
.Ltmp6:
0x52: {  	_ = 	snop;
	(pc) =	sbr.rel @!p2 .LBB2_29-.Ltmp6, $1  }
0x53: {  	_ =	sdelay $0x3  }
.LBB2_5:
0x54: {  	v8 =	vld [tilespmem:s23+$0x10080];
	_ =	sdelay $0x4  }
0x55: {  	(v2sf) =	vpush v8, $0x0;
	_ =	sdelay $0xe  }
0x56: {  	s25 =	spop (v2sf)  }
0x57: {  	s24 =	sand.u32 $0xFFFF, s25  }
0x58: {  	s0 =	smin.u32 s24, $0x40  }
0x59: {  	s4 =	sadd.s32 $0xF, s0  }
0x5a: {  	s26 =	sshrl.u32 s4, $0x4  }
0x5b: {  	p2 =	seq.s32 s26, $0x0  }
.Ltmp7:
0x5c: {  	_ = 	snop;
	(pc) =	sbr.rel @p2 .LBB2_15-.Ltmp7, $1  }
0x5d: {  	_ =	sdelay $0x3  }
.Ltmp8:
0x5e: {  	(pc) =	sbr.rel .LBB2_7-.Ltmp8, $3  }
0x5f: {  	_ =	sdelay $0x1  }
0x60: {  	s4 =	sshll.u32 s23, $0x7  }
0x61: {  	v8 =	vmov s0;
	s28 =	simm.s32 $0x0;
	s29 =	simm.s32 $0x0;
	v9 =	vmov s4  }
.LBB2_13:
0x62: {  	_ =	sdelay $0x4  }
0x63: {  	[tilespmem:v12+s2+$0x0] =	vst.idx.add.f32.msk vm0, v11  }
.LBB2_14:
0x64: {  	s29 =	sadd.s32 $0x1, s29  }
0x65: {  	p2 =	sne.s32 s29, s26  }
.Ltmp9:
0x66: {  	_ = 	snop;
	(pc) =	sbr.rel @!p2 .LBB2_15-.Ltmp9, $1  }
0x67: {  	_ =	sdelay $0x3  }
.LBB2_7:
0x68: {  	s0 =	sshll.u32 s29, $0x4  }
0x69: {  	v10 =	vor.u32 s0, v0  }
0x6a: {  	v11 =	vshll.u32 v10, $0x1  }
0x6b: {  	v12 =	vadd.s32 v9, v11  }
0x6c: {  	v11 =	vand.u32 $0x7E, v11;
	v12 =	vand.u32 $0xFFFFFF80, v12  }
0x6d: {  	v11 =	vor.u32 v11, v12;
	_ =	sdelay $0x4  }
0x6e: {  	v12 =	vld.idx.msk [tilespmem:v11+s19+$0x0], $0xffff;
	_ =	sdelay $0x3  }
0x6f: {  	vm0 =	vlt.s32 v10, v8  }
0x70: {  	(xrf1) =	vunique.msk.u32 vm0, v12;
	_ =	sdelay $0xd  }
0x71: {  	_, v10, _ =	vpop (xrf1)  }
0x72: {  	v10 =	vsub.s32 v10, v2  }
0x73: {  	v10 =	vnsel vm0, $0x0, v10  }
0x74: {  	v13 =	vxor.u32 $0x80000000, v10  }
0x75: {  	(xrf0) =	vmax.scan.msk.u32 $0xffff, v13;
	_ =	sdelay $0x5  }
0x76: {  	v13, _, _ =	vpop (xrf0)  }
0x77: {  	(v2sf) =	vpush v13, $0xF;
	_ =	sdelay $0xd  }
0x78: {  	v11 =	vor.u32 $0x1, v11  }
0x79: {  	s31 =	spop (v2sf)  }
0x7a: {  	s30 =	sxor.u32 $0x80000000, s31  }
0x7b: {  	v13 =	vshll.u32 v12, $0x1;
	p2 =	slt.s32 s30, $0x1  }
.Ltmp10:
0x7c: {  	v12 =	vand.u32 $0x3F, v12;
	v13 =	vand.u32 $0xFFFFFF80, v13;
	(pc) =	sbr.rel @p2 .LBB2_13-.Ltmp10, $1  }
0x7d: {  	v11 =	vld.idx.msk [tilespmem:v11+s19+$0x0], $0xffff;
	v12 =	vor.u32 v12, v13;
	_ =	sdelay $0x3  }
0x7e: {  	p3 =	slt.s32 s30, $0x1  }
.Ltmp11:
0x7f: {  	_ = 	snop;
	(pc) =	sbr.rel @p3 .LBB2_9-.Ltmp11, $2  }
0x80: {  	_ =	sdelay $0x2  }
0x81: {  	s4 =	simm.s32 $0x1;
	vm2 =	veq.s32 v10, s28;
	p2 =	por $0x0, $0x0  }
0x82: {  	p3 =	slt.s32 s30, $0x2  }
.Ltmp12:
0x83: {  	vm1 =	vmand vm0, vm2;
	(pc) =	sbr.rel @p3 .LBB2_12-.Ltmp12, $2  }
0x84: {  	_ =	sdelay $0x2  }
0x85: {  	s0 =	simm.s32 $0x2;
	vm2 =	veq.s32 v10, s4;
	p2 =	por $0x1, $0x1  }
.LBB2_11:
0x86: {  	s4 =	smov.u32 s0;
	s0 =	sadd.s32 $0x1, s0  }
0x87: {  	[tilespmem:v12+s2+$0x0] =	vst.idx.add.f32.msk vm1, v11;
	vm1 =	vmand vm0, vm2;
	p3 =	sgt.s32 s0, s30  }
.Ltmp13:
0x88: {  	(pc) =	sbr.rel @!p3 .LBB2_11-.Ltmp13, $2  }
0x89: {  	_ =	sdelay $0x2  }
0x8a: {  	vm2 =	veq.s32 v10, s4  }
.LBB2_12:
0x8b: {  	vm0 =	vmand vm0, vm2;
	_ =	sdelay $0x1  }
.Ltmp14:
0x8c: {  	_ = 	snop;
	(pc) =	sbr.rel .LBB2_14-.Ltmp14, $3  }
0x8d: {  	_ =	sdelay $0x1  }
0x8e: {  	[tilespmem:v12+s2+$0x0] =	vst.idx.add.f32.msk @p2 vm1, v11  }
0x8f: {  	[tilespmem:v12+s2+$0x0] =	vst.idx.add.f32.msk vm0, v11  }
.LBB2_9:
.Ltmp15:
0x90: {  	(pc) =	sbr.rel .LBB2_12-.Ltmp15, $2  }
0x91: {  	_ =	sdelay $0x2  }
0x92: {  	_ = 	snop  }
.LBB2_15:
0x93: {  	p2 =	slt.u32 s24, $0x41  }
.Ltmp16:
0x94: {  	_ = 	snop;
	(pc) =	sbr.rel @p2 .LBB2_28-.Ltmp16, $1  }
0x95: {  	_ =	sdelay $0x3  }
.Ltmp17:
0x96: {  	(pc) =	sbr.rel .LBB2_17-.Ltmp17, $4  }
0x97: {  	_ = 	snop  }
0x98: {  	s0 =	smul.u32 $0x14000, s23  }
0x99: {  	s4 =	sshrl.u32 s25, $0xF  }
0x9a: {  	s26 =	simm.s32 $0x40;
	s28 =	smov.u32 s24;
	s25 =	sadd.s32 s0, s4  }
.LBB2_27:
0x9b: {  	s26 =	sadd.s32 $0x40, s26  }
0x9c: {  	p2 =	slt.u32 s26, s24  }
.Ltmp18:
0x9d: {  	_ = 	snop;
	(pc) =	sbr.rel @!p2 .LBB2_28-.Ltmp18, $1  }
0x9e: {  	_ =	sdelay $0x3  }
.LBB2_17:
0x9f: {  	s0 =	sshll.u32 s26, $0x1  }
0xa0: {  	s0 =	sadd.s32 s0, s25  }
0xa1: {  	p2 =	seq.s32 s24, s26;
	s0 =	sshrl.u32 s0, $0x3  }
.Ltmp19:
0xa2: {  	s0 =	sadd.s32 s1, s0;
	(pc) =	sbr.rel @p2 .LBB2_27-.Ltmp19, $4  }
0xa3: {  	[tilespmem:s17], [sflag:$0x3] =	stream.linear.gather [hbm4b:s0+s2], $0x80, $0x38;
	[tilespmem:$0x11180] =	vst v63  }
0xa4: {  	_ =	swait.ge [sflag:s18], $0x80  }
0xa5: {  	[sflag:s18] =	ssyncset.done $0x0  }
0xa6: {  	s28 =	sadd.s32 $0xFFFFFFC0, s28;
	[sflag:s18] =	ssyncadd.s32 $0xFFFFFF80  }
.Ltmp20:
0xa7: {  	(pc) =	sbr.rel .LBB2_19-.Ltmp20, $4  }
0xa8: {  	p2 =	slt.s32 s28, $0x40;
	s0 =	smov.u32 s28  }
0xa9: {  	s4 =	ssub.s32 s24, s26;
	s0 =	simm.s32 @!p2 $0x40  }
0xaa: {  	s4 =	smin.u32 s4, $0x40;
	s0 =	sadd.s32 $0xF, s0  }
0xab: {  	s30 =	simm.s32 $0x0;
	s31 =	simm.s32 $0x0;
	v8 =	vmov s4;
	s29 =	sshrl.u32 s0, $0x4  }
.LBB2_25:
0xac: {  	_ =	sdelay $0x4  }
0xad: {  	[tilespmem:v11+s2+$0x0] =	vst.idx.add.f32.msk vm0, v10  }
.LBB2_26:
0xae: {  	s31 =	sadd.s32 $0x1, s31  }
0xaf: {  	p2 =	sne.s32 s31, s29  }
.Ltmp21:
0xb0: {  	_ = 	snop;
	(pc) =	sbr.rel @!p2 .LBB2_27-.Ltmp21, $1  }
0xb1: {  	_ =	sdelay $0x3  }
.LBB2_19:
0xb2: {  	s0 =	sshll.u32 s31, $0x4  }
0xb3: {  	v9 =	vor.u32 s0, v0  }
0xb4: {  	v10 =	vshll.u32 v9, $0x1;
	_ =	sdelay $0x4  }
0xb5: {  	v11 =	vld.idx.msk [tilespmem:v10+s17+$0x0], $0xffff;
	_ =	sdelay $0x3  }
0xb6: {  	vm0 =	vlt.s32 v9, v8  }
0xb7: {  	(xrf1) =	vunique.msk.u32 vm0, v11;
	_ =	sdelay $0xd  }
0xb8: {  	_, v9, _ =	vpop (xrf1)  }
0xb9: {  	v9 =	vsub.s32 v9, v2  }
0xba: {  	v9 =	vnsel vm0, $0x0, v9  }
0xbb: {  	v12 =	vxor.u32 $0x80000000, v9  }
0xbc: {  	(xrf0) =	vmax.scan.msk.u32 $0xffff, v12;
	_ =	sdelay $0x5  }
0xbd: {  	v12, _, _ =	vpop (xrf0)  }
0xbe: {  	(v2sf) =	vpush v12, $0xF;
	_ =	sdelay $0xd  }
0xbf: {  	v10 =	vor.u32 $0x1, v10  }
0xc0: {  	s7 =	spop (v2sf)  }
0xc1: {  	s0 =	sxor.u32 $0x80000000, s7  }
0xc2: {  	v63 =	vshll.u32 v11, $0x1;
	p2 =	slt.s32 s0, $0x1  }
.Ltmp22:
0xc3: {  	v11 =	vand.u32 $0x3F, v11;
	v12 =	vand.u32 $0xFFFFFF80, v63;
	(pc) =	sbr.rel @p2 .LBB2_25-.Ltmp22, $1  }
0xc4: {  	v10 =	vld.idx.msk [tilespmem:v10+s17+$0x0], $0xffff;
	v11 =	vor.u32 v11, v12;
	_ =	sdelay $0x3  }
0xc5: {  	p3 =	slt.s32 s0, $0x1  }
.Ltmp23:
0xc6: {  	_ = 	snop;
	(pc) =	sbr.rel @p3 .LBB2_21-.Ltmp23, $2  }
0xc7: {  	_ =	sdelay $0x2  }
0xc8: {  	s7 =	simm.s32 $0x1;
	vm2 =	veq.s32 v9, s30;
	p2 =	por $0x0, $0x0  }
0xc9: {  	p3 =	slt.s32 s0, $0x2  }
.Ltmp24:
0xca: {  	vm1 =	vmand vm0, vm2;
	(pc) =	sbr.rel @p3 .LBB2_24-.Ltmp24, $2  }
0xcb: {  	_ =	sdelay $0x2  }
0xcc: {  	s4 =	simm.s32 $0x2;
	vm2 =	veq.s32 v9, s7;
	p2 =	por $0x1, $0x1  }
.LBB2_23:
0xcd: {  	s7 =	smov.u32 s4;
	s4 =	sadd.s32 $0x1, s4  }
0xce: {  	[tilespmem:v11+s2+$0x0] =	vst.idx.add.f32.msk vm1, v10;
	vm1 =	vmand vm0, vm2;
	p3 =	sgt.s32 s4, s0  }
.Ltmp25:
0xcf: {  	(pc) =	sbr.rel @!p3 .LBB2_23-.Ltmp25, $2  }
0xd0: {  	_ =	sdelay $0x2  }
0xd1: {  	vm2 =	veq.s32 v9, s7  }
.LBB2_24:
0xd2: {  	vm0 =	vmand vm0, vm2;
	_ =	sdelay $0x1  }
.Ltmp26:
0xd3: {  	_ = 	snop;
	(pc) =	sbr.rel .LBB2_26-.Ltmp26, $3  }
0xd4: {  	_ =	sdelay $0x1  }
0xd5: {  	[tilespmem:v11+s2+$0x0] =	vst.idx.add.f32.msk @p2 vm1, v10  }
0xd6: {  	[tilespmem:v11+s2+$0x0] =	vst.idx.add.f32.msk vm0, v10  }
.LBB2_21:
.Ltmp27:
0xd7: {  	(pc) =	sbr.rel .LBB2_24-.Ltmp27, $2  }
0xd8: {  	_ =	sdelay $0x2  }
0xd9: {  	_ = 	snop  }
.LBB2_30:
.Ltmp28:
0xda: {  	(pc) =	sbr.rel @p0 .LBB2_60-.Ltmp28, $1  }
0xdb: {  	_ =	sdelay $0x3  }
.Ltmp29:
0xdc: {  	(pc) =	sbr.rel @p1 .LBB2_88-.Ltmp29, $1  }
0xdd: {  	_ =	sdelay $0x3  }
0xde: {  	[tilespmem:$0x10000] =	vst v6  }
0xdf: {  	[tilespmem:$0x10010] =	vst v7;
	s0 =	simm.s32 $0x10080  }
0xe0: {  	[tilespmem:s0], [sflag:$0x1] =	stream.indirect.gather [hbm4b:s5+s13], $0x1, s14, s13, $0xb8;
	[tilespmem:$0x11180] =	vst v63  }
0xe1: {  	_ =	swait.ge [sflag:s15], $0x20  }
0xe2: {  	[sflag:s15] =	ssyncset.done $0x0  }
0xe3: {  	s4 =	simm.s32 $0x0;
	[sflag:s15] =	ssyncadd.s32 $0xFFFFFFE0  }
0xe4: {  	[tilespmem:s4], [sflag:$0x1] =	stream.linear.gather [hbm4b:s10+s4], $0x10000, $0x38;
	[tilespmem:$0x11180] =	vst v63  }
0xe5: {  	v8 =	vld [tilespmem:s0+$0x0];
	_ =	sdelay $0x4  }
0xe6: {  	(v2sf) =	vpush v8, $0x0;
	_ =	sdelay $0xe  }
0xe7: {  	s31 =	spop (v2sf)  }
0xe8: {  	s0 =	sshrl.u32 s31, $0xF  }
0xe9: {  	s0 =	sadd.s32 $0x0, s0  }
0xea: {  	s0 =	sshrl.u32 s0, $0x3  }
0xeb: {  	s21 =	simm.s32 $0x10100;
	s23 =	simm.s32 $0x10081;
	s0 =	sadd.s32 s1, s0  }
0xec: {  	[tilespmem:s21], [sflag:$0x2] =	stream.linear.gather [hbm4b:s0+s2], $0x80, $0x38;
	[tilespmem:$0x11180] =	vst v63  }
0xed: {  	s22 =	simm.s32 $0x14000;
	s24 =	simm.s32 $0x28000;
	v8 =	vld [tilespmem:s23+$0x0]  }
.LBB2_33:
0xee: {  	p2 =	sne.s32 s24, $0x26C000;
	_ =	sdelay $0x3  }
0xef: {  	(v2sf) =	vpush v8, $0x0;
	_ =	sdelay $0xe  }
0xf0: {  	s0 =	spop (v2sf)  }
0xf1: {  	s0 =	sshrl.u32 s0, $0xF  }
.Ltmp30:
0xf2: {  	s0 =	sadd.s32 s0, s22;
	s22 =	smov.u32 s24;
	(pc) =	sbr.rel @p2 .LBB2_33-.Ltmp30, $4  }
0xf3: {  	s0 =	sshrl.u32 s0, $0x3  }
0xf4: {  	s23 =	sadd.s32 $0x1, s23;
	s21 =	sadd.s32 $0x80, s21;
	s0 =	sadd.s32 s1, s0  }
0xf5: {  	[tilespmem:s21], [sflag:$0x2] =	stream.linear.gather [hbm4b:s0+s2], $0x80, $0x38;
	[tilespmem:$0x11180] =	vst v63  }
0xf6: {  	s24 =	sadd.s32 $0x14000, s24;
	v8 =	vld [tilespmem:s23+$0x0]  }
0xf7: {  	_ =	sdelay $0x3  }
0xf8: {  	(v2sf) =	vpush v8, $0x0;
	_ =	sdelay $0xe  }
0xf9: {  	s0 =	spop (v2sf)  }
0xfa: {  	s0 =	sshrl.u32 s0, $0xF  }
0xfb: {  	s0 =	sadd.s32 s0, s22  }
0xfc: {  	s0 =	sshrl.u32 s0, $0x3  }
0xfd: {  	s4 =	sadd.s32 $0x80, s21;
	s0 =	sadd.s32 s1, s0  }
0xfe: {  	[tilespmem:s4], [sflag:$0x2] =	stream.linear.gather [hbm4b:s0+s2], $0x80, $0x38;
	[tilespmem:$0x11180] =	vst v63  }
0xff: {  	_ =	swait.ge [sflag:s16], $0x1000  }
.Ltmp31:
0x100: {  	[sflag:s16] =	ssyncset.done $0x0;
	(pc) =	sbr.rel .LBB2_35-.Ltmp31, $4  }
0x101: {  	[sflag:s16] =	ssyncadd.s32 $0xFFFFF000  }
0x102: {  	_ =	swait.ge [sflag:s15], $0x10000  }
0x103: {  	[sflag:s15] =	ssyncset.done $0x0  }
0x104: {  	s21 =	simm.s32 $0x0;
	[sflag:s15] =	ssyncadd.s32 $0xFFFF0000  }
.LBB2_58:
0x105: {  	s21 =	sadd.s32 $0x1, s21  }
0x106: {  	p2 =	sne.s32 s21, $0x20  }
.Ltmp32:
0x107: {  	_ = 	snop;
	(pc) =	sbr.rel @!p2 .LBB2_59-.Ltmp32, $1  }
0x108: {  	_ =	sdelay $0x3  }
.LBB2_35:
0x109: {  	v8 =	vld [tilespmem:s21+$0x10080];
	_ =	sdelay $0x4  }
0x10a: {  	(v2sf) =	vpush v8, $0x0;
	_ =	sdelay $0xe  }
0x10b: {  	s23 =	spop (v2sf)  }
0x10c: {  	s22 =	sand.u32 $0xFFFF, s23  }
0x10d: {  	s0 =	smin.u32 s22, $0x40  }
0x10e: {  	s4 =	sadd.s32 $0xF, s0  }
0x10f: {  	s24 =	sshrl.u32 s4, $0x4  }
0x110: {  	p2 =	seq.s32 s24, $0x0  }
.Ltmp33:
0x111: {  	_ = 	snop;
	(pc) =	sbr.rel @p2 .LBB2_45-.Ltmp33, $1  }
0x112: {  	_ =	sdelay $0x3  }
.Ltmp34:
0x113: {  	(pc) =	sbr.rel .LBB2_37-.Ltmp34, $3  }
0x114: {  	_ =	sdelay $0x1  }
0x115: {  	s4 =	sshll.u32 s21, $0x7  }
0x116: {  	v8 =	vmov s0;
	s25 =	simm.s32 $0x0;
	s26 =	simm.s32 $0x0;
	v9 =	vmov s4  }
.LBB2_43:
0x117: {  	_ =	sdelay $0x4  }
0x118: {  	[tilespmem:v12+s2+$0x0] =	vst.idx.add.f32.msk vm0, v11  }
.LBB2_44:
0x119: {  	s26 =	sadd.s32 $0x1, s26  }
0x11a: {  	p2 =	sne.s32 s26, s24  }
.Ltmp35:
0x11b: {  	_ = 	snop;
	(pc) =	sbr.rel @!p2 .LBB2_45-.Ltmp35, $1  }
0x11c: {  	_ =	sdelay $0x3  }
.LBB2_37:
0x11d: {  	s0 =	sshll.u32 s26, $0x4  }
0x11e: {  	v10 =	vor.u32 s0, v0  }
0x11f: {  	v11 =	vshll.u32 v10, $0x1  }
0x120: {  	v12 =	vadd.s32 v9, v11  }
0x121: {  	v11 =	vand.u32 $0x7E, v11;
	v12 =	vand.u32 $0xFFFFFF80, v12  }
0x122: {  	v11 =	vor.u32 v11, v12;
	_ =	sdelay $0x4  }
0x123: {  	v12 =	vld.idx.msk [tilespmem:v11+s19+$0x0], $0xffff;
	_ =	sdelay $0x3  }
0x124: {  	vm0 =	vlt.s32 v10, v8  }
0x125: {  	(xrf1) =	vunique.msk.u32 vm0, v12;
	_ =	sdelay $0xd  }
0x126: {  	_, v10, _ =	vpop (xrf1)  }
0x127: {  	v10 =	vsub.s32 v10, v2  }
0x128: {  	v10 =	vnsel vm0, $0x0, v10  }
0x129: {  	v13 =	vxor.u32 $0x80000000, v10  }
0x12a: {  	(xrf0) =	vmax.scan.msk.u32 $0xffff, v13;
	_ =	sdelay $0x5  }
0x12b: {  	v13, _, _ =	vpop (xrf0)  }
0x12c: {  	(v2sf) =	vpush v13, $0xF;
	_ =	sdelay $0xd  }
0x12d: {  	v11 =	vor.u32 $0x1, v11  }
0x12e: {  	s31 =	spop (v2sf)  }
0x12f: {  	s0 =	sxor.u32 $0x80000000, s31  }
0x130: {  	v13 =	vshll.u32 v12, $0x1;
	p2 =	slt.s32 s0, $0x1  }
.Ltmp36:
0x131: {  	v12 =	vand.u32 $0x3F, v12;
	v13 =	vand.u32 $0xFFFFFF80, v13;
	(pc) =	sbr.rel @p2 .LBB2_43-.Ltmp36, $1  }
0x132: {  	v11 =	vld.idx.msk [tilespmem:v11+s19+$0x0], $0xffff;
	v12 =	vor.u32 v12, v13;
	_ =	sdelay $0x3  }
0x133: {  	p3 =	slt.s32 s0, $0x1  }
.Ltmp37:
0x134: {  	_ = 	snop;
	(pc) =	sbr.rel @p3 .LBB2_39-.Ltmp37, $2  }
0x135: {  	_ =	sdelay $0x2  }
0x136: {  	s7 =	simm.s32 $0x1;
	vm2 =	veq.s32 v10, s25;
	p2 =	por $0x0, $0x0  }
0x137: {  	p3 =	slt.s32 s0, $0x2  }
.Ltmp38:
0x138: {  	vm1 =	vmand vm0, vm2;
	(pc) =	sbr.rel @p3 .LBB2_42-.Ltmp38, $2  }
0x139: {  	_ =	sdelay $0x2  }
0x13a: {  	s4 =	simm.s32 $0x2;
	vm2 =	veq.s32 v10, s7;
	p2 =	por $0x1, $0x1  }
.LBB2_41:
0x13b: {  	s7 =	smov.u32 s4;
	s4 =	sadd.s32 $0x1, s4  }
0x13c: {  	[tilespmem:v12+s2+$0x0] =	vst.idx.add.f32.msk vm1, v11;
	vm1 =	vmand vm0, vm2;
	p3 =	sgt.s32 s4, s0  }
.Ltmp39:
0x13d: {  	(pc) =	sbr.rel @!p3 .LBB2_41-.Ltmp39, $2  }
0x13e: {  	_ =	sdelay $0x2  }
0x13f: {  	vm2 =	veq.s32 v10, s7  }
.LBB2_42:
0x140: {  	vm0 =	vmand vm0, vm2;
	_ =	sdelay $0x1  }
.Ltmp40:
0x141: {  	_ = 	snop;
	(pc) =	sbr.rel .LBB2_44-.Ltmp40, $3  }
0x142: {  	_ =	sdelay $0x1  }
0x143: {  	[tilespmem:v12+s2+$0x0] =	vst.idx.add.f32.msk @p2 vm1, v11  }
0x144: {  	[tilespmem:v12+s2+$0x0] =	vst.idx.add.f32.msk vm0, v11  }
.LBB2_39:
.Ltmp41:
0x145: {  	(pc) =	sbr.rel .LBB2_42-.Ltmp41, $2  }
0x146: {  	_ =	sdelay $0x2  }
0x147: {  	_ = 	snop  }
.LBB2_45:
0x148: {  	p2 =	slt.u32 s22, $0x41  }
.Ltmp42:
0x149: {  	_ = 	snop;
	(pc) =	sbr.rel @p2 .LBB2_58-.Ltmp42, $1  }
0x14a: {  	_ =	sdelay $0x3  }
.Ltmp43:
0x14b: {  	(pc) =	sbr.rel .LBB2_47-.Ltmp43, $4  }
0x14c: {  	_ = 	snop  }
0x14d: {  	s0 =	smul.u32 $0x14000, s21  }
0x14e: {  	s4 =	sshrl.u32 s23, $0xF  }
0x14f: {  	s24 =	simm.s32 $0x40;
	s25 =	smov.u32 s22;
	s23 =	sadd.s32 s0, s4  }
.LBB2_57:
0x150: {  	s24 =	sadd.s32 $0x40, s24  }
0x151: {  	p2 =	slt.u32 s24, s22  }
.Ltmp44:
0x152: {  	_ = 	snop;
	(pc) =	sbr.rel @!p2 .LBB2_58-.Ltmp44, $1  }
0x153: {  	_ =	sdelay $0x3  }
.LBB2_47:
0x154: {  	s0 =	sshll.u32 s24, $0x1  }
0x155: {  	s0 =	sadd.s32 s0, s23  }
0x156: {  	p2 =	seq.s32 s22, s24;
	s0 =	sshrl.u32 s0, $0x3  }
.Ltmp45:
0x157: {  	s0 =	sadd.s32 s1, s0;
	(pc) =	sbr.rel @p2 .LBB2_57-.Ltmp45, $4  }
0x158: {  	[tilespmem:s17], [sflag:$0x3] =	stream.linear.gather [hbm4b:s0+s2], $0x80, $0x38;
	[tilespmem:$0x11180] =	vst v63  }
0x159: {  	_ =	swait.ge [sflag:s18], $0x80  }
0x15a: {  	[sflag:s18] =	ssyncset.done $0x0  }
0x15b: {  	s25 =	sadd.s32 $0xFFFFFFC0, s25;
	[sflag:s18] =	ssyncadd.s32 $0xFFFFFF80  }
.Ltmp46:
0x15c: {  	(pc) =	sbr.rel .LBB2_49-.Ltmp46, $4  }
0x15d: {  	p2 =	slt.s32 s25, $0x40;
	s0 =	smov.u32 s25  }
0x15e: {  	s4 =	ssub.s32 s22, s24;
	s0 =	simm.s32 @!p2 $0x40  }
0x15f: {  	s4 =	smin.u32 s4, $0x40;
	s0 =	sadd.s32 $0xF, s0  }
0x160: {  	s28 =	simm.s32 $0x0;
	s29 =	simm.s32 $0x0;
	v8 =	vmov s4;
	s26 =	sshrl.u32 s0, $0x4  }
.LBB2_55:
0x161: {  	_ =	sdelay $0x4  }
0x162: {  	[tilespmem:v11+s2+$0x0] =	vst.idx.add.f32.msk vm0, v10  }
.LBB2_56:
0x163: {  	s29 =	sadd.s32 $0x1, s29  }
0x164: {  	p2 =	sne.s32 s29, s26  }
.Ltmp47:
0x165: {  	_ = 	snop;
	(pc) =	sbr.rel @!p2 .LBB2_57-.Ltmp47, $1  }
0x166: {  	_ =	sdelay $0x3  }
.LBB2_49:
0x167: {  	s0 =	sshll.u32 s29, $0x4  }
0x168: {  	v9 =	vor.u32 s0, v0  }
0x169: {  	v10 =	vshll.u32 v9, $0x1;
	_ =	sdelay $0x4  }
0x16a: {  	v11 =	vld.idx.msk [tilespmem:v10+s17+$0x0], $0xffff;
	_ =	sdelay $0x3  }
0x16b: {  	vm0 =	vlt.s32 v9, v8  }
0x16c: {  	(xrf1) =	vunique.msk.u32 vm0, v11;
	_ =	sdelay $0xd  }
0x16d: {  	_, v9, _ =	vpop (xrf1)  }
0x16e: {  	v9 =	vsub.s32 v9, v2  }
0x16f: {  	v9 =	vnsel vm0, $0x0, v9  }
0x170: {  	v12 =	vxor.u32 $0x80000000, v9  }
0x171: {  	(xrf0) =	vmax.scan.msk.u32 $0xffff, v12;
	_ =	sdelay $0x5  }
0x172: {  	v12, _, _ =	vpop (xrf0)  }
0x173: {  	(v2sf) =	vpush v12, $0xF;
	_ =	sdelay $0xd  }
0x174: {  	v10 =	vor.u32 $0x1, v10  }
0x175: {  	s31 =	spop (v2sf)  }
0x176: {  	s0 =	sxor.u32 $0x80000000, s31  }
0x177: {  	v63 =	vshll.u32 v11, $0x1;
	p2 =	slt.s32 s0, $0x1  }
.Ltmp48:
0x178: {  	v11 =	vand.u32 $0x3F, v11;
	v12 =	vand.u32 $0xFFFFFF80, v63;
	(pc) =	sbr.rel @p2 .LBB2_55-.Ltmp48, $1  }
0x179: {  	v10 =	vld.idx.msk [tilespmem:v10+s17+$0x0], $0xffff;
	v11 =	vor.u32 v11, v12;
	_ =	sdelay $0x3  }
0x17a: {  	p3 =	slt.s32 s0, $0x1  }
.Ltmp49:
0x17b: {  	_ = 	snop;
	(pc) =	sbr.rel @p3 .LBB2_51-.Ltmp49, $2  }
0x17c: {  	_ =	sdelay $0x2  }
0x17d: {  	s7 =	simm.s32 $0x1;
	vm2 =	veq.s32 v9, s28;
	p2 =	por $0x0, $0x0  }
0x17e: {  	p3 =	slt.s32 s0, $0x2  }
.Ltmp50:
0x17f: {  	vm1 =	vmand vm0, vm2;
	(pc) =	sbr.rel @p3 .LBB2_54-.Ltmp50, $2  }
0x180: {  	_ =	sdelay $0x2  }
0x181: {  	s4 =	simm.s32 $0x2;
	vm2 =	veq.s32 v9, s7;
	p2 =	por $0x1, $0x1  }
.LBB2_53:
0x182: {  	s7 =	smov.u32 s4;
	s4 =	sadd.s32 $0x1, s4  }
0x183: {  	[tilespmem:v11+s2+$0x0] =	vst.idx.add.f32.msk vm1, v10;
	vm1 =	vmand vm0, vm2;
	p3 =	sgt.s32 s4, s0  }
.Ltmp51:
0x184: {  	(pc) =	sbr.rel @!p3 .LBB2_53-.Ltmp51, $2  }
0x185: {  	_ =	sdelay $0x2  }
0x186: {  	vm2 =	veq.s32 v9, s7  }
.LBB2_54:
0x187: {  	vm0 =	vmand vm0, vm2;
	_ =	sdelay $0x1  }
.Ltmp52:
0x188: {  	_ = 	snop;
	(pc) =	sbr.rel .LBB2_56-.Ltmp52, $3  }
0x189: {  	_ =	sdelay $0x1  }
0x18a: {  	[tilespmem:v11+s2+$0x0] =	vst.idx.add.f32.msk @p2 vm1, v10  }
0x18b: {  	[tilespmem:v11+s2+$0x0] =	vst.idx.add.f32.msk vm0, v10  }
.LBB2_51:
.Ltmp53:
0x18c: {  	(pc) =	sbr.rel .LBB2_54-.Ltmp53, $2  }
0x18d: {  	_ =	sdelay $0x2  }
0x18e: {  	_ = 	snop  }
.LBB2_60:
0x18f: {  	[tilespmem:$0x10000] =	vst v4  }
0x190: {  	[tilespmem:$0x10010] =	vst v5;
	s0 =	simm.s32 $0x10080  }
0x191: {  	[tilespmem:s0], [sflag:$0x1] =	stream.indirect.gather [hbm4b:s5+s13], $0x1, s14, s13, $0xb8;
	[tilespmem:$0x11180] =	vst v63  }
0x192: {  	_ =	swait.ge [sflag:s15], $0x20  }
0x193: {  	[sflag:s15] =	ssyncset.done $0x0  }
0x194: {  	s4 =	simm.s32 $0x0;
	s7 =	rddreg [dreg:$0x3];
	[sflag:s15] =	ssyncadd.s32 $0xFFFFFFE0  }
0x195: {  	[tilespmem:s4], [sflag:$0x1] =	stream.linear.gather [hbm4b:s7+s4], $0x2000, $0x38;
	[tilespmem:$0x11180] =	vst v63  }
0x196: {  	v8 =	vld [tilespmem:s0+$0x0];
	_ =	sdelay $0x4  }
0x197: {  	(v2sf) =	vpush v8, $0x0;
	_ =	sdelay $0xe  }
0x198: {  	s31 =	spop (v2sf)  }
0x199: {  	s0 =	sshrl.u32 s31, $0xF  }
0x19a: {  	s0 =	sadd.s32 $0x0, s0  }
0x19b: {  	s0 =	sshrl.u32 s0, $0x3  }
0x19c: {  	s21 =	simm.s32 $0x10100;
	s23 =	simm.s32 $0x10081;
	s0 =	sadd.s32 s1, s0  }
0x19d: {  	[tilespmem:s21], [sflag:$0x2] =	stream.linear.gather [hbm4b:s0+s2], $0x80, $0x38;
	[tilespmem:$0x11180] =	vst v63  }
0x19e: {  	s22 =	simm.s32 $0x14000;
	s24 =	simm.s32 $0x28000;
	v8 =	vld [tilespmem:s23+$0x0]  }
.LBB2_61:
0x19f: {  	p2 =	sne.s32 s24, $0x26C000;
	_ =	sdelay $0x3  }
0x1a0: {  	(v2sf) =	vpush v8, $0x0;
	_ =	sdelay $0xe  }
0x1a1: {  	s0 =	spop (v2sf)  }
0x1a2: {  	s0 =	sshrl.u32 s0, $0xF  }
.Ltmp54:
0x1a3: {  	s0 =	sadd.s32 s0, s22;
	s22 =	smov.u32 s24;
	(pc) =	sbr.rel @p2 .LBB2_61-.Ltmp54, $4  }
0x1a4: {  	s0 =	sshrl.u32 s0, $0x3  }
0x1a5: {  	s23 =	sadd.s32 $0x1, s23;
	s21 =	sadd.s32 $0x80, s21;
	s0 =	sadd.s32 s1, s0  }
0x1a6: {  	[tilespmem:s21], [sflag:$0x2] =	stream.linear.gather [hbm4b:s0+s2], $0x80, $0x38;
	[tilespmem:$0x11180] =	vst v63  }
0x1a7: {  	s24 =	sadd.s32 $0x14000, s24;
	v8 =	vld [tilespmem:s23+$0x0]  }
0x1a8: {  	_ =	sdelay $0x3  }
0x1a9: {  	(v2sf) =	vpush v8, $0x0;
	_ =	sdelay $0xe  }
0x1aa: {  	s0 =	spop (v2sf)  }
0x1ab: {  	s0 =	sshrl.u32 s0, $0xF  }
0x1ac: {  	s0 =	sadd.s32 s0, s22  }
0x1ad: {  	s0 =	sshrl.u32 s0, $0x3  }
0x1ae: {  	s4 =	sadd.s32 $0x80, s21;
	s0 =	sadd.s32 s1, s0  }
0x1af: {  	[tilespmem:s4], [sflag:$0x2] =	stream.linear.gather [hbm4b:s0+s2], $0x80, $0x38;
	[tilespmem:$0x11180] =	vst v63  }
0x1b0: {  	_ =	swait.ge [sflag:s16], $0x1000  }
.Ltmp55:
0x1b1: {  	[sflag:s16] =	ssyncset.done $0x0;
	(pc) =	sbr.rel .LBB2_63-.Ltmp55, $4  }
0x1b2: {  	[sflag:s16] =	ssyncadd.s32 $0xFFFFF000  }
0x1b3: {  	_ =	swait.ge [sflag:s15], $0x2000  }
0x1b4: {  	[sflag:s15] =	ssyncset.done $0x0  }
0x1b5: {  	s21 =	simm.s32 $0x0;
	[sflag:s15] =	ssyncadd.s32 $0xFFFFE000  }
.LBB2_86:
0x1b6: {  	s21 =	sadd.s32 $0x1, s21  }
0x1b7: {  	p2 =	sne.s32 s21, $0x20  }
.Ltmp56:
0x1b8: {  	_ = 	snop;
	(pc) =	sbr.rel @!p2 .LBB2_87-.Ltmp56, $1  }
0x1b9: {  	_ =	sdelay $0x3  }
.LBB2_63:
0x1ba: {  	v8 =	vld [tilespmem:s21+$0x10080];
	_ =	sdelay $0x4  }
0x1bb: {  	(v2sf) =	vpush v8, $0x0;
	_ =	sdelay $0xe  }
0x1bc: {  	s23 =	spop (v2sf)  }
0x1bd: {  	s22 =	sand.u32 $0xFFFF, s23  }
0x1be: {  	s0 =	smin.u32 s22, $0x40  }
0x1bf: {  	s4 =	sadd.s32 $0xF, s0  }
0x1c0: {  	s24 =	sshrl.u32 s4, $0x4  }
0x1c1: {  	p2 =	seq.s32 s24, $0x0  }
.Ltmp57:
0x1c2: {  	_ = 	snop;
	(pc) =	sbr.rel @p2 .LBB2_73-.Ltmp57, $1  }
0x1c3: {  	_ =	sdelay $0x3  }
.Ltmp58:
0x1c4: {  	(pc) =	sbr.rel .LBB2_65-.Ltmp58, $3  }
0x1c5: {  	_ =	sdelay $0x1  }
0x1c6: {  	s4 =	sshll.u32 s21, $0x7  }
0x1c7: {  	v8 =	vmov s0;
	s25 =	simm.s32 $0x0;
	s26 =	simm.s32 $0x0;
	v9 =	vmov s4  }
.LBB2_71:
0x1c8: {  	_ =	sdelay $0x4  }
0x1c9: {  	[tilespmem:v12+s2+$0x0] =	vst.idx.add.f32.msk vm0, v11  }
.LBB2_72:
0x1ca: {  	s26 =	sadd.s32 $0x1, s26  }
0x1cb: {  	p2 =	sne.s32 s26, s24  }
.Ltmp59:
0x1cc: {  	_ = 	snop;
	(pc) =	sbr.rel @!p2 .LBB2_73-.Ltmp59, $1  }
0x1cd: {  	_ =	sdelay $0x3  }
.LBB2_65:
0x1ce: {  	s0 =	sshll.u32 s26, $0x4  }
0x1cf: {  	v10 =	vor.u32 s0, v0  }
0x1d0: {  	v11 =	vshll.u32 v10, $0x1  }
0x1d1: {  	v12 =	vadd.s32 v9, v11  }
0x1d2: {  	v11 =	vand.u32 $0x7E, v11;
	v12 =	vand.u32 $0xFFFFFF80, v12  }
0x1d3: {  	v11 =	vor.u32 v11, v12;
	_ =	sdelay $0x4  }
0x1d4: {  	v12 =	vld.idx.msk [tilespmem:v11+s19+$0x0], $0xffff;
	_ =	sdelay $0x3  }
0x1d5: {  	vm0 =	vlt.s32 v10, v8  }
0x1d6: {  	(xrf1) =	vunique.msk.u32 vm0, v12;
	_ =	sdelay $0xd  }
0x1d7: {  	_, v10, _ =	vpop (xrf1)  }
0x1d8: {  	v10 =	vsub.s32 v10, v2  }
0x1d9: {  	v10 =	vnsel vm0, $0x0, v10  }
0x1da: {  	v13 =	vxor.u32 $0x80000000, v10  }
0x1db: {  	(xrf0) =	vmax.scan.msk.u32 $0xffff, v13;
	_ =	sdelay $0x5  }
0x1dc: {  	v13, _, _ =	vpop (xrf0)  }
0x1dd: {  	(v2sf) =	vpush v13, $0xF;
	_ =	sdelay $0xd  }
0x1de: {  	v11 =	vor.u32 $0x1, v11  }
0x1df: {  	s31 =	spop (v2sf)  }
0x1e0: {  	s0 =	sxor.u32 $0x80000000, s31  }
0x1e1: {  	v13 =	vshll.u32 v12, $0x1;
	p2 =	slt.s32 s0, $0x1  }
.Ltmp60:
0x1e2: {  	v12 =	vand.u32 $0x3F, v12;
	v13 =	vand.u32 $0xFFFFFF80, v13;
	(pc) =	sbr.rel @p2 .LBB2_71-.Ltmp60, $1  }
0x1e3: {  	v11 =	vld.idx.msk [tilespmem:v11+s19+$0x0], $0xffff;
	v12 =	vor.u32 v12, v13;
	_ =	sdelay $0x3  }
0x1e4: {  	p3 =	slt.s32 s0, $0x1  }
.Ltmp61:
0x1e5: {  	_ = 	snop;
	(pc) =	sbr.rel @p3 .LBB2_67-.Ltmp61, $2  }
0x1e6: {  	_ =	sdelay $0x2  }
0x1e7: {  	s7 =	simm.s32 $0x1;
	vm2 =	veq.s32 v10, s25;
	p2 =	por $0x0, $0x0  }
0x1e8: {  	p3 =	slt.s32 s0, $0x2  }
.Ltmp62:
0x1e9: {  	vm1 =	vmand vm0, vm2;
	(pc) =	sbr.rel @p3 .LBB2_70-.Ltmp62, $2  }
0x1ea: {  	_ =	sdelay $0x2  }
0x1eb: {  	s4 =	simm.s32 $0x2;
	vm2 =	veq.s32 v10, s7;
	p2 =	por $0x1, $0x1  }
.LBB2_69:
0x1ec: {  	s7 =	smov.u32 s4;
	s4 =	sadd.s32 $0x1, s4  }
0x1ed: {  	[tilespmem:v12+s2+$0x0] =	vst.idx.add.f32.msk vm1, v11;
	vm1 =	vmand vm0, vm2;
	p3 =	sgt.s32 s4, s0  }
.Ltmp63:
0x1ee: {  	(pc) =	sbr.rel @!p3 .LBB2_69-.Ltmp63, $2  }
0x1ef: {  	_ =	sdelay $0x2  }
0x1f0: {  	vm2 =	veq.s32 v10, s7  }
.LBB2_70:
0x1f1: {  	vm0 =	vmand vm0, vm2;
	_ =	sdelay $0x1  }
.Ltmp64:
0x1f2: {  	_ = 	snop;
	(pc) =	sbr.rel .LBB2_72-.Ltmp64, $3  }
0x1f3: {  	_ =	sdelay $0x1  }
0x1f4: {  	[tilespmem:v12+s2+$0x0] =	vst.idx.add.f32.msk @p2 vm1, v11  }
0x1f5: {  	[tilespmem:v12+s2+$0x0] =	vst.idx.add.f32.msk vm0, v11  }
.LBB2_67:
.Ltmp65:
0x1f6: {  	(pc) =	sbr.rel .LBB2_70-.Ltmp65, $2  }
0x1f7: {  	_ =	sdelay $0x2  }
0x1f8: {  	_ = 	snop  }
.LBB2_73:
0x1f9: {  	p2 =	slt.u32 s22, $0x41  }
.Ltmp66:
0x1fa: {  	_ = 	snop;
	(pc) =	sbr.rel @p2 .LBB2_86-.Ltmp66, $1  }
0x1fb: {  	_ =	sdelay $0x3  }
.Ltmp67:
0x1fc: {  	(pc) =	sbr.rel .LBB2_75-.Ltmp67, $4  }
0x1fd: {  	_ = 	snop  }
0x1fe: {  	s0 =	smul.u32 $0x14000, s21  }
0x1ff: {  	s4 =	sshrl.u32 s23, $0xF  }
0x200: {  	s24 =	simm.s32 $0x40;
	s25 =	smov.u32 s22;
	s23 =	sadd.s32 s0, s4  }
.LBB2_85:
0x201: {  	s24 =	sadd.s32 $0x40, s24  }
0x202: {  	p2 =	slt.u32 s24, s22  }
.Ltmp68:
0x203: {  	_ = 	snop;
	(pc) =	sbr.rel @!p2 .LBB2_86-.Ltmp68, $1  }
0x204: {  	_ =	sdelay $0x3  }
.LBB2_75:
0x205: {  	s0 =	sshll.u32 s24, $0x1  }
0x206: {  	s0 =	sadd.s32 s0, s23  }
0x207: {  	p2 =	seq.s32 s22, s24;
	s0 =	sshrl.u32 s0, $0x3  }
.Ltmp69:
0x208: {  	s0 =	sadd.s32 s1, s0;
	(pc) =	sbr.rel @p2 .LBB2_85-.Ltmp69, $4  }
0x209: {  	[tilespmem:s17], [sflag:$0x3] =	stream.linear.gather [hbm4b:s0+s2], $0x80, $0x38;
	[tilespmem:$0x11180] =	vst v63  }
0x20a: {  	_ =	swait.ge [sflag:s18], $0x80  }
0x20b: {  	[sflag:s18] =	ssyncset.done $0x0  }
0x20c: {  	s25 =	sadd.s32 $0xFFFFFFC0, s25;
	[sflag:s18] =	ssyncadd.s32 $0xFFFFFF80  }
.Ltmp70:
0x20d: {  	(pc) =	sbr.rel .LBB2_77-.Ltmp70, $4  }
0x20e: {  	p2 =	slt.s32 s25, $0x40;
	s0 =	smov.u32 s25  }
0x20f: {  	s4 =	ssub.s32 s22, s24;
	s0 =	simm.s32 @!p2 $0x40  }
0x210: {  	s4 =	smin.u32 s4, $0x40;
	s0 =	sadd.s32 $0xF, s0  }
0x211: {  	s28 =	simm.s32 $0x0;
	s29 =	simm.s32 $0x0;
	v8 =	vmov s4;
	s26 =	sshrl.u32 s0, $0x4  }
.LBB2_83:
0x212: {  	_ =	sdelay $0x4  }
0x213: {  	[tilespmem:v11+s2+$0x0] =	vst.idx.add.f32.msk vm0, v10  }
.LBB2_84:
0x214: {  	s29 =	sadd.s32 $0x1, s29  }
0x215: {  	p2 =	sne.s32 s29, s26  }
.Ltmp71:
0x216: {  	_ = 	snop;
	(pc) =	sbr.rel @!p2 .LBB2_85-.Ltmp71, $1  }
0x217: {  	_ =	sdelay $0x3  }
.LBB2_77:
0x218: {  	s0 =	sshll.u32 s29, $0x4  }
0x219: {  	v9 =	vor.u32 s0, v0  }
0x21a: {  	v10 =	vshll.u32 v9, $0x1;
	_ =	sdelay $0x4  }
0x21b: {  	v11 =	vld.idx.msk [tilespmem:v10+s17+$0x0], $0xffff;
	_ =	sdelay $0x3  }
0x21c: {  	vm0 =	vlt.s32 v9, v8  }
0x21d: {  	(xrf1) =	vunique.msk.u32 vm0, v11;
	_ =	sdelay $0xd  }
0x21e: {  	_, v9, _ =	vpop (xrf1)  }
0x21f: {  	v9 =	vsub.s32 v9, v2  }
0x220: {  	v9 =	vnsel vm0, $0x0, v9  }
0x221: {  	v12 =	vxor.u32 $0x80000000, v9  }
0x222: {  	(xrf0) =	vmax.scan.msk.u32 $0xffff, v12;
	_ =	sdelay $0x5  }
0x223: {  	v12, _, _ =	vpop (xrf0)  }
0x224: {  	(v2sf) =	vpush v12, $0xF;
	_ =	sdelay $0xd  }
0x225: {  	v10 =	vor.u32 $0x1, v10  }
0x226: {  	s31 =	spop (v2sf)  }
0x227: {  	s0 =	sxor.u32 $0x80000000, s31  }
0x228: {  	v63 =	vshll.u32 v11, $0x1;
	p2 =	slt.s32 s0, $0x1  }
.Ltmp72:
0x229: {  	v11 =	vand.u32 $0x3F, v11;
	v12 =	vand.u32 $0xFFFFFF80, v63;
	(pc) =	sbr.rel @p2 .LBB2_83-.Ltmp72, $1  }
0x22a: {  	v10 =	vld.idx.msk [tilespmem:v10+s17+$0x0], $0xffff;
	v11 =	vor.u32 v11, v12;
	_ =	sdelay $0x3  }
0x22b: {  	p3 =	slt.s32 s0, $0x1  }
.Ltmp73:
0x22c: {  	_ = 	snop;
	(pc) =	sbr.rel @p3 .LBB2_79-.Ltmp73, $2  }
0x22d: {  	_ =	sdelay $0x2  }
0x22e: {  	s7 =	simm.s32 $0x1;
	vm2 =	veq.s32 v9, s28;
	p2 =	por $0x0, $0x0  }
0x22f: {  	p3 =	slt.s32 s0, $0x2  }
.Ltmp74:
0x230: {  	vm1 =	vmand vm0, vm2;
	(pc) =	sbr.rel @p3 .LBB2_82-.Ltmp74, $2  }
0x231: {  	_ =	sdelay $0x2  }
0x232: {  	s4 =	simm.s32 $0x2;
	vm2 =	veq.s32 v9, s7;
	p2 =	por $0x1, $0x1  }
.LBB2_81:
0x233: {  	s7 =	smov.u32 s4;
	s4 =	sadd.s32 $0x1, s4  }
0x234: {  	[tilespmem:v11+s2+$0x0] =	vst.idx.add.f32.msk vm1, v10;
	vm1 =	vmand vm0, vm2;
	p3 =	sgt.s32 s4, s0  }
.Ltmp75:
0x235: {  	(pc) =	sbr.rel @!p3 .LBB2_81-.Ltmp75, $2  }
0x236: {  	_ =	sdelay $0x2  }
0x237: {  	vm2 =	veq.s32 v9, s7  }
.LBB2_82:
0x238: {  	vm0 =	vmand vm0, vm2;
	_ =	sdelay $0x1  }
.Ltmp76:
0x239: {  	_ = 	snop;
	(pc) =	sbr.rel .LBB2_84-.Ltmp76, $3  }
0x23a: {  	_ =	sdelay $0x1  }
0x23b: {  	[tilespmem:v11+s2+$0x0] =	vst.idx.add.f32.msk @p2 vm1, v10  }
0x23c: {  	[tilespmem:v11+s2+$0x0] =	vst.idx.add.f32.msk vm0, v10  }
.LBB2_79:
.Ltmp77:
0x23d: {  	(pc) =	sbr.rel .LBB2_82-.Ltmp77, $2  }
0x23e: {  	_ =	sdelay $0x2  }
0x23f: {  	_ = 	snop  }
.LBB2_59:
.Ltmp78:
0x240: {  	(pc) =	sbr.rel .LBB2_88-.Ltmp78, $4  }
0x241: {  	[hbm4b:s11+s2] =	stream.linear.scatter [tilespmem:s2], [sflag:$0x3], $0x10000, $0x38;
	[tilespmem:$0x11180] =	vst v63  }
0x242: {  	_ =	swait.ge [sflag:s18], $0x10000  }
0x243: {  	[sflag:s18] =	ssyncset.done $0x0  }
0x244: {  	[sflag:s18] =	ssyncadd.s32 $0xFFFF0000  }
.LBB2_89:
0x245: {  	_ =	sfence.sel $0x180000  }
0x246: {  	[bflag:$0x0] =	sbarrier.arrive $0xFFFF  }
0x247: {  	_ =	strace $0x9000004A  }
0x248: {  	s0 =	stileid.u32;
	[bflag:$0x2] =	sbarrier.arrive $0xFFFF  }
0x249: {  	p0 =	sne.s32 s0, $0x0;
	s0 =	rddreg [dreg:$0x2]  }
0x24a: {  	s0 =	sadd.s32 @!p0 $0x100000, s0  }
0x24b: {  	[sflag:s0] =	ssyncadd.tile.s32 @!p0 $0x1;
	_ =	shalt  }
.Lfunc_end2:
_tile_overlayer_lowered:
.L_overlay_start_2:
0x24c: {  	(tag) =	ssettag $0x2  }
0x24d: {  	s0 =	rddreg [dreg:$0x0];
	s2 =	stileid.u32  }
0x24e: {  	s1 =	rddreg [dreg:$0x1];
	p0 =	sne.s32 s2, $0x0  }
0x24f: {  	s3 =	rddreg [dreg:$0x2];
	[bflag:$0x3] =	sbarrier.arrive $0xFFFF;
	s2 =	simm.s32 @!p0 $0x1C03  }
0x250: {  	[timem:s3], [sflag:s2] =	dma.local @!p0 [hbm:s0], s1  }
0x251: {  	s0 =	simm.s32 @!p0 $0x3  }
0x252: {  	_ =	swait.ge @!p0 [sflag:s0], s1  }
0x253: {  	s1 =	ssub.s32 @!p0 $0x0, s1;
	[sflag:s0] =	ssyncset.done @!p0 $0x0  }
0x254: {  	[sflag:s0] =	ssyncadd.s32 @!p0 s1  }
0x255: {  	[bflag:$0x3] =	sbarrier.arrive $0xFFFF  }
0x256: {  	_ =	shalt  }

</sc_bundles>
